<compile_context>
chip_gen: v7x
topology: tpu7x:2x2x1
jax: 0.10.2.dev20260603
libtpu: 0.0.44.dev20260713+nightly
codegen_flags: <defaults>
</compile_context>

<pallas_src>
import functools

import jax
import jax.numpy as jnp
from jax import lax
from jax.experimental import pallas as pl
from jax.experimental.pallas import tpu as pltpu
from jax.experimental.pallas import tpu_sc as plsc

N = 50000
D = 64
E = 800000
QD = 16

NC, NS = 2, 16
NW = NC * NS
NPAD = 50176
Q8 = NPAD // 8
Q16 = NPAD // 16
ZR = NPAD // NS
EPAD = 819200
ER = EPAD // 128
RT = ER // NW
CR = 8
NCHUNK = RT // CR
EPG = EPAD // NS
CB = 1600
NPAIR = EPG // (2 * CB)
DEGW = 8

_sc_params = pltpu.CompilerParams(use_tc_tiling_on_sc=False)


def _sc_agg_body(hq, srcb, dst1, zeros, aggq, *rest):
    idx_s = rest[0:2]
    idx_d = rest[2:4]
    rows = rest[4:6]
    semg = rest[6:8]
    sems = rest[8:10]
    acc = rest[10]
    c = lax.axis_index("c")
    s = lax.axis_index("s")
    z0 = s * ZR
    base_e = s * EPG

    def drain(b):
        pltpu.make_async_copy(rows[b], acc.at[idx_d[b]], sems[b]).wait()

    for p in range(2):
        q = c * 2 + p
        pltpu.sync_copy(zeros, acc.at[pl.ds(z0, ZR)])
        plsc.subcore_barrier()

        def pair(i2, carry):
            gcps = []
            for b in range(2):
                e0 = base_e + (i2 * 2 + b) * CB

                @pl.when(i2 > 0)
                def _():
                    drain(b)

                pltpu.sync_copy(srcb.at[pl.ds(q * EPAD + e0, CB)], idx_s[b])
                pltpu.sync_copy(dst1.at[pl.ds(e0, CB)], idx_d[b])
                gcps.append(pltpu.async_copy(hq.at[idx_s[b]], rows[b], semg[b]))
            for b in range(2):
                gcps[b].wait()
                pltpu.async_copy(rows[b], acc.at[idx_d[b]], sems[b], add=True)
            return carry

        lax.fori_loop(0, NPAIR, pair, 0)
        for b in range(2):
            drain(b)
        plsc.subcore_barrier()
        pltpu.sync_copy(acc.at[pl.ds(z0, ZR)], aggq.at[pl.ds(q * NPAD + z0, ZR)])
        plsc.subcore_barrier()


def _sc_deg_body(dst2, onesd, zerosd, deg2, idx_d, ones_v, acc):
    c = lax.axis_index("c")
    s = lax.axis_index("s")
    wid = s * NC + c
    z0 = s * ZR
    pltpu.sync_copy(zerosd, acc.at[pl.ds(z0, ZR)])
    pltpu.sync_copy(onesd, ones_v)
    plsc.subcore_barrier()

    base = wid * RT

    def chunk(i, carry):
        r0 = base + i * CR
        pltpu.sync_copy(dst2.at[pl.ds(r0, CR)], idx_d)
        for j in range(CR):
            pltpu.sync_copy(ones_v, acc.at[idx_d.at[j]], add=True)
        return carry

    lax.fori_loop(0, NCHUNK, chunk, 0)
    plsc.subcore_barrier()
    pltpu.sync_copy(acc.at[pl.ds(z0, ZR)], deg2.at[pl.ds(c * NPAD + z0, ZR)])


@functools.cache
def _build_sc_kernels():
    mesh = plsc.VectorSubcoreMesh(
        core_axis_name="c", subcore_axis_name="s", num_cores=NC, num_subcores=NS
    )
    sc_agg = pl.kernel(
        _sc_agg_body,
        out_type=jax.ShapeDtypeStruct((4 * NPAD, QD), jnp.float32),
        mesh=mesh,
        compiler_params=_sc_params,
        scratch_types=[pltpu.VMEM((CB,), jnp.int32) for _ in range(2)]
        + [pltpu.VMEM((CB,), jnp.int32) for _ in range(2)]
        + [pltpu.VMEM((CB, QD), jnp.float32) for _ in range(2)]
        + [pltpu.SemaphoreType.DMA for _ in range(2)]
        + [pltpu.SemaphoreType.DMA for _ in range(2)]
        + [pltpu.VMEM_SHARED((NPAD, QD), jnp.float32)],
    )
    sc_deg = pl.kernel(
        _sc_deg_body,
        out_type=jax.ShapeDtypeStruct((2 * NPAD, DEGW), jnp.float32),
        mesh=mesh,
        compiler_params=_sc_params,
        scratch_types=[
            pltpu.VMEM((CR, 128), jnp.int32),
            pltpu.VMEM((128, DEGW), jnp.float32),
            pltpu.VMEM_SHARED((NPAD, DEGW), jnp.float32),
        ],
    )
    return sc_agg, sc_deg


B8 = 128
BD = B8 // 2
GRID = Q8 // B8


def _tc_body(h, a, d0, d1, ws, b8, pmat, smat, o_ref, *, last):
    f32 = jnp.float32
    d = d0[0] + d1[0]
    drep = jnp.dot(pmat[...], d, preferred_element_type=f32)
    rid = lax.broadcasted_iota(jnp.int32, (B8, 1), 0)
    dsel = jnp.where(
        rid % 2 == 0,
        jnp.dot(drep, smat[0], preferred_element_type=f32),
        jnp.dot(drep, smat[1], preferred_element_type=f32),
    )
    inv = 1.0 / jnp.maximum(dsel, 1.0)
    z = b8[...]
    for q in range(4):
        z = z + jnp.dot(h[q], ws[q], preferred_element_type=f32)
    for q in range(4):
        z = z + jnp.dot(a[q] * inv, ws[4 + q], preferred_element_type=f32)
    if last:
        parts = []
        for g in range(8):
            zg = z[:, 64 * g : 64 * g + 64]
            n2 = jnp.sum(zg * zg, axis=1, keepdims=True)
            nrm = jnp.maximum(jnp.sqrt(n2), 1e-12)
            parts.append(zg / nrm)
        o_ref[...] = jnp.concatenate(parts, axis=1)
    else:
        z = jnp.maximum(z, 0.0)
        for q in range(4):
            o_ref[q] = jnp.concatenate(
                [z[:, 64 * g + QD * q : 64 * g + QD * q + QD] for g in range(8)],
                axis=1,
            )


def _tc_layer(hT, aggT, degT, WS, b8, pmat, smat, last):
    out_shape = (
        jax.ShapeDtypeStruct((Q8, 8 * D), jnp.float32)
        if last
        else jax.ShapeDtypeStruct((4, Q8, 128), jnp.float32)
    )
    out_spec = (
        pl.BlockSpec((B8, 8 * D), lambda i: (i, 0))
        if last
        else pl.BlockSpec((4, B8, 128), lambda i: (0, i, 0))
    )
    return pl.pallas_call(
        functools.partial(_tc_body, last=last),
        grid=(GRID,),
        in_specs=[
            pl.BlockSpec((4, B8, 128), lambda i: (0, i, 0)),
            pl.BlockSpec((4, B8, 128), lambda i: (0, i, 0)),
            pl.BlockSpec((1, BD, 128), lambda i: (0, i, 0)),
            pl.BlockSpec((1, BD, 128), lambda i: (1, i, 0)),
            pl.BlockSpec((8, 2 * D, 8 * D), lambda i: (0, 0, 0)),
            pl.BlockSpec((1, 8 * D), lambda i: (0, 0)),
            pl.BlockSpec((B8, BD), lambda i: (0, 0)),
            pl.BlockSpec((2, 128, 128), lambda i: (0, 0, 0)),
        ],
        out_specs=out_spec,
        out_shape=out_shape,
    )(hT, aggT, degT, degT, WS, b8, pmat, smat)


def _block_diag8(w):
    z = jnp.zeros((QD, D), jnp.float32)
    rows = []
    for i in range(8):
        cols = [w if j == i else z for j in range(8)]
        rows.append(jnp.concatenate(cols, axis=1))
    return jnp.concatenate(rows, axis=0)


def _pack_weights(W, b):
    WS = jnp.stack(
        [_block_diag8(W[QD * k : QD * k + QD]) for k in range(8)]
    )
    b8 = jnp.tile(b.reshape(1, D), (1, 8))
    return WS, b8


def kernel(x, edge_index, W0, b0, W1, b1):
    src = edge_index[0]
    dst = edge_index[1]
    xp = jnp.pad(x, ((0, NPAD - N), (0, 0)))
    hT0 = jnp.stack(
        [xp[:, QD * q : QD * q + QD].reshape(Q8, 128) for q in range(4)]
    )

    src_p = jnp.concatenate([src, jnp.zeros((EPAD - E,), jnp.int32)])
    dst_p = jnp.concatenate([dst, jnp.full((EPAD - E,), N, jnp.int32)])
    srcb = jnp.concatenate([src_p + q * NPAD for q in range(4)])
    dst2 = dst_p.reshape(ER, 128)

    zeros = jnp.zeros((ZR, QD), jnp.float32)
    zerosd = jnp.zeros((ZR, DEGW), jnp.float32)
    onesd = jnp.ones((128, DEGW), jnp.float32)
    pmat = (
        jnp.arange(B8)[:, None] // 2 == jnp.arange(BD)[None, :]
    ).astype(jnp.float32)
    lane = jnp.arange(128)
    smat = jnp.stack(
        [
            (jnp.arange(128)[:, None] == 64 * m + 8 * (lane[None, :] // 16)).astype(
                jnp.float32
            )
            for m in range(2)
        ]
    )
    WS0, b80 = _pack_weights(W0, b0)
    WS1, b81 = _pack_weights(W1, b1)

    sc_agg, sc_deg = _build_sc_kernels()
    degT = sc_deg(dst2, onesd, zerosd).reshape(2, Q16, 128)

    agg0 = sc_agg(hT0.reshape(4 * NPAD, QD), srcb, dst_p, zeros)
    h1T = _tc_layer(
        hT0, agg0.reshape(4, Q8, 128), degT, WS0, b80, pmat, smat, False
    )

    agg1 = sc_agg(h1T.reshape(4 * NPAD, QD), srcb, dst_p, zeros)
    outp = _tc_layer(
        h1T, agg1.reshape(4, Q8, 128), degT, WS1, b81, pmat, smat, True
    )

    return outp.reshape(NPAD, D)[:N]

# --- scband reference (transcript-rebuilt; emitter-appended) ---
"""Pipeline reference for scband-text-sagedask-51565377356535 (READ-ONLY COPY).

The authoritative reference and input builder live on the scoring server;
editing this copy changes nothing except your own understanding.
"""

import jax, jax.numpy as jnp
import numpy as np

N = 50000  # n_user + m_item
D = 64     # latent_dim (recdim)
E = 800000 # directed edges (both directions of bipartite interactions)
NUM_LAYERS = 2

def setup_inputs(seed: int = 0) -> dict:
    key = jax.random.key(seed)
    ks = jax.random.split(key, 8)
    x = jax.random.normal(ks[0], (N, D), dtype=jnp.float32)
    edge_index = jax.random.randint(ks[1], (2, E), 0, N, dtype=jnp.int32)
    # learned parameters: w_linears[i]: Linear(2D -> D)
    W0 = jax.random.normal(ks[2], (2 * D, D), dtype=jnp.float32) * (1.0 / np.sqrt(2 * D))
    b0 = jnp.zeros((D,), dtype=jnp.float32)
    W1 = jax.random.normal(ks[3], (2 * D, D), dtype=jnp.float32) * (1.0 / np.sqrt(2 * D))
    b1 = jnp.zeros((D,), dtype=jnp.float32)
    return {"x": x, "edge_index": edge_index, "W0": W0, "b0": b0, "W1": W1, "b1": b1}

def reference(x, edge_index, W0, b0, W1, b1):
    # GraphSAGE-style message passing over the user-item bipartite graph:
    # per layer: mean-aggregate neighbor features (gather + scatter-add),
    # concat with self representation, linear transform, relu (except last),
    # final L2 row-normalization.
    src = edge_index[0]
    dst = edge_index[1]
    h = x
    layers = [(W0, b0, False), (W1, b1, True)]
    deg = jax.ops.segment_sum(jnp.ones((E,), dtype=jnp.float32), dst, num_segments=N)
    deg = jnp.maximum(deg, 1.0)[:, None]
    for (W, b, is_last) in layers:
        msgs = jnp.take(h, src, axis=0)              # gather [E, D]
        agg = jax.ops.segment_sum(msgs, dst, num_segments=N)  # scatter-add [N, D]
        agg = agg / deg                               # mean reduce
        h = jnp.concatenate([h, agg], axis=1) @ W + b
        if not is_last:
            h = jax.nn.relu(h)
    norm = jnp.maximum(jnp.linalg.norm(h, axis=1, keepdims=True), 1e-12)
    return h / norm

if __name__ == "__main__":
    import jax
    _d = setup_inputs()
    print(jax.jit(kernel)(*tuple(_d.values())))

</pallas_src>

<mosaic_0001>
#map = affine_map<(d0, d1) -> (0, 0)>
#map1 = affine_map<(d0, d1) -> (0)>
module attributes {stable_mosaic.version = 14 : i64} {
  func.func @_sc_agg_body(%arg0: i32, %arg1: i32, %arg2: memref<200704x16xf32, #tpu.memory_space<hbm>>, %arg3: memref<3276800xi32, #tpu.memory_space<hbm>>, %arg4: memref<819200xi32, #tpu.memory_space<hbm>>, %arg5: memref<3136x16xf32, #tpu.memory_space<hbm>>, %arg6: memref<200704x16xf32, #tpu.memory_space<hbm>>, %arg7: memref<1600xi32, #tpu.memory_space<vmem>>, %arg8: memref<1600xi32, #tpu.memory_space<vmem>>, %arg9: memref<1600xi32, #tpu.memory_space<vmem>>, %arg10: memref<1600xi32, #tpu.memory_space<vmem>>, %arg11: memref<1600x16xf32, #tpu.memory_space<vmem>>, %arg12: memref<1600x16xf32, #tpu.memory_space<vmem>>, %arg13: memref<!tpu.dma_semaphore, #tpu.memory_space<semaphore_mem>>, %arg14: memref<!tpu.dma_semaphore, #tpu.memory_space<semaphore_mem>>, %arg15: memref<!tpu.dma_semaphore, #tpu.memory_space<semaphore_mem>>, %arg16: memref<!tpu.dma_semaphore, #tpu.memory_space<semaphore_mem>>, %arg17: memref<50176x16xf32, #tpu.memory_space<vmem_shared>>) attributes {dimension_semantics = [#tpu.dimension_semantics<core_parallel>, #tpu.dimension_semantics<subcore_parallel>], iteration_bounds = array<i64: 2, 16>, scalar_prefetch = 0 : i64, scratch_operands = 11 : i64, tpu.core_type = #tpu.core_type<sc_vector_subcore>, window_params = [{transform_indices = #map}, {transform_indices = #map1}, {transform_indices = #map1}, {transform_indices = #map}, {transform_indices = #map}]} {
    %mul3A = arith.constant 3136 : i32
    %mul3A_0 = arith.muli %arg1, %mul3A : i32
    %mul3A_1 = arith.constant 51200 : i32
    %mul3A_2 = arith.muli %arg1, %mul3A_1 : i32
    %mul3A_3 = arith.constant 2 : i32
    %mul3A_4 = arith.muli %arg0, %mul3A_3 : i32
    %add3A = arith.constant 0 : i32
    %add3A_5 = arith.addi %mul3A_4, %add3A : i32
    "tpu.region"() ({
      %run_scoped3A = tpu.sem_alloc : memref<!tpu.dma_semaphore, #tpu.memory_space<semaphore_mem>>
      %dma_start3A = arith.constant 0 : i32
      %dma_start3A_43 = tpu.memref_slice %arg17[%mul3A_0, %dma_start3A] : memref<50176x16xf32, #tpu.memory_space<vmem_shared>> -> memref<3136x16xf32, #tpu.memory_space<vmem_shared>>
      tpu.enqueue_dma source(%arg5 : memref<3136x16xf32, #tpu.memory_space<hbm>>) target(%dma_start3A_43 : memref<3136x16xf32, #tpu.memory_space<vmem_shared>>) target_semaphore(%run_scoped3A : memref<!tpu.dma_semaphore, #tpu.memory_space<semaphore_mem>>)
      %dma_wait3A_44 = arith.constant 0 : i32
      %dma_wait3A_45 = tpu.memref_slice %arg17[%mul3A_0, %dma_wait3A_44] : memref<50176x16xf32, #tpu.memory_space<vmem_shared>> -> memref<3136x16xf32, #tpu.memory_space<vmem_shared>>
      tpu.wait_dma2 semaphore(%run_scoped3A : memref<!tpu.dma_semaphore, #tpu.memory_space<semaphore_mem>>) src(%arg5 : memref<3136x16xf32, #tpu.memory_space<hbm>>) dst(%dma_wait3A_45 : memref<3136x16xf32, #tpu.memory_space<vmem_shared>>)
      tpu.yield
    }) : () -> ()
    %barrier3A = arith.constant 0 : index
    tpu.barrier barrier_id(%barrier3A)
    %scan3A = arith.constant 0 : i32
    %scan3A_6 = arith.constant 0 : i32
    %scan3A_7 = arith.constant 16 : i32
    %scan3A_8 = arith.addi %scan3A_6, %scan3A_7 : i32
    %scan3A_9 = arith.constant 1 : i32
    scf.for %scan3A_43 = %scan3A_6 to %scan3A_8 step %scan3A_9  : i32 {
      %mul3A_44 = arith.constant 2 : i32
      %mul3A_45 = arith.muli %scan3A_43, %mul3A_44 : i32
      %add3A_46 = arith.constant 0 : i32
      %add3A_47 = arith.addi %mul3A_45, %add3A_46 : i32
      %mul3A_48 = arith.constant 1600 : i32
      %mul3A_49 = arith.muli %add3A_47, %mul3A_48 : i32
      %add3A_50 = arith.addi %mul3A_2, %mul3A_49 : i32
      %gt3A = arith.constant 0 : i32
      %gt3A_51 = arith.cmpi sgt, %scan3A_43, %gt3A : i32
      %convert_element_type3A = arith.extui %gt3A_51 : i1 to i32
      %cond3A = arith.constant 0 : i32
      %cond3A_52 = arith.cmpi ne, %convert_element_type3A, %cond3A : i32
      scf.if %cond3A_52 {
        %dma_wait3A_88 = arith.constant 0 : i32
        %dma_wait3A_89 = arith.constant 0 : i32
        %dma_wait3A_90 = tpu.memref_slice %arg17[%dma_wait3A_88, %dma_wait3A_89] : memref<50176x16xf32, #tpu.memory_space<vmem_shared>> -> memref<50176x16xf32, #tpu.memory_space<vmem_shared>>
        tpu.wait_indirect_dma semaphore(%arg15 : memref<!tpu.dma_semaphore, #tpu.memory_space<semaphore_mem>>) src(%arg11 : memref<1600x16xf32, #tpu.memory_space<vmem>>) dst(%dma_wait3A_90 : memref<50176x16xf32, #tpu.memory_space<vmem_shared>>)
      } else {
      }
      %mul3A_53 = arith.constant 819200 : i32
      %mul3A_54 = arith.muli %add3A_5, %mul3A_53 : i32
      %add3A_55 = arith.addi %mul3A_54, %add3A_50 : i32
      "tpu.region"() ({
        %run_scoped3A = tpu.sem_alloc : memref<!tpu.dma_semaphore, #tpu.memory_space<semaphore_mem>>
        %dma_start3A_88 = tpu.memref_slice %arg3[%add3A_55] : memref<3276800xi32, #tpu.memory_space<hbm>> -> memref<1600xi32, #tpu.memory_space<hbm>>
        %dma_start3A_89 = tpu.memref_slice %arg3[%add3A_55] : memref<3276800xi32, #tpu.memory_space<hbm>> -> memref<1600xi32, #tpu.memory_space<hbm>>
        tpu.enqueue_dma source(%dma_start3A_89 : memref<1600xi32, #tpu.memory_space<hbm>>) target(%arg7 : memref<1600xi32, #tpu.memory_space<vmem>>) target_semaphore(%run_scoped3A : memref<!tpu.dma_semaphore, #tpu.memory_space<semaphore_mem>>)
        %dma_wait3A_90 = tpu.memref_slice %arg3[%add3A_55] : memref<3276800xi32, #tpu.memory_space<hbm>> -> memref<1600xi32, #tpu.memory_space<hbm>>
        %dma_wait3A_91 = tpu.memref_slice %arg3[%add3A_55] : memref<3276800xi32, #tpu.memory_space<hbm>> -> memref<1600xi32, #tpu.memory_space<hbm>>
        tpu.wait_dma2 semaphore(%run_scoped3A : memref<!tpu.dma_semaphore, #tpu.memory_space<semaphore_mem>>) src(%dma_wait3A_91 : memref<1600xi32, #tpu.memory_space<hbm>>) dst(%arg7 : memref<1600xi32, #tpu.memory_space<vmem>>)
        tpu.yield
      }) : () -> ()
      "tpu.region"() ({
        %run_scoped3A = tpu.sem_alloc : memref<!tpu.dma_semaphore, #tpu.memory_space<semaphore_mem>>
        %dma_start3A_88 = tpu.memref_slice %arg4[%add3A_50] : memref<819200xi32, #tpu.memory_space<hbm>> -> memref<1600xi32, #tpu.memory_space<hbm>>
        %dma_start3A_89 = tpu.memref_slice %arg4[%add3A_50] : memref<819200xi32, #tpu.memory_space<hbm>> -> memref<1600xi32, #tpu.memory_space<hbm>>
        tpu.enqueue_dma source(%dma_start3A_89 : memref<1600xi32, #tpu.memory_space<hbm>>) target(%arg9 : memref<1600xi32, #tpu.memory_space<vmem>>) target_semaphore(%run_scoped3A : memref<!tpu.dma_semaphore, #tpu.memory_space<semaphore_mem>>)
        %dma_wait3A_90 = tpu.memref_slice %arg4[%add3A_50] : memref<819200xi32, #tpu.memory_space<hbm>> -> memref<1600xi32, #tpu.memory_space<hbm>>
        %dma_wait3A_91 = tpu.memref_slice %arg4[%add3A_50] : memref<819200xi32, #tpu.memory_space<hbm>> -> memref<1600xi32, #tpu.memory_space<hbm>>
        tpu.wait_dma2 semaphore(%run_scoped3A : memref<!tpu.dma_semaphore, #tpu.memory_space<semaphore_mem>>) src(%dma_wait3A_91 : memref<1600xi32, #tpu.memory_space<hbm>>) dst(%arg9 : memref<1600xi32, #tpu.memory_space<vmem>>)
        tpu.yield
      }) : () -> ()
      %dma_start3A = arith.constant 0 : i32
      %dma_start3A_56 = arith.constant 0 : i32
      %dma_start3A_57 = tpu.memref_slice %arg2[%dma_start3A, %dma_start3A_56] : memref<200704x16xf32, #tpu.memory_space<hbm>> -> memref<200704x16xf32, #tpu.memory_space<hbm>>
      tpu.enqueue_indirect_dma source(%dma_start3A_57 : memref<200704x16xf32, #tpu.memory_space<hbm>>) target(%arg11 : memref<1600x16xf32, #tpu.memory_space<vmem>>) offsets(%arg7 : memref<1600xi32, #tpu.memory_space<vmem>>) semaphore(%arg13 : memref<!tpu.dma_semaphore, #tpu.memory_space<semaphore_mem>>)
      %mul3A_58 = arith.constant 2 : i32
      %mul3A_59 = arith.muli %scan3A_43, %mul3A_58 : i32
      %add3A_60 = arith.constant 1 : i32
      %add3A_61 = arith.addi %mul3A_59, %add3A_60 : i32
      %mul3A_62 = arith.constant 1600 : i32
      %mul3A_63 = arith.muli %add3A_61, %mul3A_62 : i32
      %add3A_64 = arith.addi %mul3A_2, %mul3A_63 : i32
      %gt3A_65 = arith.constant 0 : i32
      %gt3A_66 = arith.cmpi sgt, %scan3A_43, %gt3A_65 : i32
      %convert_element_type3A_67 = arith.extui %gt3A_66 : i1 to i32
      %cond3A_68 = arith.constant 0 : i32
      %cond3A_69 = arith.cmpi ne, %convert_element_type3A_67, %cond3A_68 : i32
      scf.if %cond3A_69 {
        %dma_wait3A_88 = arith.constant 0 : i32
        %dma_wait3A_89 = arith.constant 0 : i32
        %dma_wait3A_90 = tpu.memref_slice %arg17[%dma_wait3A_88, %dma_wait3A_89] : memref<50176x16xf32, #tpu.memory_space<vmem_shared>> -> memref<50176x16xf32, #tpu.memory_space<vmem_shared>>
        tpu.wait_indirect_dma semaphore(%arg16 : memref<!tpu.dma_semaphore, #tpu.memory_space<semaphore_mem>>) src(%arg12 : memref<1600x16xf32, #tpu.memory_space<vmem>>) dst(%dma_wait3A_90 : memref<50176x16xf32, #tpu.memory_space<vmem_shared>>)
      } else {
      }
      %mul3A_70 = arith.constant 819200 : i32
      %mul3A_71 = arith.muli %add3A_5, %mul3A_70 : i32
      %add3A_72 = arith.addi %mul3A_71, %add3A_64 : i32
      "tpu.region"() ({
        %run_scoped3A = tpu.sem_alloc : memref<!tpu.dma_semaphore, #tpu.memory_space<semaphore_mem>>
        %dma_start3A_88 = tpu.memref_slice %arg3[%add3A_72] : memref<3276800xi32, #tpu.memory_space<hbm>> -> memref<1600xi32, #tpu.memory_space<hbm>>
        %dma_start3A_89 = tpu.memref_slice %arg3[%add3A_72] : memref<3276800xi32, #tpu.memory_space<hbm>> -> memref<1600xi32, #tpu.memory_space<hbm>>
        tpu.enqueue_dma source(%dma_start3A_89 : memref<1600xi32, #tpu.memory_space<hbm>>) target(%arg8 : memref<1600xi32, #tpu.memory_space<vmem>>) target_semaphore(%run_scoped3A : memref<!tpu.dma_semaphore, #tpu.memory_space<semaphore_mem>>)
        %dma_wait3A_90 = tpu.memref_slice %arg3[%add3A_72] : memref<3276800xi32, #tpu.memory_space<hbm>> -> memref<1600xi32, #tpu.memory_space<hbm>>
        %dma_wait3A_91 = tpu.memref_slice %arg3[%add3A_72] : memref<3276800xi32, #tpu.memory_space<hbm>> -> memref<1600xi32, #tpu.memory_space<hbm>>
        tpu.wait_dma2 semaphore(%run_scoped3A : memref<!tpu.dma_semaphore, #tpu.memory_space<semaphore_mem>>) src(%dma_wait3A_91 : memref<1600xi32, #tpu.memory_space<hbm>>) dst(%arg8 : memref<1600xi32, #tpu.memory_space<vmem>>)
        tpu.yield
      }) : () -> ()
      "tpu.region"() ({
        %run_scoped3A = tpu.sem_alloc : memref<!tpu.dma_semaphore, #tpu.memory_space<semaphore_mem>>
        %dma_start3A_88 = tpu.memref_slice %arg4[%add3A_64] : memref<819200xi32, #tpu.memory_space<hbm>> -> memref<1600xi32, #tpu.memory_space<hbm>>
        %dma_start3A_89 = tpu.memref_slice %arg4[%add3A_64] : memref<819200xi32, #tpu.memory_space<hbm>> -> memref<1600xi32, #tpu.memory_space<hbm>>
        tpu.enqueue_dma source(%dma_start3A_89 : memref<1600xi32, #tpu.memory_space<hbm>>) target(%arg10 : memref<1600xi32, #tpu.memory_space<vmem>>) target_semaphore(%run_scoped3A : memref<!tpu.dma_semaphore, #tpu.memory_space<semaphore_mem>>)
        %dma_wait3A_90 = tpu.memref_slice %arg4[%add3A_64] : memref<819200xi32, #tpu.memory_space<hbm>> -> memref<1600xi32, #tpu.memory_space<hbm>>
        %dma_wait3A_91 = tpu.memref_slice %arg4[%add3A_64] : memref<819200xi32, #tpu.memory_space<hbm>> -> memref<1600xi32, #tpu.memory_space<hbm>>
        tpu.wait_dma2 semaphore(%run_scoped3A : memref<!tpu.dma_semaphore, #tpu.memory_space<semaphore_mem>>) src(%dma_wait3A_91 : memref<1600xi32, #tpu.memory_space<hbm>>) dst(%arg10 : memref<1600xi32, #tpu.memory_space<vmem>>)
        tpu.yield
      }) : () -> ()
      %dma_start3A_73 = arith.constant 0 : i32
      %dma_start3A_74 = arith.constant 0 : i32
      %dma_start3A_75 = tpu.memref_slice %arg2[%dma_start3A_73, %dma_start3A_74] : memref<200704x16xf32, #tpu.memory_space<hbm>> -> memref<200704x16xf32, #tpu.memory_space<hbm>>
      tpu.enqueue_indirect_dma source(%dma_start3A_75 : memref<200704x16xf32, #tpu.memory_space<hbm>>) target(%arg12 : memref<1600x16xf32, #tpu.memory_space<vmem>>) offsets(%arg8 : memref<1600xi32, #tpu.memory_space<vmem>>) semaphore(%arg14 : memref<!tpu.dma_semaphore, #tpu.memory_space<semaphore_mem>>)
      %dma_wait3A_76 = arith.constant 0 : i32
      %dma_wait3A_77 = arith.constant 0 : i32
      %dma_wait3A_78 = tpu.memref_slice %arg2[%dma_wait3A_76, %dma_wait3A_77] : memref<200704x16xf32, #tpu.memory_space<hbm>> -> memref<200704x16xf32, #tpu.memory_space<hbm>>
      tpu.wait_indirect_dma semaphore(%arg13 : memref<!tpu.dma_semaphore, #tpu.memory_space<semaphore_mem>>) src(%dma_wait3A_78 : memref<200704x16xf32, #tpu.memory_space<hbm>>) dst(%arg11 : memref<1600x16xf32, #tpu.memory_space<vmem>>)
      %dma_start3A_79 = arith.constant 0 : i32
      %dma_start3A_80 = arith.constant 0 : i32
      %dma_start3A_81 = tpu.memref_slice %arg17[%dma_start3A_79, %dma_start3A_80] : memref<50176x16xf32, #tpu.memory_space<vmem_shared>> -> memref<50176x16xf32, #tpu.memory_space<vmem_shared>>
      tpu.enqueue_indirect_dma source(%arg11 : memref<1600x16xf32, #tpu.memory_space<vmem>>) target(%dma_start3A_81 : memref<50176x16xf32, #tpu.memory_space<vmem_shared>>) offsets(%arg9 : memref<1600xi32, #tpu.memory_space<vmem>>) semaphore(%arg15 : memref<!tpu.dma_semaphore, #tpu.memory_space<semaphore_mem>>) {add = true}
      %dma_wait3A_82 = arith.constant 0 : i32
      %dma_wait3A_83 = arith.constant 0 : i32
      %dma_wait3A_84 = tpu.memref_slice %arg2[%dma_wait3A_82, %dma_wait3A_83] : memref<200704x16xf32, #tpu.memory_space<hbm>> -> memref<200704x16xf32, #tpu.memory_space<hbm>>
      tpu.wait_indirect_dma semaphore(%arg14 : memref<!tpu.dma_semaphore, #tpu.memory_space<semaphore_mem>>) src(%dma_wait3A_84 : memref<200704x16xf32, #tpu.memory_space<hbm>>) dst(%arg12 : memref<1600x16xf32, #tpu.memory_space<vmem>>)
      %dma_start3A_85 = arith.constant 0 : i32
      %dma_start3A_86 = arith.constant 0 : i32
      %dma_start3A_87 = tpu.memref_slice %arg17[%dma_start3A_85, %dma_start3A_86] : memref<50176x16xf32, #tpu.memory_space<vmem_shared>> -> memref<50176x16xf32, #tpu.memory_space<vmem_shared>>
      tpu.enqueue_indirect_dma source(%arg12 : memref<1600x16xf32, #tpu.memory_space<vmem>>) target(%dma_start3A_87 : memref<50176x16xf32, #tpu.memory_space<vmem_shared>>) offsets(%arg10 : memref<1600xi32, #tpu.memory_space<vmem>>) semaphore(%arg16 : memref<!tpu.dma_semaphore, #tpu.memory_space<semaphore_mem>>) {add = true}
    }
    %scan3A_10 = arith.constant 16 : i32
    %dma_wait3A = arith.constant 0 : i32
    %dma_wait3A_11 = arith.constant 0 : i32
    %dma_wait3A_12 = tpu.memref_slice %arg17[%dma_wait3A, %dma_wait3A_11] : memref<50176x16xf32, #tpu.memory_space<vmem_shared>> -> memref<50176x16xf32, #tpu.memory_space<vmem_shared>>
    tpu.wait_indirect_dma semaphore(%arg15 : memref<!tpu.dma_semaphore, #tpu.memory_space<semaphore_mem>>) src(%arg11 : memref<1600x16xf32, #tpu.memory_space<vmem>>) dst(%dma_wait3A_12 : memref<50176x16xf32, #tpu.memory_space<vmem_shared>>)
    %dma_wait3A_13 = arith.constant 0 : i32
    %dma_wait3A_14 = arith.constant 0 : i32
    %dma_wait3A_15 = tpu.memref_slice %arg17[%dma_wait3A_13, %dma_wait3A_14] : memref<50176x16xf32, #tpu.memory_space<vmem_shared>> -> memref<50176x16xf32, #tpu.memory_space<vmem_shared>>
    tpu.wait_indirect_dma semaphore(%arg16 : memref<!tpu.dma_semaphore, #tpu.memory_space<semaphore_mem>>) src(%arg12 : memref<1600x16xf32, #tpu.memory_space<vmem>>) dst(%dma_wait3A_15 : memref<50176x16xf32, #tpu.memory_space<vmem_shared>>)
    %barrier3A_16 = arith.constant 0 : index
    tpu.barrier barrier_id(%barrier3A_16)
    %mul3A_17 = arith.constant 50176 : i32
    %mul3A_18 = arith.muli %add3A_5, %mul3A_17 : i32
    %add3A_19 = arith.addi %mul3A_18, %mul3A_0 : i32
    "tpu.region"() ({
      %run_scoped3A = tpu.sem_alloc : memref<!tpu.dma_semaphore, #tpu.memory_space<semaphore_mem>>
      %dma_start3A = arith.constant 0 : i32
      %dma_start3A_43 = tpu.memref_slice %arg6[%add3A_19, %dma_start3A] : memref<200704x16xf32, #tpu.memory_space<hbm>> -> memref<3136x16xf32, #tpu.memory_space<hbm>>
      %dma_start3A_44 = arith.constant 0 : i32
      %dma_start3A_45 = tpu.memref_slice %arg17[%mul3A_0, %dma_start3A_44] : memref<50176x16xf32, #tpu.memory_space<vmem_shared>> -> memref<3136x16xf32, #tpu.memory_space<vmem_shared>>
      tpu.enqueue_dma source(%dma_start3A_45 : memref<3136x16xf32, #tpu.memory_space<vmem_shared>>) target(%dma_start3A_43 : memref<3136x16xf32, #tpu.memory_space<hbm>>) target_semaphore(%run_scoped3A : memref<!tpu.dma_semaphore, #tpu.memory_space<semaphore_mem>>)
      %dma_wait3A_46 = arith.constant 0 : i32
      %dma_wait3A_47 = tpu.memref_slice %arg6[%add3A_19, %dma_wait3A_46] : memref<200704x16xf32, #tpu.memory_space<hbm>> -> memref<3136x16xf32, #tpu.memory_space<hbm>>
      %dma_wait3A_48 = arith.constant 0 : i32
      %dma_wait3A_49 = tpu.memref_slice %arg17[%mul3A_0, %dma_wait3A_48] : memref<50176x16xf32, #tpu.memory_space<vmem_shared>> -> memref<3136x16xf32, #tpu.memory_space<vmem_shared>>
      tpu.wait_dma2 semaphore(%run_scoped3A : memref<!tpu.dma_semaphore, #tpu.memory_space<semaphore_mem>>) src(%dma_wait3A_49 : memref<3136x16xf32, #tpu.memory_space<vmem_shared>>) dst(%dma_wait3A_47 : memref<3136x16xf32, #tpu.memory_space<hbm>>)
      tpu.yield
    }) : () -> ()
    %barrier3A_20 = arith.constant 0 : index
    tpu.barrier barrier_id(%barrier3A_20)
    %mul3A_21 = arith.constant 2 : i32
    %mul3A_22 = arith.muli %arg0, %mul3A_21 : i32
    %add3A_23 = arith.constant 1 : i32
    %add3A_24 = arith.addi %mul3A_22, %add3A_23 : i32
    "tpu.region"() ({
      %run_scoped3A = tpu.sem_alloc : memref<!tpu.dma_semaphore, #tpu.memory_space<semaphore_mem>>
      %dma_start3A = arith.constant 0 : i32
      %dma_start3A_43 = tpu.memref_slice %arg17[%mul3A_0, %dma_start3A] : memref<50176x16xf32, #tpu.memory_space<vmem_shared>> -> memref<3136x16xf32, #tpu.memory_space<vmem_shared>>
      tpu.enqueue_dma source(%arg5 : memref<3136x16xf32, #tpu.memory_space<hbm>>) target(%dma_start3A_43 : memref<3136x16xf32, #tpu.memory_space<vmem_shared>>) target_semaphore(%run_scoped3A : memref<!tpu.dma_semaphore, #tpu.memory_space<semaphore_mem>>)
      %dma_wait3A_44 = arith.constant 0 : i32
      %dma_wait3A_45 = tpu.memref_slice %arg17[%mul3A_0, %dma_wait3A_44] : memref<50176x16xf32, #tpu.memory_space<vmem_shared>> -> memref<3136x16xf32, #tpu.memory_space<vmem_shared>>
      tpu.wait_dma2 semaphore(%run_scoped3A : memref<!tpu.dma_semaphore, #tpu.memory_space<semaphore_mem>>) src(%arg5 : memref<3136x16xf32, #tpu.memory_space<hbm>>) dst(%dma_wait3A_45 : memref<3136x16xf32, #tpu.memory_space<vmem_shared>>)
      tpu.yield
    }) : () -> ()
    %barrier3A_25 = arith.constant 0 : index
    tpu.barrier barrier_id(%barrier3A_25)
    %scan3A_26 = arith.constant 0 : i32
    %scan3A_27 = arith.constant 0 : i32
    %scan3A_28 = arith.constant 16 : i32
    %scan3A_29 = arith.addi %scan3A_27, %scan3A_28 : i32
    %scan3A_30 = arith.constant 1 : i32
    scf.for %scan3A_43 = %scan3A_27 to %scan3A_29 step %scan3A_30  : i32 {
      %mul3A_44 = arith.constant 2 : i32
      %mul3A_45 = arith.muli %scan3A_43, %mul3A_44 : i32
      %add3A_46 = arith.constant 0 : i32
      %add3A_47 = arith.addi %mul3A_45, %add3A_46 : i32
      %mul3A_48 = arith.constant 1600 : i32
      %mul3A_49 = arith.muli %add3A_47, %mul3A_48 : i32
      %add3A_50 = arith.addi %mul3A_2, %mul3A_49 : i32
      %gt3A = arith.constant 0 : i32
      %gt3A_51 = arith.cmpi sgt, %scan3A_43, %gt3A : i32
      %convert_element_type3A = arith.extui %gt3A_51 : i1 to i32
      %cond3A = arith.constant 0 : i32
      %cond3A_52 = arith.cmpi ne, %convert_element_type3A, %cond3A : i32
      scf.if %cond3A_52 {
        %dma_wait3A_88 = arith.constant 0 : i32
        %dma_wait3A_89 = arith.constant 0 : i32
        %dma_wait3A_90 = tpu.memref_slice %arg17[%dma_wait3A_88, %dma_wait3A_89] : memref<50176x16xf32, #tpu.memory_space<vmem_shared>> -> memref<50176x16xf32, #tpu.memory_space<vmem_shared>>
        tpu.wait_indirect_dma semaphore(%arg15 : memref<!tpu.dma_semaphore, #tpu.memory_space<semaphore_mem>>) src(%arg11 : memref<1600x16xf32, #tpu.memory_space<vmem>>) dst(%dma_wait3A_90 : memref<50176x16xf32, #tpu.memory_space<vmem_shared>>)
      } else {
      }
      %mul3A_53 = arith.constant 819200 : i32
      %mul3A_54 = arith.muli %add3A_24, %mul3A_53 : i32
      %add3A_55 = arith.addi %mul3A_54, %add3A_50 : i32
      "tpu.region"() ({
        %run_scoped3A = tpu.sem_alloc : memref<!tpu.dma_semaphore, #tpu.memory_space<semaphore_mem>>
        %dma_start3A_88 = tpu.memref_slice %arg3[%add3A_55] : memref<3276800xi32, #tpu.memory_space<hbm>> -> memref<1600xi32, #tpu.memory_space<hbm>>
        %dma_start3A_89 = tpu.memref_slice %arg3[%add3A_55] : memref<3276800xi32, #tpu.memory_space<hbm>> -> memref<1600xi32, #tpu.memory_space<hbm>>
        tpu.enqueue_dma source(%dma_start3A_89 : memref<1600xi32, #tpu.memory_space<hbm>>) target(%arg7 : memref<1600xi32, #tpu.memory_space<vmem>>) target_semaphore(%run_scoped3A : memref<!tpu.dma_semaphore, #tpu.memory_space<semaphore_mem>>)
        %dma_wait3A_90 = tpu.memref_slice %arg3[%add3A_55] : memref<3276800xi32, #tpu.memory_space<hbm>> -> memref<1600xi32, #tpu.memory_space<hbm>>
        %dma_wait3A_91 = tpu.memref_slice %arg3[%add3A_55] : memref<3276800xi32, #tpu.memory_space<hbm>> -> memref<1600xi32, #tpu.memory_space<hbm>>
        tpu.wait_dma2 semaphore(%run_scoped3A : memref<!tpu.dma_semaphore, #tpu.memory_space<semaphore_mem>>) src(%dma_wait3A_91 : memref<1600xi32, #tpu.memory_space<hbm>>) dst(%arg7 : memref<1600xi32, #tpu.memory_space<vmem>>)
        tpu.yield
      }) : () -> ()
      "tpu.region"() ({
        %run_scoped3A = tpu.sem_alloc : memref<!tpu.dma_semaphore, #tpu.memory_space<semaphore_mem>>
        %dma_start3A_88 = tpu.memref_slice %arg4[%add3A_50] : memref<819200xi32, #tpu.memory_space<hbm>> -> memref<1600xi32, #tpu.memory_space<hbm>>
        %dma_start3A_89 = tpu.memref_slice %arg4[%add3A_50] : memref<819200xi32, #tpu.memory_space<hbm>> -> memref<1600xi32, #tpu.memory_space<hbm>>
        tpu.enqueue_dma source(%dma_start3A_89 : memref<1600xi32, #tpu.memory_space<hbm>>) target(%arg9 : memref<1600xi32, #tpu.memory_space<vmem>>) target_semaphore(%run_scoped3A : memref<!tpu.dma_semaphore, #tpu.memory_space<semaphore_mem>>)
        %dma_wait3A_90 = tpu.memref_slice %arg4[%add3A_50] : memref<819200xi32, #tpu.memory_space<hbm>> -> memref<1600xi32, #tpu.memory_space<hbm>>
        %dma_wait3A_91 = tpu.memref_slice %arg4[%add3A_50] : memref<819200xi32, #tpu.memory_space<hbm>> -> memref<1600xi32, #tpu.memory_space<hbm>>
        tpu.wait_dma2 semaphore(%run_scoped3A : memref<!tpu.dma_semaphore, #tpu.memory_space<semaphore_mem>>) src(%dma_wait3A_91 : memref<1600xi32, #tpu.memory_space<hbm>>) dst(%arg9 : memref<1600xi32, #tpu.memory_space<vmem>>)
        tpu.yield
      }) : () -> ()
      %dma_start3A = arith.constant 0 : i32
      %dma_start3A_56 = arith.constant 0 : i32
      %dma_start3A_57 = tpu.memref_slice %arg2[%dma_start3A, %dma_start3A_56] : memref<200704x16xf32, #tpu.memory_space<hbm>> -> memref<200704x16xf32, #tpu.memory_space<hbm>>
      tpu.enqueue_indirect_dma source(%dma_start3A_57 : memref<200704x16xf32, #tpu.memory_space<hbm>>) target(%arg11 : memref<1600x16xf32, #tpu.memory_space<vmem>>) offsets(%arg7 : memref<1600xi32, #tpu.memory_space<vmem>>) semaphore(%arg13 : memref<!tpu.dma_semaphore, #tpu.memory_space<semaphore_mem>>)
      %mul3A_58 = arith.constant 2 : i32
      %mul3A_59 = arith.muli %scan3A_43, %mul3A_58 : i32
      %add3A_60 = arith.constant 1 : i32
      %add3A_61 = arith.addi %mul3A_59, %add3A_60 : i32
      %mul3A_62 = arith.constant 1600 : i32
      %mul3A_63 = arith.muli %add3A_61, %mul3A_62 : i32
      %add3A_64 = arith.addi %mul3A_2, %mul3A_63 : i32
      %gt3A_65 = arith.constant 0 : i32
      %gt3A_66 = arith.cmpi sgt, %scan3A_43, %gt3A_65 : i32
      %convert_element_type3A_67 = arith.extui %gt3A_66 : i1 to i32
      %cond3A_68 = arith.constant 0 : i32
      %cond3A_69 = arith.cmpi ne, %convert_element_type3A_67, %cond3A_68 : i32
      scf.if %cond3A_69 {
        %dma_wait3A_88 = arith.constant 0 : i32
        %dma_wait3A_89 = arith.constant 0 : i32
        %dma_wait3A_90 = tpu.memref_slice %arg17[%dma_wait3A_88, %dma_wait3A_89] : memref<50176x16xf32, #tpu.memory_space<vmem_shared>> -> memref<50176x16xf32, #tpu.memory_space<vmem_shared>>
        tpu.wait_indirect_dma semaphore(%arg16 : memref<!tpu.dma_semaphore, #tpu.memory_space<semaphore_mem>>) src(%arg12 : memref<1600x16xf32, #tpu.memory_space<vmem>>) dst(%dma_wait3A_90 : memref<50176x16xf32, #tpu.memory_space<vmem_shared>>)
      } else {
      }
      %mul3A_70 = arith.constant 819200 : i32
      %mul3A_71 = arith.muli %add3A_24, %mul3A_70 : i32
      %add3A_72 = arith.addi %mul3A_71, %add3A_64 : i32
      "tpu.region"() ({
        %run_scoped3A = tpu.sem_alloc : memref<!tpu.dma_semaphore, #tpu.memory_space<semaphore_mem>>
        %dma_start3A_88 = tpu.memref_slice %arg3[%add3A_72] : memref<3276800xi32, #tpu.memory_space<hbm>> -> memref<1600xi32, #tpu.memory_space<hbm>>
        %dma_start3A_89 = tpu.memref_slice %arg3[%add3A_72] : memref<3276800xi32, #tpu.memory_space<hbm>> -> memref<1600xi32, #tpu.memory_space<hbm>>
        tpu.enqueue_dma source(%dma_start3A_89 : memref<1600xi32, #tpu.memory_space<hbm>>) target(%arg8 : memref<1600xi32, #tpu.memory_space<vmem>>) target_semaphore(%run_scoped3A : memref<!tpu.dma_semaphore, #tpu.memory_space<semaphore_mem>>)
        %dma_wait3A_90 = tpu.memref_slice %arg3[%add3A_72] : memref<3276800xi32, #tpu.memory_space<hbm>> -> memref<1600xi32, #tpu.memory_space<hbm>>
        %dma_wait3A_91 = tpu.memref_slice %arg3[%add3A_72] : memref<3276800xi32, #tpu.memory_space<hbm>> -> memref<1600xi32, #tpu.memory_space<hbm>>
        tpu.wait_dma2 semaphore(%run_scoped3A : memref<!tpu.dma_semaphore, #tpu.memory_space<semaphore_mem>>) src(%dma_wait3A_91 : memref<1600xi32, #tpu.memory_space<hbm>>) dst(%arg8 : memref<1600xi32, #tpu.memory_space<vmem>>)
        tpu.yield
      }) : () -> ()
      "tpu.region"() ({
        %run_scoped3A = tpu.sem_alloc : memref<!tpu.dma_semaphore, #tpu.memory_space<semaphore_mem>>
        %dma_start3A_88 = tpu.memref_slice %arg4[%add3A_64] : memref<819200xi32, #tpu.memory_space<hbm>> -> memref<1600xi32, #tpu.memory_space<hbm>>
        %dma_start3A_89 = tpu.memref_slice %arg4[%add3A_64] : memref<819200xi32, #tpu.memory_space<hbm>> -> memref<1600xi32, #tpu.memory_space<hbm>>
        tpu.enqueue_dma source(%dma_start3A_89 : memref<1600xi32, #tpu.memory_space<hbm>>) target(%arg10 : memref<1600xi32, #tpu.memory_space<vmem>>) target_semaphore(%run_scoped3A : memref<!tpu.dma_semaphore, #tpu.memory_space<semaphore_mem>>)
        %dma_wait3A_90 = tpu.memref_slice %arg4[%add3A_64] : memref<819200xi32, #tpu.memory_space<hbm>> -> memref<1600xi32, #tpu.memory_space<hbm>>
        %dma_wait3A_91 = tpu.memref_slice %arg4[%add3A_64] : memref<819200xi32, #tpu.memory_space<hbm>> -> memref<1600xi32, #tpu.memory_space<hbm>>
        tpu.wait_dma2 semaphore(%run_scoped3A : memref<!tpu.dma_semaphore, #tpu.memory_space<semaphore_mem>>) src(%dma_wait3A_91 : memref<1600xi32, #tpu.memory_space<hbm>>) dst(%arg10 : memref<1600xi32, #tpu.memory_space<vmem>>)
        tpu.yield
      }) : () -> ()
      %dma_start3A_73 = arith.constant 0 : i32
      %dma_start3A_74 = arith.constant 0 : i32
      %dma_start3A_75 = tpu.memref_slice %arg2[%dma_start3A_73, %dma_start3A_74] : memref<200704x16xf32, #tpu.memory_space<hbm>> -> memref<200704x16xf32, #tpu.memory_space<hbm>>
      tpu.enqueue_indirect_dma source(%dma_start3A_75 : memref<200704x16xf32, #tpu.memory_space<hbm>>) target(%arg12 : memref<1600x16xf32, #tpu.memory_space<vmem>>) offsets(%arg8 : memref<1600xi32, #tpu.memory_space<vmem>>) semaphore(%arg14 : memref<!tpu.dma_semaphore, #tpu.memory_space<semaphore_mem>>)
      %dma_wait3A_76 = arith.constant 0 : i32
      %dma_wait3A_77 = arith.constant 0 : i32
      %dma_wait3A_78 = tpu.memref_slice %arg2[%dma_wait3A_76, %dma_wait3A_77] : memref<200704x16xf32, #tpu.memory_space<hbm>> -> memref<200704x16xf32, #tpu.memory_space<hbm>>
      tpu.wait_indirect_dma semaphore(%arg13 : memref<!tpu.dma_semaphore, #tpu.memory_space<semaphore_mem>>) src(%dma_wait3A_78 : memref<200704x16xf32, #tpu.memory_space<hbm>>) dst(%arg11 : memref<1600x16xf32, #tpu.memory_space<vmem>>)
      %dma_start3A_79 = arith.constant 0 : i32
      %dma_start3A_80 = arith.constant 0 : i32
      %dma_start3A_81 = tpu.memref_slice %arg17[%dma_start3A_79, %dma_start3A_80] : memref<50176x16xf32, #tpu.memory_space<vmem_shared>> -> memref<50176x16xf32, #tpu.memory_space<vmem_shared>>
      tpu.enqueue_indirect_dma source(%arg11 : memref<1600x16xf32, #tpu.memory_space<vmem>>) target(%dma_start3A_81 : memref<50176x16xf32, #tpu.memory_space<vmem_shared>>) offsets(%arg9 : memref<1600xi32, #tpu.memory_space<vmem>>) semaphore(%arg15 : memref<!tpu.dma_semaphore, #tpu.memory_space<semaphore_mem>>) {add = true}
      %dma_wait3A_82 = arith.constant 0 : i32
      %dma_wait3A_83 = arith.constant 0 : i32
      %dma_wait3A_84 = tpu.memref_slice %arg2[%dma_wait3A_82, %dma_wait3A_83] : memref<200704x16xf32, #tpu.memory_space<hbm>> -> memref<200704x16xf32, #tpu.memory_space<hbm>>
      tpu.wait_indirect_dma semaphore(%arg14 : memref<!tpu.dma_semaphore, #tpu.memory_space<semaphore_mem>>) src(%dma_wait3A_84 : memref<200704x16xf32, #tpu.memory_space<hbm>>) dst(%arg12 : memref<1600x16xf32, #tpu.memory_space<vmem>>)
      %dma_start3A_85 = arith.constant 0 : i32
      %dma_start3A_86 = arith.constant 0 : i32
      %dma_start3A_87 = tpu.memref_slice %arg17[%dma_start3A_85, %dma_start3A_86] : memref<50176x16xf32, #tpu.memory_space<vmem_shared>> -> memref<50176x16xf32, #tpu.memory_space<vmem_shared>>
      tpu.enqueue_indirect_dma source(%arg12 : memref<1600x16xf32, #tpu.memory_space<vmem>>) target(%dma_start3A_87 : memref<50176x16xf32, #tpu.memory_space<vmem_shared>>) offsets(%arg10 : memref<1600xi32, #tpu.memory_space<vmem>>) semaphore(%arg16 : memref<!tpu.dma_semaphore, #tpu.memory_space<semaphore_mem>>) {add = true}
    }
    %scan3A_31 = arith.constant 16 : i32
    %dma_wait3A_32 = arith.constant 0 : i32
    %dma_wait3A_33 = arith.constant 0 : i32
    %dma_wait3A_34 = tpu.memref_slice %arg17[%dma_wait3A_32, %dma_wait3A_33] : memref<50176x16xf32, #tpu.memory_space<vmem_shared>> -> memref<50176x16xf32, #tpu.memory_space<vmem_shared>>
    tpu.wait_indirect_dma semaphore(%arg15 : memref<!tpu.dma_semaphore, #tpu.memory_space<semaphore_mem>>) src(%arg11 : memref<1600x16xf32, #tpu.memory_space<vmem>>) dst(%dma_wait3A_34 : memref<50176x16xf32, #tpu.memory_space<vmem_shared>>)
    %dma_wait3A_35 = arith.constant 0 : i32
    %dma_wait3A_36 = arith.constant 0 : i32
    %dma_wait3A_37 = tpu.memref_slice %arg17[%dma_wait3A_35, %dma_wait3A_36] : memref<50176x16xf32, #tpu.memory_space<vmem_shared>> -> memref<50176x16xf32, #tpu.memory_space<vmem_shared>>
    tpu.wait_indirect_dma semaphore(%arg16 : memref<!tpu.dma_semaphore, #tpu.memory_space<semaphore_mem>>) src(%arg12 : memref<1600x16xf32, #tpu.memory_space<vmem>>) dst(%dma_wait3A_37 : memref<50176x16xf32, #tpu.memory_space<vmem_shared>>)
    %barrier3A_38 = arith.constant 0 : index
    tpu.barrier barrier_id(%barrier3A_38)
    %mul3A_39 = arith.constant 50176 : i32
    %mul3A_40 = arith.muli %add3A_24, %mul3A_39 : i32
    %add3A_41 = arith.addi %mul3A_40, %mul3A_0 : i32
    "tpu.region"() ({
      %run_scoped3A = tpu.sem_alloc : memref<!tpu.dma_semaphore, #tpu.memory_space<semaphore_mem>>
      %dma_start3A = arith.constant 0 : i32
      %dma_start3A_43 = tpu.memref_slice %arg6[%add3A_41, %dma_start3A] : memref<200704x16xf32, #tpu.memory_space<hbm>> -> memref<3136x16xf32, #tpu.memory_space<hbm>>
      %dma_start3A_44 = arith.constant 0 : i32
      %dma_start3A_45 = tpu.memref_slice %arg17[%mul3A_0, %dma_start3A_44] : memref<50176x16xf32, #tpu.memory_space<vmem_shared>> -> memref<3136x16xf32, #tpu.memory_space<vmem_shared>>
      tpu.enqueue_dma source(%dma_start3A_45 : memref<3136x16xf32, #tpu.memory_space<vmem_shared>>) target(%dma_start3A_43 : memref<3136x16xf32, #tpu.memory_space<hbm>>) target_semaphore(%run_scoped3A : memref<!tpu.dma_semaphore, #tpu.memory_space<semaphore_mem>>)
      %dma_wait3A_46 = arith.constant 0 : i32
      %dma_wait3A_47 = tpu.memref_slice %arg6[%add3A_41, %dma_wait3A_46] : memref<200704x16xf32, #tpu.memory_space<hbm>> -> memref<3136x16xf32, #tpu.memory_space<hbm>>
      %dma_wait3A_48 = arith.constant 0 : i32
      %dma_wait3A_49 = tpu.memref_slice %arg17[%mul3A_0, %dma_wait3A_48] : memref<50176x16xf32, #tpu.memory_space<vmem_shared>> -> memref<3136x16xf32, #tpu.memory_space<vmem_shared>>
      tpu.wait_dma2 semaphore(%run_scoped3A : memref<!tpu.dma_semaphore, #tpu.memory_space<semaphore_mem>>) src(%dma_wait3A_49 : memref<3136x16xf32, #tpu.memory_space<vmem_shared>>) dst(%dma_wait3A_47 : memref<3136x16xf32, #tpu.memory_space<hbm>>)
      tpu.yield
    }) : () -> ()
    %barrier3A_42 = arith.constant 0 : index
    tpu.barrier barrier_id(%barrier3A_42)
    return
  }
}

#map = affine_map<(d0, d1) -> (0, 0)>
#map1 = affine_map<(d0, d1) -> (0)>
module attributes {stable_mosaic.version = 14 : i64} {
  func.func @_sc_agg_body(%arg0: i32, %arg1: i32, %arg2: memref<200704x16xf32, #tpu.memory_space<hbm>>, %arg3: memref<3276800xi32, #tpu.memory_space<hbm>>, %arg4: memref<819200xi32, #tpu.memory_space<hbm>>, %arg5: memref<3136x16xf32, #tpu.memory_space<hbm>>, %arg6: memref<200704x16xf32, #tpu.memory_space<hbm>>, %arg7: memref<1600xi32, #tpu.memory_space<vmem>>, %arg8: memref<1600xi32, #tpu.memory_space<vmem>>, %arg9: memref<1600xi32, #tpu.memory_space<vmem>>, %arg10: memref<1600xi32, #tpu.memory_space<vmem>>, %arg11: memref<1600x16xf32, #tpu.memory_space<vmem>>, %arg12: memref<1600x16xf32, #tpu.memory_space<vmem>>, %arg13: memref<!tpu.dma_semaphore, #tpu.memory_space<semaphore_mem>>, %arg14: memref<!tpu.dma_semaphore, #tpu.memory_space<semaphore_mem>>, %arg15: memref<!tpu.dma_semaphore, #tpu.memory_space<semaphore_mem>>, %arg16: memref<!tpu.dma_semaphore, #tpu.memory_space<semaphore_mem>>, %arg17: memref<50176x16xf32, #tpu.memory_space<vmem_shared>>) attributes {dimension_semantics = [#tpu.dimension_semantics<core_parallel>, #tpu.dimension_semantics<subcore_parallel>], iteration_bounds = array<i64: 2, 16>, scalar_prefetch = 0 : i64, scratch_operands = 11 : i64, tpu.core_type = #tpu.core_type<sc_vector_subcore>, window_params = [{transform_indices = #map}, {transform_indices = #map1}, {transform_indices = #map1}, {transform_indices = #map}, {transform_indices = #map}]} {
    %mul3A = arith.constant 3136 : i32
    %mul3A_0 = arith.muli %arg1, %mul3A : i32
    %mul3A_1 = arith.constant 51200 : i32
    %mul3A_2 = arith.muli %arg1, %mul3A_1 : i32
    %mul3A_3 = arith.constant 2 : i32
    %mul3A_4 = arith.muli %arg0, %mul3A_3 : i32
    %add3A = arith.constant 0 : i32
    %add3A_5 = arith.addi %mul3A_4, %add3A : i32
    "tpu.region"() ({
      %run_scoped3A = tpu.sem_alloc : memref<!tpu.dma_semaphore, #tpu.memory_space<semaphore_mem>>
      %dma_start3A = arith.constant 0 : i32
      %dma_start3A_43 = tpu.memref_slice %arg17[%mul3A_0, %dma_start3A] : memref<50176x16xf32, #tpu.memory_space<vmem_shared>> -> memref<3136x16xf32, #tpu.memory_space<vmem_shared>>
      tpu.enqueue_dma source(%arg5 : memref<3136x16xf32, #tpu.memory_space<hbm>>) target(%dma_start3A_43 : memref<3136x16xf32, #tpu.memory_space<vmem_shared>>) target_semaphore(%run_scoped3A : memref<!tpu.dma_semaphore, #tpu.memory_space<semaphore_mem>>)
      %dma_wait3A_44 = arith.constant 0 : i32
      %dma_wait3A_45 = tpu.memref_slice %arg17[%mul3A_0, %dma_wait3A_44] : memref<50176x16xf32, #tpu.memory_space<vmem_shared>> -> memref<3136x16xf32, #tpu.memory_space<vmem_shared>>
      tpu.wait_dma2 semaphore(%run_scoped3A : memref<!tpu.dma_semaphore, #tpu.memory_space<semaphore_mem>>) src(%arg5 : memref<3136x16xf32, #tpu.memory_space<hbm>>) dst(%dma_wait3A_45 : memref<3136x16xf32, #tpu.memory_space<vmem_shared>>)
      tpu.yield
    }) : () -> ()
    %barrier3A = arith.constant 0 : index
    tpu.barrier barrier_id(%barrier3A)
    %scan3A = arith.constant 0 : i32
    %scan3A_6 = arith.constant 0 : i32
    %scan3A_7 = arith.constant 16 : i32
    %scan3A_8 = arith.addi %scan3A_6, %scan3A_7 : i32
    %scan3A_9 = arith.constant 1 : i32
    scf.for %scan3A_43 = %scan3A_6 to %scan3A_8 step %scan3A_9  : i32 {
      %mul3A_44 = arith.constant 2 : i32
      %mul3A_45 = arith.muli %scan3A_43, %mul3A_44 : i32
      %add3A_46 = arith.constant 0 : i32
      %add3A_47 = arith.addi %mul3A_45, %add3A_46 : i32
      %mul3A_48 = arith.constant 1600 : i32
      %mul3A_49 = arith.muli %add3A_47, %mul3A_48 : i32
      %add3A_50 = arith.addi %mul3A_2, %mul3A_49 : i32
      %gt3A = arith.constant 0 : i32
      %gt3A_51 = arith.cmpi sgt, %scan3A_43, %gt3A : i32
      %convert_element_type3A = arith.extui %gt3A_51 : i1 to i32
      %cond3A = arith.constant 0 : i32
      %cond3A_52 = arith.cmpi ne, %convert_element_type3A, %cond3A : i32
      scf.if %cond3A_52 {
        %dma_wait3A_88 = arith.constant 0 : i32
        %dma_wait3A_89 = arith.constant 0 : i32
        %dma_wait3A_90 = tpu.memref_slice %arg17[%dma_wait3A_88, %dma_wait3A_89] : memref<50176x16xf32, #tpu.memory_space<vmem_shared>> -> memref<50176x16xf32, #tpu.memory_space<vmem_shared>>
        tpu.wait_indirect_dma semaphore(%arg15 : memref<!tpu.dma_semaphore, #tpu.memory_space<semaphore_mem>>) src(%arg11 : memref<1600x16xf32, #tpu.memory_space<vmem>>) dst(%dma_wait3A_90 : memref<50176x16xf32, #tpu.memory_space<vmem_shared>>)
      } else {
      }
      %mul3A_53 = arith.constant 819200 : i32
      %mul3A_54 = arith.muli %add3A_5, %mul3A_53 : i32
      %add3A_55 = arith.addi %mul3A_54, %add3A_50 : i32
      "tpu.region"() ({
        %run_scoped3A = tpu.sem_alloc : memref<!tpu.dma_semaphore, #tpu.memory_space<semaphore_mem>>
        %dma_start3A_88 = tpu.memref_slice %arg3[%add3A_55] : memref<3276800xi32, #tpu.memory_space<hbm>> -> memref<1600xi32, #tpu.memory_space<hbm>>
        %dma_start3A_89 = tpu.memref_slice %arg3[%add3A_55] : memref<3276800xi32, #tpu.memory_space<hbm>> -> memref<1600xi32, #tpu.memory_space<hbm>>
        tpu.enqueue_dma source(%dma_start3A_89 : memref<1600xi32, #tpu.memory_space<hbm>>) target(%arg7 : memref<1600xi32, #tpu.memory_space<vmem>>) target_semaphore(%run_scoped3A : memref<!tpu.dma_semaphore, #tpu.memory_space<semaphore_mem>>)
        %dma_wait3A_90 = tpu.memref_slice %arg3[%add3A_55] : memref<3276800xi32, #tpu.memory_space<hbm>> -> memref<1600xi32, #tpu.memory_space<hbm>>
        %dma_wait3A_91 = tpu.memref_slice %arg3[%add3A_55] : memref<3276800xi32, #tpu.memory_space<hbm>> -> memref<1600xi32, #tpu.memory_space<hbm>>
        tpu.wait_dma2 semaphore(%run_scoped3A : memref<!tpu.dma_semaphore, #tpu.memory_space<semaphore_mem>>) src(%dma_wait3A_91 : memref<1600xi32, #tpu.memory_space<hbm>>) dst(%arg7 : memref<1600xi32, #tpu.memory_space<vmem>>)
        tpu.yield
      }) : () -> ()
      "tpu.region"() ({
        %run_scoped3A = tpu.sem_alloc : memref<!tpu.dma_semaphore, #tpu.memory_space<semaphore_mem>>
        %dma_start3A_88 = tpu.memref_slice %arg4[%add3A_50] : memref<819200xi32, #tpu.memory_space<hbm>> -> memref<1600xi32, #tpu.memory_space<hbm>>
        %dma_start3A_89 = tpu.memref_slice %arg4[%add3A_50] : memref<819200xi32, #tpu.memory_space<hbm>> -> memref<1600xi32, #tpu.memory_space<hbm>>
        tpu.enqueue_dma source(%dma_start3A_89 : memref<1600xi32, #tpu.memory_space<hbm>>) target(%arg9 : memref<1600xi32, #tpu.memory_space<vmem>>) target_semaphore(%run_scoped3A : memref<!tpu.dma_semaphore, #tpu.memory_space<semaphore_mem>>)
        %dma_wait3A_90 = tpu.memref_slice %arg4[%add3A_50] : memref<819200xi32, #tpu.memory_space<hbm>> -> memref<1600xi32, #tpu.memory_space<hbm>>
        %dma_wait3A_91 = tpu.memref_slice %arg4[%add3A_50] : memref<819200xi32, #tpu.memory_space<hbm>> -> memref<1600xi32, #tpu.memory_space<hbm>>
        tpu.wait_dma2 semaphore(%run_scoped3A : memref<!tpu.dma_semaphore, #tpu.memory_space<semaphore_mem>>) src(%dma_wait3A_91 : memref<1600xi32, #tpu.memory_space<hbm>>) dst(%arg9 : memref<1600xi32, #tpu.memory_space<vmem>>)
        tpu.yield
      }) : () -> ()
      %dma_start3A = arith.constant 0 : i32
      %dma_start3A_56 = arith.constant 0 : i32
      %dma_start3A_57 = tpu.memref_slice %arg2[%dma_start3A, %dma_start3A_56] : memref<200704x16xf32, #tpu.memory_space<hbm>> -> memref<200704x16xf32, #tpu.memory_space<hbm>>
      tpu.enqueue_indirect_dma source(%dma_start3A_57 : memref<200704x16xf32, #tpu.memory_space<hbm>>) target(%arg11 : memref<1600x16xf32, #tpu.memory_space<vmem>>) offsets(%arg7 : memref<1600xi32, #tpu.memory_space<vmem>>) semaphore(%arg13 : memref<!tpu.dma_semaphore, #tpu.memory_space<semaphore_mem>>)
      %mul3A_58 = arith.constant 2 : i32
      %mul3A_59 = arith.muli %scan3A_43, %mul3A_58 : i32
      %add3A_60 = arith.constant 1 : i32
      %add3A_61 = arith.addi %mul3A_59, %add3A_60 : i32
      %mul3A_62 = arith.constant 1600 : i32
      %mul3A_63 = arith.muli %add3A_61, %mul3A_62 : i32
      %add3A_64 = arith.addi %mul3A_2, %mul3A_63 : i32
      %gt3A_65 = arith.constant 0 : i32
      %gt3A_66 = arith.cmpi sgt, %scan3A_43, %gt3A_65 : i32
      %convert_element_type3A_67 = arith.extui %gt3A_66 : i1 to i32
      %cond3A_68 = arith.constant 0 : i32
      %cond3A_69 = arith.cmpi ne, %convert_element_type3A_67, %cond3A_68 : i32
      scf.if %cond3A_69 {
        %dma_wait3A_88 = arith.constant 0 : i32
        %dma_wait3A_89 = arith.constant 0 : i32
        %dma_wait3A_90 = tpu.memref_slice %arg17[%dma_wait3A_88, %dma_wait3A_89] : memref<50176x16xf32, #tpu.memory_space<vmem_shared>> -> memref<50176x16xf32, #tpu.memory_space<vmem_shared>>
        tpu.wait_indirect_dma semaphore(%arg16 : memref<!tpu.dma_semaphore, #tpu.memory_space<semaphore_mem>>) src(%arg12 : memref<1600x16xf32, #tpu.memory_space<vmem>>) dst(%dma_wait3A_90 : memref<50176x16xf32, #tpu.memory_space<vmem_shared>>)
      } else {
      }
      %mul3A_70 = arith.constant 819200 : i32
      %mul3A_71 = arith.muli %add3A_5, %mul3A_70 : i32
      %add3A_72 = arith.addi %mul3A_71, %add3A_64 : i32
      "tpu.region"() ({
        %run_scoped3A = tpu.sem_alloc : memref<!tpu.dma_semaphore, #tpu.memory_space<semaphore_mem>>
        %dma_start3A_88 = tpu.memref_slice %arg3[%add3A_72] : memref<3276800xi32, #tpu.memory_space<hbm>> -> memref<1600xi32, #tpu.memory_space<hbm>>
        %dma_start3A_89 = tpu.memref_slice %arg3[%add3A_72] : memref<3276800xi32, #tpu.memory_space<hbm>> -> memref<1600xi32, #tpu.memory_space<hbm>>
        tpu.enqueue_dma source(%dma_start3A_89 : memref<1600xi32, #tpu.memory_space<hbm>>) target(%arg8 : memref<1600xi32, #tpu.memory_space<vmem>>) target_semaphore(%run_scoped3A : memref<!tpu.dma_semaphore, #tpu.memory_space<semaphore_mem>>)
        %dma_wait3A_90 = tpu.memref_slice %arg3[%add3A_72] : memref<3276800xi32, #tpu.memory_space<hbm>> -> memref<1600xi32, #tpu.memory_space<hbm>>
        %dma_wait3A_91 = tpu.memref_slice %arg3[%add3A_72] : memref<3276800xi32, #tpu.memory_space<hbm>> -> memref<1600xi32, #tpu.memory_space<hbm>>
        tpu.wait_dma2 semaphore(%run_scoped3A : memref<!tpu.dma_semaphore, #tpu.memory_space<semaphore_mem>>) src(%dma_wait3A_91 : memref<1600xi32, #tpu.memory_space<hbm>>) dst(%arg8 : memref<1600xi32, #tpu.memory_space<vmem>>)
        tpu.yield
      }) : () -> ()
      "tpu.region"() ({
        %run_scoped3A = tpu.sem_alloc : memref<!tpu.dma_semaphore, #tpu.memory_space<semaphore_mem>>
        %dma_start3A_88 = tpu.memref_slice %arg4[%add3A_64] : memref<819200xi32, #tpu.memory_space<hbm>> -> memref<1600xi32, #tpu.memory_space<hbm>>
        %dma_start3A_89 = tpu.memref_slice %arg4[%add3A_64] : memref<819200xi32, #tpu.memory_space<hbm>> -> memref<1600xi32, #tpu.memory_space<hbm>>
        tpu.enqueue_dma source(%dma_start3A_89 : memref<1600xi32, #tpu.memory_space<hbm>>) target(%arg10 : memref<1600xi32, #tpu.memory_space<vmem>>) target_semaphore(%run_scoped3A : memref<!tpu.dma_semaphore, #tpu.memory_space<semaphore_mem>>)
        %dma_wait3A_90 = tpu.memref_slice %arg4[%add3A_64] : memref<819200xi32, #tpu.memory_space<hbm>> -> memref<1600xi32, #tpu.memory_space<hbm>>
        %dma_wait3A_91 = tpu.memref_slice %arg4[%add3A_64] : memref<819200xi32, #tpu.memory_space<hbm>> -> memref<1600xi32, #tpu.memory_space<hbm>>
        tpu.wait_dma2 semaphore(%run_scoped3A : memref<!tpu.dma_semaphore, #tpu.memory_space<semaphore_mem>>) src(%dma_wait3A_91 : memref<1600xi32, #tpu.memory_space<hbm>>) dst(%arg10 : memref<1600xi32, #tpu.memory_space<vmem>>)
        tpu.yield
      }) : () -> ()
      %dma_start3A_73 = arith.constant 0 : i32
      %dma_start3A_74 = arith.constant 0 : i32
      %dma_start3A_75 = tpu.memref_slice %arg2[%dma_start3A_73, %dma_start3A_74] : memref<200704x16xf32, #tpu.memory_space<hbm>> -> memref<200704x16xf32, #tpu.memory_space<hbm>>
      tpu.enqueue_indirect_dma source(%dma_start3A_75 : memref<200704x16xf32, #tpu.memory_space<hbm>>) target(%arg12 : memref<1600x16xf32, #tpu.memory_space<vmem>>) offsets(%arg8 : memref<1600xi32, #tpu.memory_space<vmem>>) semaphore(%arg14 : memref<!tpu.dma_semaphore, #tpu.memory_space<semaphore_mem>>)
      %dma_wait3A_76 = arith.constant 0 : i32
      %dma_wait3A_77 = arith.constant 0 : i32
      %dma_wait3A_78 = tpu.memref_slice %arg2[%dma_wait3A_76, %dma_wait3A_77] : memref<200704x16xf32, #tpu.memory_space<hbm>> -> memref<200704x16xf32, #tpu.memory_space<hbm>>
      tpu.wait_indirect_dma semaphore(%arg13 : memref<!tpu.dma_semaphore, #tpu.memory_space<semaphore_mem>>) src(%dma_wait3A_78 : memref<200704x16xf32, #tpu.memory_space<hbm>>) dst(%arg11 : memref<1600x16xf32, #tpu.memory_space<vmem>>)
      %dma_start3A_79 = arith.constant 0 : i32
      %dma_start3A_80 = arith.constant 0 : i32
      %dma_start3A_81 = tpu.memref_slice %arg17[%dma_start3A_79, %dma_start3A_80] : memref<50176x16xf32, #tpu.memory_space<vmem_shared>> -> memref<50176x16xf32, #tpu.memory_space<vmem_shared>>
      tpu.enqueue_indirect_dma source(%arg11 : memref<1600x16xf32, #tpu.memory_space<vmem>>) target(%dma_start3A_81 : memref<50176x16xf32, #tpu.memory_space<vmem_shared>>) offsets(%arg9 : memref<1600xi32, #tpu.memory_space<vmem>>) semaphore(%arg15 : memref<!tpu.dma_semaphore, #tpu.memory_space<semaphore_mem>>) {add = true}
      %dma_wait3A_82 = arith.constant 0 : i32
      %dma_wait3A_83 = arith.constant 0 : i32
      %dma_wait3A_84 = tpu.memref_slice %arg2[%dma_wait3A_82, %dma_wait3A_83] : memref<200704x16xf32, #tpu.memory_space<hbm>> -> memref<200704x16xf32, #tpu.memory_space<hbm>>
      tpu.wait_indirect_dma semaphore(%arg14 : memref<!tpu.dma_semaphore, #tpu.memory_space<semaphore_mem>>) src(%dma_wait3A_84 : memref<200704x16xf32, #tpu.memory_space<hbm>>) dst(%arg12 : memref<1600x16xf32, #tpu.memory_space<vmem>>)
      %dma_start3A_85 = arith.constant 0 : i32
      %dma_start3A_86 = arith.constant 0 : i32
      %dma_start3A_87 = tpu.memref_slice %arg17[%dma_start3A_85, %dma_start3A_86] : memref<50176x16xf32, #tpu.memory_space<vmem_shared>> -> memref<50176x16xf32, #tpu.memory_space<vmem_shared>>
      tpu.enqueue_indirect_dma source(%arg12 : memref<1600x16xf32, #tpu.memory_space<vmem>>) target(%dma_start3A_87 : memref<50176x16xf32, #tpu.memory_space<vmem_shared>>) offsets(%arg10 : memref<1600xi32, #tpu.memory_space<vmem>>) semaphore(%arg16 : memref<!tpu.dma_semaphore, #tpu.memory_space<semaphore_mem>>) {add = true}
    }
    %scan3A_10 = arith.constant 16 : i32
    %dma_wait3A = arith.constant 0 : i32
    %dma_wait3A_11 = arith.constant 0 : i32
    %dma_wait3A_12 = tpu.memref_slice %arg17[%dma_wait3A, %dma_wait3A_11] : memref<50176x16xf32, #tpu.memory_space<vmem_shared>> -> memref<50176x16xf32, #tpu.memory_space<vmem_shared>>
    tpu.wait_indirect_dma semaphore(%arg15 : memref<!tpu.dma_semaphore, #tpu.memory_space<semaphore_mem>>) src(%arg11 : memref<1600x16xf32, #tpu.memory_space<vmem>>) dst(%dma_wait3A_12 : memref<50176x16xf32, #tpu.memory_space<vmem_shared>>)
    %dma_wait3A_13 = arith.constant 0 : i32
    %dma_wait3A_14 = arith.constant 0 : i32
    %dma_wait3A_15 = tpu.memref_slice %arg17[%dma_wait3A_13, %dma_wait3A_14] : memref<50176x16xf32, #tpu.memory_space<vmem_shared>> -> memref<50176x16xf32, #tpu.memory_space<vmem_shared>>
    tpu.wait_indirect_dma semaphore(%arg16 : memref<!tpu.dma_semaphore, #tpu.memory_space<semaphore_mem>>) src(%arg12 : memref<1600x16xf32, #tpu.memory_space<vmem>>) dst(%dma_wait3A_15 : memref<50176x16xf32, #tpu.memory_space<vmem_shared>>)
    %barrier3A_16 = arith.constant 0 : index
    tpu.barrier barrier_id(%barrier3A_16)
    %mul3A_17 = arith.constant 50176 : i32
    %mul3A_18 = arith.muli %add3A_5, %mul3A_17 : i32
    %add3A_19 = arith.addi %mul3A_18, %mul3A_0 : i32
    "tpu.region"() ({
      %run_scoped3A = tpu.sem_alloc : memref<!tpu.dma_semaphore, #tpu.memory_space<semaphore_mem>>
      %dma_start3A = arith.constant 0 : i32
      %dma_start3A_43 = tpu.memref_slice %arg6[%add3A_19, %dma_start3A] : memref<200704x16xf32, #tpu.memory_space<hbm>> -> memref<3136x16xf32, #tpu.memory_space<hbm>>
      %dma_start3A_44 = arith.constant 0 : i32
      %dma_start3A_45 = tpu.memref_slice %arg17[%mul3A_0, %dma_start3A_44] : memref<50176x16xf32, #tpu.memory_space<vmem_shared>> -> memref<3136x16xf32, #tpu.memory_space<vmem_shared>>
      tpu.enqueue_dma source(%dma_start3A_45 : memref<3136x16xf32, #tpu.memory_space<vmem_shared>>) target(%dma_start3A_43 : memref<3136x16xf32, #tpu.memory_space<hbm>>) target_semaphore(%run_scoped3A : memref<!tpu.dma_semaphore, #tpu.memory_space<semaphore_mem>>)
      %dma_wait3A_46 = arith.constant 0 : i32
      %dma_wait3A_47 = tpu.memref_slice %arg6[%add3A_19, %dma_wait3A_46] : memref<200704x16xf32, #tpu.memory_space<hbm>> -> memref<3136x16xf32, #tpu.memory_space<hbm>>
      %dma_wait3A_48 = arith.constant 0 : i32
      %dma_wait3A_49 = tpu.memref_slice %arg17[%mul3A_0, %dma_wait3A_48] : memref<50176x16xf32, #tpu.memory_space<vmem_shared>> -> memref<3136x16xf32, #tpu.memory_space<vmem_shared>>
      tpu.wait_dma2 semaphore(%run_scoped3A : memref<!tpu.dma_semaphore, #tpu.memory_space<semaphore_mem>>) src(%dma_wait3A_49 : memref<3136x16xf32, #tpu.memory_space<vmem_shared>>) dst(%dma_wait3A_47 : memref<3136x16xf32, #tpu.memory_space<hbm>>)
      tpu.yield
    }) : () -> ()
    %barrier3A_20 = arith.constant 0 : index
    tpu.barrier barrier_id(%barrier3A_20)
    %mul3A_21 = arith.constant 2 : i32
    %mul3A_22 = arith.muli %arg0, %mul3A_21 : i32
    %add3A_23 = arith.constant 1 : i32
    %add3A_24 = arith.addi %mul3A_22, %add3A_23 : i32
    "tpu.region"() ({
      %run_scoped3A = tpu.sem_alloc : memref<!tpu.dma_semaphore, #tpu.memory_space<semaphore_mem>>
      %dma_start3A = arith.constant 0 : i32
      %dma_start3A_43 = tpu.memref_slice %arg17[%mul3A_0, %dma_start3A] : memref<50176x16xf32, #tpu.memory_space<vmem_shared>> -> memref<3136x16xf32, #tpu.memory_space<vmem_shared>>
      tpu.enqueue_dma source(%arg5 : memref<3136x16xf32, #tpu.memory_space<hbm>>) target(%dma_start3A_43 : memref<3136x16xf32, #tpu.memory_space<vmem_shared>>) target_semaphore(%run_scoped3A : memref<!tpu.dma_semaphore, #tpu.memory_space<semaphore_mem>>)
      %dma_wait3A_44 = arith.constant 0 : i32
      %dma_wait3A_45 = tpu.memref_slice %arg17[%mul3A_0, %dma_wait3A_44] : memref<50176x16xf32, #tpu.memory_space<vmem_shared>> -> memref<3136x16xf32, #tpu.memory_space<vmem_shared>>
      tpu.wait_dma2 semaphore(%run_scoped3A : memref<!tpu.dma_semaphore, #tpu.memory_space<semaphore_mem>>) src(%arg5 : memref<3136x16xf32, #tpu.memory_space<hbm>>) dst(%dma_wait3A_45 : memref<3136x16xf32, #tpu.memory_space<vmem_shared>>)
      tpu.yield
    }) : () -> ()
    %barrier3A_25 = arith.constant 0 : index
    tpu.barrier barrier_id(%barrier3A_25)
    %scan3A_26 = arith.constant 0 : i32
    %scan3A_27 = arith.constant 0 : i32
    %scan3A_28 = arith.constant 16 : i32
    %scan3A_29 = arith.addi %scan3A_27, %scan3A_28 : i32
    %scan3A_30 = arith.constant 1 : i32
    scf.for %scan3A_43 = %scan3A_27 to %scan3A_29 step %scan3A_30  : i32 {
      %mul3A_44 = arith.constant 2 : i32
      %mul3A_45 = arith.muli %scan3A_43, %mul3A_44 : i32
      %add3A_46 = arith.constant 0 : i32
      %add3A_47 = arith.addi %mul3A_45, %add3A_46 : i32
      %mul3A_48 = arith.constant 1600 : i32
      %mul3A_49 = arith.muli %add3A_47, %mul3A_48 : i32
      %add3A_50 = arith.addi %mul3A_2, %mul3A_49 : i32
      %gt3A = arith.constant 0 : i32
      %gt3A_51 = arith.cmpi sgt, %scan3A_43, %gt3A : i32
      %convert_element_type3A = arith.extui %gt3A_51 : i1 to i32
      %cond3A = arith.constant 0 : i32
      %cond3A_52 = arith.cmpi ne, %convert_element_type3A, %cond3A : i32
      scf.if %cond3A_52 {
        %dma_wait3A_88 = arith.constant 0 : i32
        %dma_wait3A_89 = arith.constant 0 : i32
        %dma_wait3A_90 = tpu.memref_slice %arg17[%dma_wait3A_88, %dma_wait3A_89] : memref<50176x16xf32, #tpu.memory_space<vmem_shared>> -> memref<50176x16xf32, #tpu.memory_space<vmem_shared>>
        tpu.wait_indirect_dma semaphore(%arg15 : memref<!tpu.dma_semaphore, #tpu.memory_space<semaphore_mem>>) src(%arg11 : memref<1600x16xf32, #tpu.memory_space<vmem>>) dst(%dma_wait3A_90 : memref<50176x16xf32, #tpu.memory_space<vmem_shared>>)
      } else {
      }
      %mul3A_53 = arith.constant 819200 : i32
      %mul3A_54 = arith.muli %add3A_24, %mul3A_53 : i32
      %add3A_55 = arith.addi %mul3A_54, %add3A_50 : i32
      "tpu.region"() ({
        %run_scoped3A = tpu.sem_alloc : memref<!tpu.dma_semaphore, #tpu.memory_space<semaphore_mem>>
        %dma_start3A_88 = tpu.memref_slice %arg3[%add3A_55] : memref<3276800xi32, #tpu.memory_space<hbm>> -> memref<1600xi32, #tpu.memory_space<hbm>>
        %dma_start3A_89 = tpu.memref_slice %arg3[%add3A_55] : memref<3276800xi32, #tpu.memory_space<hbm>> -> memref<1600xi32, #tpu.memory_space<hbm>>
        tpu.enqueue_dma source(%dma_start3A_89 : memref<1600xi32, #tpu.memory_space<hbm>>) target(%arg7 : memref<1600xi32, #tpu.memory_space<vmem>>) target_semaphore(%run_scoped3A : memref<!tpu.dma_semaphore, #tpu.memory_space<semaphore_mem>>)
        %dma_wait3A_90 = tpu.memref_slice %arg3[%add3A_55] : memref<3276800xi32, #tpu.memory_space<hbm>> -> memref<1600xi32, #tpu.memory_space<hbm>>
        %dma_wait3A_91 = tpu.memref_slice %arg3[%add3A_55] : memref<3276800xi32, #tpu.memory_space<hbm>> -> memref<1600xi32, #tpu.memory_space<hbm>>
        tpu.wait_dma2 semaphore(%run_scoped3A : memref<!tpu.dma_semaphore, #tpu.memory_space<semaphore_mem>>) src(%dma_wait3A_91 : memref<1600xi32, #tpu.memory_space<hbm>>) dst(%arg7 : memref<1600xi32, #tpu.memory_space<vmem>>)
        tpu.yield
      }) : () -> ()
      "tpu.region"() ({
        %run_scoped3A = tpu.sem_alloc : memref<!tpu.dma_semaphore, #tpu.memory_space<semaphore_mem>>
        %dma_start3A_88 = tpu.memref_slice %arg4[%add3A_50] : memref<819200xi32, #tpu.memory_space<hbm>> -> memref<1600xi32, #tpu.memory_space<hbm>>
        %dma_start3A_89 = tpu.memref_slice %arg4[%add3A_50] : memref<819200xi32, #tpu.memory_space<hbm>> -> memref<1600xi32, #tpu.memory_space<hbm>>
        tpu.enqueue_dma source(%dma_start3A_89 : memref<1600xi32, #tpu.memory_space<hbm>>) target(%arg9 : memref<1600xi32, #tpu.memory_space<vmem>>) target_semaphore(%run_scoped3A : memref<!tpu.dma_semaphore, #tpu.memory_space<semaphore_mem>>)
        %dma_wait3A_90 = tpu.memref_slice %arg4[%add3A_50] : memref<819200xi32, #tpu.memory_space<hbm>> -> memref<1600xi32, #tpu.memory_space<hbm>>
        %dma_wait3A_91 = tpu.memref_slice %arg4[%add3A_50] : memref<819200xi32, #tpu.memory_space<hbm>> -> memref<1600xi32, #tpu.memory_space<hbm>>
        tpu.wait_dma2 semaphore(%run_scoped3A : memref<!tpu.dma_semaphore, #tpu.memory_space<semaphore_mem>>) src(%dma_wait3A_91 : memref<1600xi32, #tpu.memory_space<hbm>>) dst(%arg9 : memref<1600xi32, #tpu.memory_space<vmem>>)
        tpu.yield
      }) : () -> ()
      %dma_start3A = arith.constant 0 : i32
      %dma_start3A_56 = arith.constant 0 : i32
      %dma_start3A_57 = tpu.memref_slice %arg2[%dma_start3A, %dma_start3A_56] : memref<200704x16xf32, #tpu.memory_space<hbm>> -> memref<200704x16xf32, #tpu.memory_space<hbm>>
      tpu.enqueue_indirect_dma source(%dma_start3A_57 : memref<200704x16xf32, #tpu.memory_space<hbm>>) target(%arg11 : memref<1600x16xf32, #tpu.memory_space<vmem>>) offsets(%arg7 : memref<1600xi32, #tpu.memory_space<vmem>>) semaphore(%arg13 : memref<!tpu.dma_semaphore, #tpu.memory_space<semaphore_mem>>)
      %mul3A_58 = arith.constant 2 : i32
      %mul3A_59 = arith.muli %scan3A_43, %mul3A_58 : i32
      %add3A_60 = arith.constant 1 : i32
      %add3A_61 = arith.addi %mul3A_59, %add3A_60 : i32
      %mul3A_62 = arith.constant 1600 : i32
      %mul3A_63 = arith.muli %add3A_61, %mul3A_62 : i32
      %add3A_64 = arith.addi %mul3A_2, %mul3A_63 : i32
      %gt3A_65 = arith.constant 0 : i32
      %gt3A_66 = arith.cmpi sgt, %scan3A_43, %gt3A_65 : i32
      %convert_element_type3A_67 = arith.extui %gt3A_66 : i1 to i32
      %cond3A_68 = arith.constant 0 : i32
      %cond3A_69 = arith.cmpi ne, %convert_element_type3A_67, %cond3A_68 : i32
      scf.if %cond3A_69 {
        %dma_wait3A_88 = arith.constant 0 : i32
        %dma_wait3A_89 = arith.constant 0 : i32
        %dma_wait3A_90 = tpu.memref_slice %arg17[%dma_wait3A_88, %dma_wait3A_89] : memref<50176x16xf32, #tpu.memory_space<vmem_shared>> -> memref<50176x16xf32, #tpu.memory_space<vmem_shared>>
        tpu.wait_indirect_dma semaphore(%arg16 : memref<!tpu.dma_semaphore, #tpu.memory_space<semaphore_mem>>) src(%arg12 : memref<1600x16xf32, #tpu.memory_space<vmem>>) dst(%dma_wait3A_90 : memref<50176x16xf32, #tpu.memory_space<vmem_shared>>)
      } else {
      }
      %mul3A_70 = arith.constant 819200 : i32
      %mul3A_71 = arith.muli %add3A_24, %mul3A_70 : i32
      %add3A_72 = arith.addi %mul3A_71, %add3A_64 : i32
      "tpu.region"() ({
        %run_scoped3A = tpu.sem_alloc : memref<!tpu.dma_semaphore, #tpu.memory_space<semaphore_mem>>
        %dma_start3A_88 = tpu.memref_slice %arg3[%add3A_72] : memref<3276800xi32, #tpu.memory_space<hbm>> -> memref<1600xi32, #tpu.memory_space<hbm>>
        %dma_start3A_89 = tpu.memref_slice %arg3[%add3A_72] : memref<3276800xi32, #tpu.memory_space<hbm>> -> memref<1600xi32, #tpu.memory_space<hbm>>
        tpu.enqueue_dma source(%dma_start3A_89 : memref<1600xi32, #tpu.memory_space<hbm>>) target(%arg8 : memref<1600xi32, #tpu.memory_space<vmem>>) target_semaphore(%run_scoped3A : memref<!tpu.dma_semaphore, #tpu.memory_space<semaphore_mem>>)
        %dma_wait3A_90 = tpu.memref_slice %arg3[%add3A_72] : memref<3276800xi32, #tpu.memory_space<hbm>> -> memref<1600xi32, #tpu.memory_space<hbm>>
        %dma_wait3A_91 = tpu.memref_slice %arg3[%add3A_72] : memref<3276800xi32, #tpu.memory_space<hbm>> -> memref<1600xi32, #tpu.memory_space<hbm>>
        tpu.wait_dma2 semaphore(%run_scoped3A : memref<!tpu.dma_semaphore, #tpu.memory_space<semaphore_mem>>) src(%dma_wait3A_91 : memref<1600xi32, #tpu.memory_space<hbm>>) dst(%arg8 : memref<1600xi32, #tpu.memory_space<vmem>>)
        tpu.yield
      }) : () -> ()
      "tpu.region"() ({
        %run_scoped3A = tpu.sem_alloc : memref<!tpu.dma_semaphore, #tpu.memory_space<semaphore_mem>>
        %dma_start3A_88 = tpu.memref_slice %arg4[%add3A_64] : memref<819200xi32, #tpu.memory_space<hbm>> -> memref<1600xi32, #tpu.memory_space<hbm>>
        %dma_start3A_89 = tpu.memref_slice %arg4[%add3A_64] : memref<819200xi32, #tpu.memory_space<hbm>> -> memref<1600xi32, #tpu.memory_space<hbm>>
        tpu.enqueue_dma source(%dma_start3A_89 : memref<1600xi32, #tpu.memory_space<hbm>>) target(%arg10 : memref<1600xi32, #tpu.memory_space<vmem>>) target_semaphore(%run_scoped3A : memref<!tpu.dma_semaphore, #tpu.memory_space<semaphore_mem>>)
        %dma_wait3A_90 = tpu.memref_slice %arg4[%add3A_64] : memref<819200xi32, #tpu.memory_space<hbm>> -> memref<1600xi32, #tpu.memory_space<hbm>>
        %dma_wait3A_91 = tpu.memref_slice %arg4[%add3A_64] : memref<819200xi32, #tpu.memory_space<hbm>> -> memref<1600xi32, #tpu.memory_space<hbm>>
        tpu.wait_dma2 semaphore(%run_scoped3A : memref<!tpu.dma_semaphore, #tpu.memory_space<semaphore_mem>>) src(%dma_wait3A_91 : memref<1600xi32, #tpu.memory_space<hbm>>) dst(%arg10 : memref<1600xi32, #tpu.memory_space<vmem>>)
        tpu.yield
      }) : () -> ()
      %dma_start3A_73 = arith.constant 0 : i32
      %dma_start3A_74 = arith.constant 0 : i32
      %dma_start3A_75 = tpu.memref_slice %arg2[%dma_start3A_73, %dma_start3A_74] : memref<200704x16xf32, #tpu.memory_space<hbm>> -> memref<200704x16xf32, #tpu.memory_space<hbm>>
      tpu.enqueue_indirect_dma source(%dma_start3A_75 : memref<200704x16xf32, #tpu.memory_space<hbm>>) target(%arg12 : memref<1600x16xf32, #tpu.memory_space<vmem>>) offsets(%arg8 : memref<1600xi32, #tpu.memory_space<vmem>>) semaphore(%arg14 : memref<!tpu.dma_semaphore, #tpu.memory_space<semaphore_mem>>)
      %dma_wait3A_76 = arith.constant 0 : i32
      %dma_wait3A_77 = arith.constant 0 : i32
      %dma_wait3A_78 = tpu.memref_slice %arg2[%dma_wait3A_76, %dma_wait3A_77] : memref<200704x16xf32, #tpu.memory_space<hbm>> -> memref<200704x16xf32, #tpu.memory_space<hbm>>
      tpu.wait_indirect_dma semaphore(%arg13 : memref<!tpu.dma_semaphore, #tpu.memory_space<semaphore_mem>>) src(%dma_wait3A_78 : memref<200704x16xf32, #tpu.memory_space<hbm>>) dst(%arg11 : memref<1600x16xf32, #tpu.memory_space<vmem>>)
      %dma_start3A_79 = arith.constant 0 : i32
      %dma_start3A_80 = arith.constant 0 : i32
      %dma_start3A_81 = tpu.memref_slice %arg17[%dma_start3A_79, %dma_start3A_80] : memref<50176x16xf32, #tpu.memory_space<vmem_shared>> -> memref<50176x16xf32, #tpu.memory_space<vmem_shared>>
      tpu.enqueue_indirect_dma source(%arg11 : memref<1600x16xf32, #tpu.memory_space<vmem>>) target(%dma_start3A_81 : memref<50176x16xf32, #tpu.memory_space<vmem_shared>>) offsets(%arg9 : memref<1600xi32, #tpu.memory_space<vmem>>) semaphore(%arg15 : memref<!tpu.dma_semaphore, #tpu.memory_space<semaphore_mem>>) {add = true}
      %dma_wait3A_82 = arith.constant 0 : i32
      %dma_wait3A_83 = arith.constant 0 : i32
      %dma_wait3A_84 = tpu.memref_slice %arg2[%dma_wait3A_82, %dma_wait3A_83] : memref<200704x16xf32, #tpu.memory_space<hbm>> -> memref<200704x16xf32, #tpu.memory_space<hbm>>
      tpu.wait_indirect_dma semaphore(%arg14 : memref<!tpu.dma_semaphore, #tpu.memory_space<semaphore_mem>>) src(%dma_wait3A_84 : memref<200704x16xf32, #tpu.memory_space<hbm>>) dst(%arg12 : memref<1600x16xf32, #tpu.memory_space<vmem>>)
      %dma_start3A_85 = arith.constant 0 : i32
      %dma_start3A_86 = arith.constant 0 : i32
      %dma_start3A_87 = tpu.memref_slice %arg17[%dma_start3A_85, %dma_start3A_86] : memref<50176x16xf32, #tpu.memory_space<vmem_shared>> -> memref<50176x16xf32, #tpu.memory_space<vmem_shared>>
      tpu.enqueue_indirect_dma source(%arg12 : memref<1600x16xf32, #tpu.memory_space<vmem>>) target(%dma_start3A_87 : memref<50176x16xf32, #tpu.memory_space<vmem_shared>>) offsets(%arg10 : memref<1600xi32, #tpu.memory_space<vmem>>) semaphore(%arg16 : memref<!tpu.dma_semaphore, #tpu.memory_space<semaphore_mem>>) {add = true}
    }
    %scan3A_31 = arith.constant 16 : i32
    %dma_wait3A_32 = arith.constant 0 : i32
    %dma_wait3A_33 = arith.constant 0 : i32
    %dma_wait3A_34 = tpu.memref_slice %arg17[%dma_wait3A_32, %dma_wait3A_33] : memref<50176x16xf32, #tpu.memory_space<vmem_shared>> -> memref<50176x16xf32, #tpu.memory_space<vmem_shared>>
    tpu.wait_indirect_dma semaphore(%arg15 : memref<!tpu.dma_semaphore, #tpu.memory_space<semaphore_mem>>) src(%arg11 : memref<1600x16xf32, #tpu.memory_space<vmem>>) dst(%dma_wait3A_34 : memref<50176x16xf32, #tpu.memory_space<vmem_shared>>)
    %dma_wait3A_35 = arith.constant 0 : i32
    %dma_wait3A_36 = arith.constant 0 : i32
    %dma_wait3A_37 = tpu.memref_slice %arg17[%dma_wait3A_35, %dma_wait3A_36] : memref<50176x16xf32, #tpu.memory_space<vmem_shared>> -> memref<50176x16xf32, #tpu.memory_space<vmem_shared>>
    tpu.wait_indirect_dma semaphore(%arg16 : memref<!tpu.dma_semaphore, #tpu.memory_space<semaphore_mem>>) src(%arg12 : memref<1600x16xf32, #tpu.memory_space<vmem>>) dst(%dma_wait3A_37 : memref<50176x16xf32, #tpu.memory_space<vmem_shared>>)
    %barrier3A_38 = arith.constant 0 : index
    tpu.barrier barrier_id(%barrier3A_38)
    %mul3A_39 = arith.constant 50176 : i32
    %mul3A_40 = arith.muli %add3A_24, %mul3A_39 : i32
    %add3A_41 = arith.addi %mul3A_40, %mul3A_0 : i32
    "tpu.region"() ({
      %run_scoped3A = tpu.sem_alloc : memref<!tpu.dma_semaphore, #tpu.memory_space<semaphore_mem>>
      %dma_start3A = arith.constant 0 : i32
      %dma_start3A_43 = tpu.memref_slice %arg6[%add3A_41, %dma_start3A] : memref<200704x16xf32, #tpu.memory_space<hbm>> -> memref<3136x16xf32, #tpu.memory_space<hbm>>
      %dma_start3A_44 = arith.constant 0 : i32
      %dma_start3A_45 = tpu.memref_slice %arg17[%mul3A_0, %dma_start3A_44] : memref<50176x16xf32, #tpu.memory_space<vmem_shared>> -> memref<3136x16xf32, #tpu.memory_space<vmem_shared>>
      tpu.enqueue_dma source(%dma_start3A_45 : memref<3136x16xf32, #tpu.memory_space<vmem_shared>>) target(%dma_start3A_43 : memref<3136x16xf32, #tpu.memory_space<hbm>>) target_semaphore(%run_scoped3A : memref<!tpu.dma_semaphore, #tpu.memory_space<semaphore_mem>>)
      %dma_wait3A_46 = arith.constant 0 : i32
      %dma_wait3A_47 = tpu.memref_slice %arg6[%add3A_41, %dma_wait3A_46] : memref<200704x16xf32, #tpu.memory_space<hbm>> -> memref<3136x16xf32, #tpu.memory_space<hbm>>
      %dma_wait3A_48 = arith.constant 0 : i32
      %dma_wait3A_49 = tpu.memref_slice %arg17[%mul3A_0, %dma_wait3A_48] : memref<50176x16xf32, #tpu.memory_space<vmem_shared>> -> memref<3136x16xf32, #tpu.memory_space<vmem_shared>>
      tpu.wait_dma2 semaphore(%run_scoped3A : memref<!tpu.dma_semaphore, #tpu.memory_space<semaphore_mem>>) src(%dma_wait3A_49 : memref<3136x16xf32, #tpu.memory_space<vmem_shared>>) dst(%dma_wait3A_47 : memref<3136x16xf32, #tpu.memory_space<hbm>>)
      tpu.yield
    }) : () -> ()
    %barrier3A_42 = arith.constant 0 : index
    tpu.barrier barrier_id(%barrier3A_42)
    return
  }
}

#map = affine_map<(d0, d1) -> (0, 0)>
module attributes {stable_mosaic.version = 14 : i64} {
  func.func @_sc_deg_body(%arg0: i32, %arg1: i32, %arg2: memref<6400x128xi32, #tpu.memory_space<hbm>>, %arg3: memref<128x8xf32, #tpu.memory_space<hbm>>, %arg4: memref<3136x8xf32, #tpu.memory_space<hbm>>, %arg5: memref<100352x8xf32, #tpu.memory_space<hbm>>, %arg6: memref<8x128xi32, #tpu.memory_space<vmem>>, %arg7: memref<128x8xf32, #tpu.memory_space<vmem>>, %arg8: memref<50176x8xf32, #tpu.memory_space<vmem_shared>>) attributes {dimension_semantics = [#tpu.dimension_semantics<core_parallel>, #tpu.dimension_semantics<subcore_parallel>], iteration_bounds = array<i64: 2, 16>, scalar_prefetch = 0 : i64, scratch_operands = 3 : i64, tpu.core_type = #tpu.core_type<sc_vector_subcore>, window_params = [{transform_indices = #map}, {transform_indices = #map}, {transform_indices = #map}, {transform_indices = #map}]} {
    %mul3A = arith.constant 2 : i32
    %mul3A_0 = arith.muli %arg1, %mul3A : i32
    %add3A = arith.addi %mul3A_0, %arg0 : i32
    %mul3A_1 = arith.constant 3136 : i32
    %mul3A_2 = arith.muli %arg1, %mul3A_1 : i32
    "tpu.region"() ({
      %run_scoped3A = tpu.sem_alloc : memref<!tpu.dma_semaphore, #tpu.memory_space<semaphore_mem>>
      %dma_start3A = arith.constant 0 : i32
      %dma_start3A_14 = tpu.memref_slice %arg8[%mul3A_2, %dma_start3A] : memref<50176x8xf32, #tpu.memory_space<vmem_shared>> -> memref<3136x8xf32, #tpu.memory_space<vmem_shared>>
      tpu.enqueue_dma source(%arg4 : memref<3136x8xf32, #tpu.memory_space<hbm>>) target(%dma_start3A_14 : memref<3136x8xf32, #tpu.memory_space<vmem_shared>>) target_semaphore(%run_scoped3A : memref<!tpu.dma_semaphore, #tpu.memory_space<semaphore_mem>>)
      %dma_wait3A = arith.constant 0 : i32
      %dma_wait3A_15 = tpu.memref_slice %arg8[%mul3A_2, %dma_wait3A] : memref<50176x8xf32, #tpu.memory_space<vmem_shared>> -> memref<3136x8xf32, #tpu.memory_space<vmem_shared>>
      tpu.wait_dma2 semaphore(%run_scoped3A : memref<!tpu.dma_semaphore, #tpu.memory_space<semaphore_mem>>) src(%arg4 : memref<3136x8xf32, #tpu.memory_space<hbm>>) dst(%dma_wait3A_15 : memref<3136x8xf32, #tpu.memory_space<vmem_shared>>)
      tpu.yield
    }) : () -> ()
    "tpu.region"() ({
      %run_scoped3A = tpu.sem_alloc : memref<!tpu.dma_semaphore, #tpu.memory_space<semaphore_mem>>
      tpu.enqueue_dma source(%arg3 : memref<128x8xf32, #tpu.memory_space<hbm>>) target(%arg7 : memref<128x8xf32, #tpu.memory_space<vmem>>) target_semaphore(%run_scoped3A : memref<!tpu.dma_semaphore, #tpu.memory_space<semaphore_mem>>)
      tpu.wait_dma2 semaphore(%run_scoped3A : memref<!tpu.dma_semaphore, #tpu.memory_space<semaphore_mem>>) src(%arg3 : memref<128x8xf32, #tpu.memory_space<hbm>>) dst(%arg7 : memref<128x8xf32, #tpu.memory_space<vmem>>)
      tpu.yield
    }) : () -> ()
    %barrier3A = arith.constant 0 : index
    tpu.barrier barrier_id(%barrier3A)
    %mul3A_3 = arith.constant 200 : i32
    %mul3A_4 = arith.muli %add3A, %mul3A_3 : i32
    %scan3A = arith.constant 0 : i32
    %scan3A_5 = arith.constant 0 : i32
    %scan3A_6 = arith.constant 25 : i32
    %scan3A_7 = arith.addi %scan3A_5, %scan3A_6 : i32
    %scan3A_8 = arith.constant 1 : i32
    scf.for %scan3A_14 = %scan3A_5 to %scan3A_7 step %scan3A_8  : i32 {
      %mul3A_15 = arith.constant 8 : i32
      %mul3A_16 = arith.muli %scan3A_14, %mul3A_15 : i32
      %add3A_17 = arith.addi %mul3A_4, %mul3A_16 : i32
      "tpu.region"() ({
        %run_scoped3A_25 = tpu.sem_alloc : memref<!tpu.dma_semaphore, #tpu.memory_space<semaphore_mem>>
        %dma_start3A = arith.constant 0 : i32
        %dma_start3A_26 = tpu.memref_slice %arg2[%add3A_17, %dma_start3A] : memref<6400x128xi32, #tpu.memory_space<hbm>> -> memref<8x128xi32, #tpu.memory_space<hbm>>
        %dma_start3A_27 = arith.constant 0 : i32
        %dma_start3A_28 = tpu.memref_slice %arg2[%add3A_17, %dma_start3A_27] : memref<6400x128xi32, #tpu.memory_space<hbm>> -> memref<8x128xi32, #tpu.memory_space<hbm>>
        tpu.enqueue_dma source(%dma_start3A_28 : memref<8x128xi32, #tpu.memory_space<hbm>>) target(%arg6 : memref<8x128xi32, #tpu.memory_space<vmem>>) target_semaphore(%run_scoped3A_25 : memref<!tpu.dma_semaphore, #tpu.memory_space<semaphore_mem>>)
        %dma_wait3A = arith.constant 0 : i32
        %dma_wait3A_29 = tpu.memref_slice %arg2[%add3A_17, %dma_wait3A] : memref<6400x128xi32, #tpu.memory_space<hbm>> -> memref<8x128xi32, #tpu.memory_space<hbm>>
        %dma_wait3A_30 = arith.constant 0 : i32
        %dma_wait3A_31 = tpu.memref_slice %arg2[%add3A_17, %dma_wait3A_30] : memref<6400x128xi32, #tpu.memory_space<hbm>> -> memref<8x128xi32, #tpu.memory_space<hbm>>
        tpu.wait_dma2 semaphore(%run_scoped3A_25 : memref<!tpu.dma_semaphore, #tpu.memory_space<semaphore_mem>>) src(%dma_wait3A_31 : memref<8x128xi32, #tpu.memory_space<hbm>>) dst(%arg6 : memref<8x128xi32, #tpu.memory_space<vmem>>)
        tpu.yield
      }) : () -> ()
      %run_scoped3A = arith.constant 0 : i32
      "tpu.region"() ({
        %run_scoped3A_25 = tpu.sem_alloc : memref<!tpu.dma_semaphore, #tpu.memory_space<semaphore_mem>>
        %dma_start3A = arith.constant 0 : i32
        %dma_start3A_26 = tpu.memref_slice %arg6[%run_scoped3A, %dma_start3A] : memref<8x128xi32, #tpu.memory_space<vmem>> -> memref<1x128xi32, #tpu.memory_space<vmem>>
        %dma_start3A_27 = tpu.memref_squeeze %dma_start3A_26 : memref<1x128xi32, #tpu.memory_space<vmem>> -> memref<128xi32, #tpu.memory_space<vmem>>
        %dma_start3A_28 = arith.constant 0 : i32
        %dma_start3A_29 = arith.constant 0 : i32
        %dma_start3A_30 = tpu.memref_slice %arg8[%dma_start3A_28, %dma_start3A_29] : memref<50176x8xf32, #tpu.memory_space<vmem_shared>> -> memref<50176x8xf32, #tpu.memory_space<vmem_shared>>
        tpu.enqueue_indirect_dma source(%arg7 : memref<128x8xf32, #tpu.memory_space<vmem>>) target(%dma_start3A_30 : memref<50176x8xf32, #tpu.memory_space<vmem_shared>>) offsets(%dma_start3A_27 : memref<128xi32, #tpu.memory_space<vmem>>) semaphore(%run_scoped3A_25 : memref<!tpu.dma_semaphore, #tpu.memory_space<semaphore_mem>>) {add = true}
        %dma_wait3A = arith.constant 0 : i32
        %dma_wait3A_31 = tpu.memref_slice %arg6[%run_scoped3A, %dma_wait3A] : memref<8x128xi32, #tpu.memory_space<vmem>> -> memref<1x128xi32, #tpu.memory_space<vmem>>
        %dma_wait3A_32 = tpu.memref_squeeze %dma_wait3A_31 : memref<1x128xi32, #tpu.memory_space<vmem>> -> memref<128xi32, #tpu.memory_space<vmem>>
        %dma_wait3A_33 = arith.constant 0 : i32
        %dma_wait3A_34 = arith.constant 0 : i32
        %dma_wait3A_35 = tpu.memref_slice %arg8[%dma_wait3A_33, %dma_wait3A_34] : memref<50176x8xf32, #tpu.memory_space<vmem_shared>> -> memref<50176x8xf32, #tpu.memory_space<vmem_shared>>
        tpu.wait_indirect_dma semaphore(%run_scoped3A_25 : memref<!tpu.dma_semaphore, #tpu.memory_space<semaphore_mem>>) src(%arg7 : memref<128x8xf32, #tpu.memory_space<vmem>>) dst(%dma_wait3A_35 : memref<50176x8xf32, #tpu.memory_space<vmem_shared>>)
        tpu.yield
      }) : () -> ()
      %run_scoped3A_18 = arith.constant 1 : i32
      "tpu.region"() ({
        %run_scoped3A_25 = tpu.sem_alloc : memref<!tpu.dma_semaphore, #tpu.memory_space<semaphore_mem>>
        %dma_start3A = arith.constant 0 : i32
        %dma_start3A_26 = tpu.memref_slice %arg6[%run_scoped3A_18, %dma_start3A] : memref<8x128xi32, #tpu.memory_space<vmem>> -> memref<1x128xi32, #tpu.memory_space<vmem>>
        %dma_start3A_27 = tpu.memref_squeeze %dma_start3A_26 : memref<1x128xi32, #tpu.memory_space<vmem>> -> memref<128xi32, #tpu.memory_space<vmem>>
        %dma_start3A_28 = arith.constant 0 : i32
        %dma_start3A_29 = arith.constant 0 : i32
        %dma_start3A_30 = tpu.memref_slice %arg8[%dma_start3A_28, %dma_start3A_29] : memref<50176x8xf32, #tpu.memory_space<vmem_shared>> -> memref<50176x8xf32, #tpu.memory_space<vmem_shared>>
        tpu.enqueue_indirect_dma source(%arg7 : memref<128x8xf32, #tpu.memory_space<vmem>>) target(%dma_start3A_30 : memref<50176x8xf32, #tpu.memory_space<vmem_shared>>) offsets(%dma_start3A_27 : memref<128xi32, #tpu.memory_space<vmem>>) semaphore(%run_scoped3A_25 : memref<!tpu.dma_semaphore, #tpu.memory_space<semaphore_mem>>) {add = true}
        %dma_wait3A = arith.constant 0 : i32
        %dma_wait3A_31 = tpu.memref_slice %arg6[%run_scoped3A_18, %dma_wait3A] : memref<8x128xi32, #tpu.memory_space<vmem>> -> memref<1x128xi32, #tpu.memory_space<vmem>>
        %dma_wait3A_32 = tpu.memref_squeeze %dma_wait3A_31 : memref<1x128xi32, #tpu.memory_space<vmem>> -> memref<128xi32, #tpu.memory_space<vmem>>
        %dma_wait3A_33 = arith.constant 0 : i32
        %dma_wait3A_34 = arith.constant 0 : i32
        %dma_wait3A_35 = tpu.memref_slice %arg8[%dma_wait3A_33, %dma_wait3A_34] : memref<50176x8xf32, #tpu.memory_space<vmem_shared>> -> memref<50176x8xf32, #tpu.memory_space<vmem_shared>>
        tpu.wait_indirect_dma semaphore(%run_scoped3A_25 : memref<!tpu.dma_semaphore, #tpu.memory_space<semaphore_mem>>) src(%arg7 : memref<128x8xf32, #tpu.memory_space<vmem>>) dst(%dma_wait3A_35 : memref<50176x8xf32, #tpu.memory_space<vmem_shared>>)
        tpu.yield
      }) : () -> ()
      %run_scoped3A_19 = arith.constant 2 : i32
      "tpu.region"() ({
        %run_scoped3A_25 = tpu.sem_alloc : memref<!tpu.dma_semaphore, #tpu.memory_space<semaphore_mem>>
        %dma_start3A = arith.constant 0 : i32
        %dma_start3A_26 = tpu.memref_slice %arg6[%run_scoped3A_19, %dma_start3A] : memref<8x128xi32, #tpu.memory_space<vmem>> -> memref<1x128xi32, #tpu.memory_space<vmem>>
        %dma_start3A_27 = tpu.memref_squeeze %dma_start3A_26 : memref<1x128xi32, #tpu.memory_space<vmem>> -> memref<128xi32, #tpu.memory_space<vmem>>
        %dma_start3A_28 = arith.constant 0 : i32
        %dma_start3A_29 = arith.constant 0 : i32
        %dma_start3A_30 = tpu.memref_slice %arg8[%dma_start3A_28, %dma_start3A_29] : memref<50176x8xf32, #tpu.memory_space<vmem_shared>> -> memref<50176x8xf32, #tpu.memory_space<vmem_shared>>
        tpu.enqueue_indirect_dma source(%arg7 : memref<128x8xf32, #tpu.memory_space<vmem>>) target(%dma_start3A_30 : memref<50176x8xf32, #tpu.memory_space<vmem_shared>>) offsets(%dma_start3A_27 : memref<128xi32, #tpu.memory_space<vmem>>) semaphore(%run_scoped3A_25 : memref<!tpu.dma_semaphore, #tpu.memory_space<semaphore_mem>>) {add = true}
        %dma_wait3A = arith.constant 0 : i32
        %dma_wait3A_31 = tpu.memref_slice %arg6[%run_scoped3A_19, %dma_wait3A] : memref<8x128xi32, #tpu.memory_space<vmem>> -> memref<1x128xi32, #tpu.memory_space<vmem>>
        %dma_wait3A_32 = tpu.memref_squeeze %dma_wait3A_31 : memref<1x128xi32, #tpu.memory_space<vmem>> -> memref<128xi32, #tpu.memory_space<vmem>>
        %dma_wait3A_33 = arith.constant 0 : i32
        %dma_wait3A_34 = arith.constant 0 : i32
        %dma_wait3A_35 = tpu.memref_slice %arg8[%dma_wait3A_33, %dma_wait3A_34] : memref<50176x8xf32, #tpu.memory_space<vmem_shared>> -> memref<50176x8xf32, #tpu.memory_space<vmem_shared>>
        tpu.wait_indirect_dma semaphore(%run_scoped3A_25 : memref<!tpu.dma_semaphore, #tpu.memory_space<semaphore_mem>>) src(%arg7 : memref<128x8xf32, #tpu.memory_space<vmem>>) dst(%dma_wait3A_35 : memref<50176x8xf32, #tpu.memory_space<vmem_shared>>)
        tpu.yield
      }) : () -> ()
      %run_scoped3A_20 = arith.constant 3 : i32
      "tpu.region"() ({
        %run_scoped3A_25 = tpu.sem_alloc : memref<!tpu.dma_semaphore, #tpu.memory_space<semaphore_mem>>
        %dma_start3A = arith.constant 0 : i32
        %dma_start3A_26 = tpu.memref_slice %arg6[%run_scoped3A_20, %dma_start3A] : memref<8x128xi32, #tpu.memory_space<vmem>> -> memref<1x128xi32, #tpu.memory_space<vmem>>
        %dma_start3A_27 = tpu.memref_squeeze %dma_start3A_26 : memref<1x128xi32, #tpu.memory_space<vmem>> -> memref<128xi32, #tpu.memory_space<vmem>>
        %dma_start3A_28 = arith.constant 0 : i32
        %dma_start3A_29 = arith.constant 0 : i32
        %dma_start3A_30 = tpu.memref_slice %arg8[%dma_start3A_28, %dma_start3A_29] : memref<50176x8xf32, #tpu.memory_space<vmem_shared>> -> memref<50176x8xf32, #tpu.memory_space<vmem_shared>>
        tpu.enqueue_indirect_dma source(%arg7 : memref<128x8xf32, #tpu.memory_space<vmem>>) target(%dma_start3A_30 : memref<50176x8xf32, #tpu.memory_space<vmem_shared>>) offsets(%dma_start3A_27 : memref<128xi32, #tpu.memory_space<vmem>>) semaphore(%run_scoped3A_25 : memref<!tpu.dma_semaphore, #tpu.memory_space<semaphore_mem>>) {add = true}
        %dma_wait3A = arith.constant 0 : i32
        %dma_wait3A_31 = tpu.memref_slice %arg6[%run_scoped3A_20, %dma_wait3A] : memref<8x128xi32, #tpu.memory_space<vmem>> -> memref<1x128xi32, #tpu.memory_space<vmem>>
        %dma_wait3A_32 = tpu.memref_squeeze %dma_wait3A_31 : memref<1x128xi32, #tpu.memory_space<vmem>> -> memref<128xi32, #tpu.memory_space<vmem>>
        %dma_wait3A_33 = arith.constant 0 : i32
        %dma_wait3A_34 = arith.constant 0 : i32
        %dma_wait3A_35 = tpu.memref_slice %arg8[%dma_wait3A_33, %dma_wait3A_34] : memref<50176x8xf32, #tpu.memory_space<vmem_shared>> -> memref<50176x8xf32, #tpu.memory_space<vmem_shared>>
        tpu.wait_indirect_dma semaphore(%run_scoped3A_25 : memref<!tpu.dma_semaphore, #tpu.memory_space<semaphore_mem>>) src(%arg7 : memref<128x8xf32, #tpu.memory_space<vmem>>) dst(%dma_wait3A_35 : memref<50176x8xf32, #tpu.memory_space<vmem_shared>>)
        tpu.yield
      }) : () -> ()
      %run_scoped3A_21 = arith.constant 4 : i32
      "tpu.region"() ({
        %run_scoped3A_25 = tpu.sem_alloc : memref<!tpu.dma_semaphore, #tpu.memory_space<semaphore_mem>>
        %dma_start3A = arith.constant 0 : i32
        %dma_start3A_26 = tpu.memref_slice %arg6[%run_scoped3A_21, %dma_start3A] : memref<8x128xi32, #tpu.memory_space<vmem>> -> memref<1x128xi32, #tpu.memory_space<vmem>>
        %dma_start3A_27 = tpu.memref_squeeze %dma_start3A_26 : memref<1x128xi32, #tpu.memory_space<vmem>> -> memref<128xi32, #tpu.memory_space<vmem>>
        %dma_start3A_28 = arith.constant 0 : i32
        %dma_start3A_29 = arith.constant 0 : i32
        %dma_start3A_30 = tpu.memref_slice %arg8[%dma_start3A_28, %dma_start3A_29] : memref<50176x8xf32, #tpu.memory_space<vmem_shared>> -> memref<50176x8xf32, #tpu.memory_space<vmem_shared>>
        tpu.enqueue_indirect_dma source(%arg7 : memref<128x8xf32, #tpu.memory_space<vmem>>) target(%dma_start3A_30 : memref<50176x8xf32, #tpu.memory_space<vmem_shared>>) offsets(%dma_start3A_27 : memref<128xi32, #tpu.memory_space<vmem>>) semaphore(%run_scoped3A_25 : memref<!tpu.dma_semaphore, #tpu.memory_space<semaphore_mem>>) {add = true}
        %dma_wait3A = arith.constant 0 : i32
        %dma_wait3A_31 = tpu.memref_slice %arg6[%run_scoped3A_21, %dma_wait3A] : memref<8x128xi32, #tpu.memory_space<vmem>> -> memref<1x128xi32, #tpu.memory_space<vmem>>
        %dma_wait3A_32 = tpu.memref_squeeze %dma_wait3A_31 : memref<1x128xi32, #tpu.memory_space<vmem>> -> memref<128xi32, #tpu.memory_space<vmem>>
        %dma_wait3A_33 = arith.constant 0 : i32
        %dma_wait3A_34 = arith.constant 0 : i32
        %dma_wait3A_35 = tpu.memref_slice %arg8[%dma_wait3A_33, %dma_wait3A_34] : memref<50176x8xf32, #tpu.memory_space<vmem_shared>> -> memref<50176x8xf32, #tpu.memory_space<vmem_shared>>
        tpu.wait_indirect_dma semaphore(%run_scoped3A_25 : memref<!tpu.dma_semaphore, #tpu.memory_space<semaphore_mem>>) src(%arg7 : memref<128x8xf32, #tpu.memory_space<vmem>>) dst(%dma_wait3A_35 : memref<50176x8xf32, #tpu.memory_space<vmem_shared>>)
        tpu.yield
      }) : () -> ()
      %run_scoped3A_22 = arith.constant 5 : i32
      "tpu.region"() ({
        %run_scoped3A_25 = tpu.sem_alloc : memref<!tpu.dma_semaphore, #tpu.memory_space<semaphore_mem>>
        %dma_start3A = arith.constant 0 : i32
        %dma_start3A_26 = tpu.memref_slice %arg6[%run_scoped3A_22, %dma_start3A] : memref<8x128xi32, #tpu.memory_space<vmem>> -> memref<1x128xi32, #tpu.memory_space<vmem>>
        %dma_start3A_27 = tpu.memref_squeeze %dma_start3A_26 : memref<1x128xi32, #tpu.memory_space<vmem>> -> memref<128xi32, #tpu.memory_space<vmem>>
        %dma_start3A_28 = arith.constant 0 : i32
        %dma_start3A_29 = arith.constant 0 : i32
        %dma_start3A_30 = tpu.memref_slice %arg8[%dma_start3A_28, %dma_start3A_29] : memref<50176x8xf32, #tpu.memory_space<vmem_shared>> -> memref<50176x8xf32, #tpu.memory_space<vmem_shared>>
        tpu.enqueue_indirect_dma source(%arg7 : memref<128x8xf32, #tpu.memory_space<vmem>>) target(%dma_start3A_30 : memref<50176x8xf32, #tpu.memory_space<vmem_shared>>) offsets(%dma_start3A_27 : memref<128xi32, #tpu.memory_space<vmem>>) semaphore(%run_scoped3A_25 : memref<!tpu.dma_semaphore, #tpu.memory_space<semaphore_mem>>) {add = true}
        %dma_wait3A = arith.constant 0 : i32
        %dma_wait3A_31 = tpu.memref_slice %arg6[%run_scoped3A_22, %dma_wait3A] : memref<8x128xi32, #tpu.memory_space<vmem>> -> memref<1x128xi32, #tpu.memory_space<vmem>>
        %dma_wait3A_32 = tpu.memref_squeeze %dma_wait3A_31 : memref<1x128xi32, #tpu.memory_space<vmem>> -> memref<128xi32, #tpu.memory_space<vmem>>
        %dma_wait3A_33 = arith.constant 0 : i32
        %dma_wait3A_34 = arith.constant 0 : i32
        %dma_wait3A_35 = tpu.memref_slice %arg8[%dma_wait3A_33, %dma_wait3A_34] : memref<50176x8xf32, #tpu.memory_space<vmem_shared>> -> memref<50176x8xf32, #tpu.memory_space<vmem_shared>>
        tpu.wait_indirect_dma semaphore(%run_scoped3A_25 : memref<!tpu.dma_semaphore, #tpu.memory_space<semaphore_mem>>) src(%arg7 : memref<128x8xf32, #tpu.memory_space<vmem>>) dst(%dma_wait3A_35 : memref<50176x8xf32, #tpu.memory_space<vmem_shared>>)
        tpu.yield
      }) : () -> ()
      %run_scoped3A_23 = arith.constant 6 : i32
      "tpu.region"() ({
        %run_scoped3A_25 = tpu.sem_alloc : memref<!tpu.dma_semaphore, #tpu.memory_space<semaphore_mem>>
        %dma_start3A = arith.constant 0 : i32
        %dma_start3A_26 = tpu.memref_slice %arg6[%run_scoped3A_23, %dma_start3A] : memref<8x128xi32, #tpu.memory_space<vmem>> -> memref<1x128xi32, #tpu.memory_space<vmem>>
        %dma_start3A_27 = tpu.memref_squeeze %dma_start3A_26 : memref<1x128xi32, #tpu.memory_space<vmem>> -> memref<128xi32, #tpu.memory_space<vmem>>
        %dma_start3A_28 = arith.constant 0 : i32
        %dma_start3A_29 = arith.constant 0 : i32
        %dma_start3A_30 = tpu.memref_slice %arg8[%dma_start3A_28, %dma_start3A_29] : memref<50176x8xf32, #tpu.memory_space<vmem_shared>> -> memref<50176x8xf32, #tpu.memory_space<vmem_shared>>
        tpu.enqueue_indirect_dma source(%arg7 : memref<128x8xf32, #tpu.memory_space<vmem>>) target(%dma_start3A_30 : memref<50176x8xf32, #tpu.memory_space<vmem_shared>>) offsets(%dma_start3A_27 : memref<128xi32, #tpu.memory_space<vmem>>) semaphore(%run_scoped3A_25 : memref<!tpu.dma_semaphore, #tpu.memory_space<semaphore_mem>>) {add = true}
        %dma_wait3A = arith.constant 0 : i32
        %dma_wait3A_31 = tpu.memref_slice %arg6[%run_scoped3A_23, %dma_wait3A] : memref<8x128xi32, #tpu.memory_space<vmem>> -> memref<1x128xi32, #tpu.memory_space<vmem>>
        %dma_wait3A_32 = tpu.memref_squeeze %dma_wait3A_31 : memref<1x128xi32, #tpu.memory_space<vmem>> -> memref<128xi32, #tpu.memory_space<vmem>>
        %dma_wait3A_33 = arith.constant 0 : i32
        %dma_wait3A_34 = arith.constant 0 : i32
        %dma_wait3A_35 = tpu.memref_slice %arg8[%dma_wait3A_33, %dma_wait3A_34] : memref<50176x8xf32, #tpu.memory_space<vmem_shared>> -> memref<50176x8xf32, #tpu.memory_space<vmem_shared>>
        tpu.wait_indirect_dma semaphore(%run_scoped3A_25 : memref<!tpu.dma_semaphore, #tpu.memory_space<semaphore_mem>>) src(%arg7 : memref<128x8xf32, #tpu.memory_space<vmem>>) dst(%dma_wait3A_35 : memref<50176x8xf32, #tpu.memory_space<vmem_shared>>)
        tpu.yield
      }) : () -> ()
      %run_scoped3A_24 = arith.constant 7 : i32
      "tpu.region"() ({
        %run_scoped3A_25 = tpu.sem_alloc : memref<!tpu.dma_semaphore, #tpu.memory_space<semaphore_mem>>
        %dma_start3A = arith.constant 0 : i32
        %dma_start3A_26 = tpu.memref_slice %arg6[%run_scoped3A_24, %dma_start3A] : memref<8x128xi32, #tpu.memory_space<vmem>> -> memref<1x128xi32, #tpu.memory_space<vmem>>
        %dma_start3A_27 = tpu.memref_squeeze %dma_start3A_26 : memref<1x128xi32, #tpu.memory_space<vmem>> -> memref<128xi32, #tpu.memory_space<vmem>>
        %dma_start3A_28 = arith.constant 0 : i32
        %dma_start3A_29 = arith.constant 0 : i32
        %dma_start3A_30 = tpu.memref_slice %arg8[%dma_start3A_28, %dma_start3A_29] : memref<50176x8xf32, #tpu.memory_space<vmem_shared>> -> memref<50176x8xf32, #tpu.memory_space<vmem_shared>>
        tpu.enqueue_indirect_dma source(%arg7 : memref<128x8xf32, #tpu.memory_space<vmem>>) target(%dma_start3A_30 : memref<50176x8xf32, #tpu.memory_space<vmem_shared>>) offsets(%dma_start3A_27 : memref<128xi32, #tpu.memory_space<vmem>>) semaphore(%run_scoped3A_25 : memref<!tpu.dma_semaphore, #tpu.memory_space<semaphore_mem>>) {add = true}
        %dma_wait3A = arith.constant 0 : i32
        %dma_wait3A_31 = tpu.memref_slice %arg6[%run_scoped3A_24, %dma_wait3A] : memref<8x128xi32, #tpu.memory_space<vmem>> -> memref<1x128xi32, #tpu.memory_space<vmem>>
        %dma_wait3A_32 = tpu.memref_squeeze %dma_wait3A_31 : memref<1x128xi32, #tpu.memory_space<vmem>> -> memref<128xi32, #tpu.memory_space<vmem>>
        %dma_wait3A_33 = arith.constant 0 : i32
        %dma_wait3A_34 = arith.constant 0 : i32
        %dma_wait3A_35 = tpu.memref_slice %arg8[%dma_wait3A_33, %dma_wait3A_34] : memref<50176x8xf32, #tpu.memory_space<vmem_shared>> -> memref<50176x8xf32, #tpu.memory_space<vmem_shared>>
        tpu.wait_indirect_dma semaphore(%run_scoped3A_25 : memref<!tpu.dma_semaphore, #tpu.memory_space<semaphore_mem>>) src(%arg7 : memref<128x8xf32, #tpu.memory_space<vmem>>) dst(%dma_wait3A_35 : memref<50176x8xf32, #tpu.memory_space<vmem_shared>>)
        tpu.yield
      }) : () -> ()
    }
    %scan3A_9 = arith.constant 25 : i32
    %barrier3A_10 = arith.constant 0 : index
    tpu.barrier barrier_id(%barrier3A_10)
    %mul3A_11 = arith.constant 50176 : i32
    %mul3A_12 = arith.muli %arg0, %mul3A_11 : i32
    %add3A_13 = arith.addi %mul3A_12, %mul3A_2 : i32
    "tpu.region"() ({
      %run_scoped3A = tpu.sem_alloc : memref<!tpu.dma_semaphore, #tpu.memory_space<semaphore_mem>>
      %dma_start3A = arith.constant 0 : i32
      %dma_start3A_14 = tpu.memref_slice %arg5[%add3A_13, %dma_start3A] : memref<100352x8xf32, #tpu.memory_space<hbm>> -> memref<3136x8xf32, #tpu.memory_space<hbm>>
      %dma_start3A_15 = arith.constant 0 : i32
      %dma_start3A_16 = tpu.memref_slice %arg8[%mul3A_2, %dma_start3A_15] : memref<50176x8xf32, #tpu.memory_space<vmem_shared>> -> memref<3136x8xf32, #tpu.memory_space<vmem_shared>>
      tpu.enqueue_dma source(%dma_start3A_16 : memref<3136x8xf32, #tpu.memory_space<vmem_shared>>) target(%dma_start3A_14 : memref<3136x8xf32, #tpu.memory_space<hbm>>) target_semaphore(%run_scoped3A : memref<!tpu.dma_semaphore, #tpu.memory_space<semaphore_mem>>)
      %dma_wait3A = arith.constant 0 : i32
      %dma_wait3A_17 = tpu.memref_slice %arg5[%add3A_13, %dma_wait3A] : memref<100352x8xf32, #tpu.memory_space<hbm>> -> memref<3136x8xf32, #tpu.memory_space<hbm>>
      %dma_wait3A_18 = arith.constant 0 : i32
      %dma_wait3A_19 = tpu.memref_slice %arg8[%mul3A_2, %dma_wait3A_18] : memref<50176x8xf32, #tpu.memory_space<vmem_shared>> -> memref<3136x8xf32, #tpu.memory_space<vmem_shared>>
      tpu.wait_dma2 semaphore(%run_scoped3A : memref<!tpu.dma_semaphore, #tpu.memory_space<semaphore_mem>>) src(%dma_wait3A_19 : memref<3136x8xf32, #tpu.memory_space<vmem_shared>>) dst(%dma_wait3A_17 : memref<3136x8xf32, #tpu.memory_space<hbm>>)
      tpu.yield
    }) : () -> ()
    return
  }
}

module attributes {stable_mosaic.version = 14 : i64} {
  func.func @_tc_body(%arg0: i32, %arg1: memref<4x128x128xf32, #tpu.memory_space<vmem>>, %arg2: memref<4x128x128xf32, #tpu.memory_space<vmem>>, %arg3: memref<1x64x128xf32, #tpu.memory_space<vmem>>, %arg4: memref<1x64x128xf32, #tpu.memory_space<vmem>>, %arg5: memref<8x128x512xf32, #tpu.memory_space<vmem>>, %arg6: memref<1x512xf32, #tpu.memory_space<vmem>>, %arg7: memref<128x64xf32, #tpu.memory_space<vmem>>, %arg8: memref<2x128x128xf32, #tpu.memory_space<vmem>>, %arg9: memref<128x512xf32, #tpu.memory_space<vmem>>) attributes {dimension_semantics = [#tpu.dimension_semantics<arbitrary>], iteration_bounds = array<i64: 49>, scalar_prefetch = 0 : i64, scratch_operands = 0 : i64, tpu.core_type = #tpu.core_type<tc>, window_params = [{transform_indices = @transform_0, window_bounds = array<i64: 4, 128, 128>}, {transform_indices = @transform_1, window_bounds = array<i64: 4, 128, 128>}, {transform_indices = @transform_2, window_bounds = array<i64: 1, 64, 128>}, {transform_indices = @transform_3, window_bounds = array<i64: 1, 64, 128>}, {pipeline_mode = #tpu.pipeline_mode<synchronous>, transform_indices = @transform_4, window_bounds = array<i64: 8, 128, 512>}, {pipeline_mode = #tpu.pipeline_mode<synchronous>, transform_indices = @transform_5, window_bounds = array<i64: 1, 512>}, {pipeline_mode = #tpu.pipeline_mode<synchronous>, transform_indices = @transform_6, window_bounds = array<i64: 128, 64>}, {pipeline_mode = #tpu.pipeline_mode<synchronous>, transform_indices = @transform_7, window_bounds = array<i64: 2, 128, 128>}, {transform_indices = @transform_8, window_bounds = array<i64: 128, 512>}]} {
    %get3A = arith.constant 0 : index
    %get3A_0 = arith.constant 0 : index
    %get3A_1 = arith.constant 0 : index
    %get3A_2 = vector.load %arg3[%get3A, %get3A_0, %get3A_1] : memref<1x64x128xf32, #tpu.memory_space<vmem>>, vector<1x64x128xf32>
    %get3A_3 = vector.shape_cast %get3A_2 : vector<1x64x128xf32> to vector<64x128xf32>
    %get3A_4 = arith.constant 0 : index
    %get3A_5 = arith.constant 0 : index
    %get3A_6 = arith.constant 0 : index
    %get3A_7 = vector.load %arg4[%get3A_4, %get3A_5, %get3A_6] : memref<1x64x128xf32, #tpu.memory_space<vmem>>, vector<1x64x128xf32>
    %get3A_8 = vector.shape_cast %get3A_7 : vector<1x64x128xf32> to vector<64x128xf32>
    %add3A = arith.addf %get3A_3, %get3A_8 : vector<64x128xf32>
    %get3A_9 = arith.constant 0 : index
    %get3A_10 = arith.constant 0 : index
    %get3A_11 = vector.load %arg7[%get3A_9, %get3A_10] : memref<128x64xf32, #tpu.memory_space<vmem>>, vector<128x64xf32>
    %dot_general3A = arith.constant dense<0.000000e+00> : vector<128x128xf32>
    %dot_general3A_12 = tpu.matmul %get3A_11, %add3A, %dot_general3A {dimension_numbers = #tpu.dot_dimension_numbers<[1], [0], [0], [1], [0, 0, 1, 1], [], []>, transpose_lhs_hint = false} : vector<128x64xf32>, vector<64x128xf32>, vector<128x128xf32> -> vector<128x128xf32>
    %iota3A = tpu.iota {dimensions = array<i32: 0>} : vector<128x1xi32>
    %jit3A = arith.constant 2 : i32
    %eq3A = arith.constant 0 : i32
    %eq3A_13 = arith.cmpi eq, %jit3A, %eq3A : i32
    %jit3A_14 = arith.constant 1 : i32
    %select_n3A = arith.select %eq3A_13, %jit3A_14, %jit3A : i32
    %rem3A = vector.broadcast %select_n3A : i32 to vector<128x1xi32>
    %rem3A_15 = arith.remsi %iota3A, %rem3A : vector<128x1xi32>
    %ne3A = arith.constant 0 : i32
    %ne3A_16 = vector.broadcast %ne3A : i32 to vector<128x1xi32>
    %ne3A_17 = arith.cmpi ne, %rem3A_15, %ne3A_16 : vector<128x1xi32>
    %lt3A = arith.constant 0 : i32
    %lt3A_18 = vector.broadcast %lt3A : i32 to vector<128x1xi32>
    %lt3A_19 = arith.cmpi slt, %rem3A_15, %lt3A_18 : vector<128x1xi32>
    %lt3A_20 = arith.constant 0 : i32
    %lt3A_21 = arith.cmpi slt, %select_n3A, %lt3A_20 : i32
    %ne3A_22 = vector.broadcast %lt3A_21 : i1 to vector<128x1xi1>
    %ne3A_23 = vector.broadcast %ne3A_22 : vector<128x1xi1> to vector<128x1xi1>
    %ne3A_24 = arith.xori %lt3A_19, %ne3A_23 : vector<128x1xi1>
    %and3A = arith.andi %ne3A_24, %ne3A_17 : vector<128x1xi1>
    %add3A_25 = vector.broadcast %select_n3A : i32 to vector<128x1xi32>
    %add3A_26 = arith.addi %rem3A_15, %add3A_25 : vector<128x1xi32>
    %select_n3A_27 = arith.select %and3A, %add3A_26, %rem3A_15 : vector<128x1xi1>, vector<128x1xi32>
    %eq3A_28 = arith.constant 0 : i32
    %eq3A_29 = vector.broadcast %eq3A_28 : i32 to vector<128x1xi32>
    %eq3A_30 = arith.cmpi eq, %select_n3A_27, %eq3A_29 : vector<128x1xi32>
    %get3A_31 = arith.constant 0 : index
    %get3A_32 = arith.constant 0 : index
    %get3A_33 = arith.constant 0 : index
    %get3A_34 = vector.load %arg8[%get3A_31, %get3A_32, %get3A_33] : memref<2x128x128xf32, #tpu.memory_space<vmem>>, vector<1x128x128xf32>
    %get3A_35 = vector.shape_cast %get3A_34 : vector<1x128x128xf32> to vector<128x128xf32>
    %dot_general3A_36 = arith.constant dense<0.000000e+00> : vector<128x128xf32>
    %dot_general3A_37 = tpu.matmul %dot_general3A_12, %get3A_35, %dot_general3A_36 {dimension_numbers = #tpu.dot_dimension_numbers<[1], [0], [0], [1], [0, 0, 1, 1], [], []>, transpose_lhs_hint = false} : vector<128x128xf32>, vector<128x128xf32>, vector<128x128xf32> -> vector<128x128xf32>
    %get3A_38 = arith.constant 1 : index
    %get3A_39 = arith.constant 0 : index
    %get3A_40 = arith.constant 0 : index
    %get3A_41 = vector.load %arg8[%get3A_38, %get3A_39, %get3A_40] : memref<2x128x128xf32, #tpu.memory_space<vmem>>, vector<1x128x128xf32>
    %get3A_42 = vector.shape_cast %get3A_41 : vector<1x128x128xf32> to vector<128x128xf32>
    %dot_general3A_43 = arith.constant dense<0.000000e+00> : vector<128x128xf32>
    %dot_general3A_44 = tpu.matmul %dot_general3A_12, %get3A_42, %dot_general3A_43 {dimension_numbers = #tpu.dot_dimension_numbers<[1], [0], [0], [1], [0, 0, 1, 1], [], []>, transpose_lhs_hint = false} : vector<128x128xf32>, vector<128x128xf32>, vector<128x128xf32> -> vector<128x128xf32>
    %broadcast_in_dim3A = vector.shape_cast %eq3A_30 : vector<128x1xi1> to vector<128x1xi1>
    %broadcast_in_dim3A_45 = vector.broadcast %broadcast_in_dim3A : vector<128x1xi1> to vector<128x128xi1>
    %select_n3A_46 = arith.select %broadcast_in_dim3A_45, %dot_general3A_37, %dot_general3A_44 : vector<128x128xi1>, vector<128x128xf32>
    %max3A = arith.constant 1.000000e+00 : f32
    %max3A_47 = vector.broadcast %max3A : f32 to vector<128x128xf32>
    %max3A_48 = arith.maximumf %select_n3A_46, %max3A_47 : vector<128x128xf32>
    %div3A = arith.constant 1.000000e+00 : f32
    %div3A_49 = vector.broadcast %div3A : f32 to vector<128x128xf32>
    %div3A_50 = arith.divf %div3A_49, %max3A_48 : vector<128x128xf32>
    %get3A_51 = arith.constant 0 : index
    %get3A_52 = arith.constant 0 : index
    %get3A_53 = vector.load %arg6[%get3A_51, %get3A_52] : memref<1x512xf32, #tpu.memory_space<vmem>>, vector<1x512xf32>
    %get3A_54 = arith.constant 0 : index
    %get3A_55 = arith.constant 0 : index
    %get3A_56 = arith.constant 0 : index
    %get3A_57 = vector.load %arg1[%get3A_54, %get3A_55, %get3A_56] : memref<4x128x128xf32, #tpu.memory_space<vmem>>, vector<1x128x128xf32>
    %get3A_58 = vector.shape_cast %get3A_57 : vector<1x128x128xf32> to vector<128x128xf32>
    %get3A_59 = arith.constant 0 : index
    %get3A_60 = arith.constant 0 : index
    %get3A_61 = arith.constant 0 : index
    %get3A_62 = vector.load %arg5[%get3A_59, %get3A_60, %get3A_61] : memref<8x128x512xf32, #tpu.memory_space<vmem>>, vector<1x128x512xf32>
    %get3A_63 = vector.shape_cast %get3A_62 : vector<1x128x512xf32> to vector<128x512xf32>
    %dot_general3A_64 = arith.constant dense<0.000000e+00> : vector<128x512xf32>
    %dot_general3A_65 = tpu.matmul %get3A_58, %get3A_63, %dot_general3A_64 {dimension_numbers = #tpu.dot_dimension_numbers<[1], [0], [0], [1], [0, 0, 1, 1], [], []>, transpose_lhs_hint = false} : vector<128x128xf32>, vector<128x512xf32>, vector<128x512xf32> -> vector<128x512xf32>
    %add3A_66 = vector.broadcast %get3A_53 : vector<1x512xf32> to vector<128x512xf32>
    %add3A_67 = arith.addf %add3A_66, %dot_general3A_65 : vector<128x512xf32>
    %get3A_68 = arith.constant 1 : index
    %get3A_69 = arith.constant 0 : index
    %get3A_70 = arith.constant 0 : index
    %get3A_71 = vector.load %arg1[%get3A_68, %get3A_69, %get3A_70] : memref<4x128x128xf32, #tpu.memory_space<vmem>>, vector<1x128x128xf32>
    %get3A_72 = vector.shape_cast %get3A_71 : vector<1x128x128xf32> to vector<128x128xf32>
    %get3A_73 = arith.constant 1 : index
    %get3A_74 = arith.constant 0 : index
    %get3A_75 = arith.constant 0 : index
    %get3A_76 = vector.load %arg5[%get3A_73, %get3A_74, %get3A_75] : memref<8x128x512xf32, #tpu.memory_space<vmem>>, vector<1x128x512xf32>
    %get3A_77 = vector.shape_cast %get3A_76 : vector<1x128x512xf32> to vector<128x512xf32>
    %dot_general3A_78 = arith.constant dense<0.000000e+00> : vector<128x512xf32>
    %dot_general3A_79 = tpu.matmul %get3A_72, %get3A_77, %dot_general3A_78 {dimension_numbers = #tpu.dot_dimension_numbers<[1], [0], [0], [1], [0, 0, 1, 1], [], []>, transpose_lhs_hint = false} : vector<128x128xf32>, vector<128x512xf32>, vector<128x512xf32> -> vector<128x512xf32>
    %add3A_80 = arith.addf %add3A_67, %dot_general3A_79 : vector<128x512xf32>
    %get3A_81 = arith.constant 2 : index
    %get3A_82 = arith.constant 0 : index
    %get3A_83 = arith.constant 0 : index
    %get3A_84 = vector.load %arg1[%get3A_81, %get3A_82, %get3A_83] : memref<4x128x128xf32, #tpu.memory_space<vmem>>, vector<1x128x128xf32>
    %get3A_85 = vector.shape_cast %get3A_84 : vector<1x128x128xf32> to vector<128x128xf32>
    %get3A_86 = arith.constant 2 : index
    %get3A_87 = arith.constant 0 : index
    %get3A_88 = arith.constant 0 : index
    %get3A_89 = vector.load %arg5[%get3A_86, %get3A_87, %get3A_88] : memref<8x128x512xf32, #tpu.memory_space<vmem>>, vector<1x128x512xf32>
    %get3A_90 = vector.shape_cast %get3A_89 : vector<1x128x512xf32> to vector<128x512xf32>
    %dot_general3A_91 = arith.constant dense<0.000000e+00> : vector<128x512xf32>
    %dot_general3A_92 = tpu.matmul %get3A_85, %get3A_90, %dot_general3A_91 {dimension_numbers = #tpu.dot_dimension_numbers<[1], [0], [0], [1], [0, 0, 1, 1], [], []>, transpose_lhs_hint = false} : vector<128x128xf32>, vector<128x512xf32>, vector<128x512xf32> -> vector<128x512xf32>
    %add3A_93 = arith.addf %add3A_80, %dot_general3A_92 : vector<128x512xf32>
    %get3A_94 = arith.constant 3 : index
    %get3A_95 = arith.constant 0 : index
    %get3A_96 = arith.constant 0 : index
    %get3A_97 = vector.load %arg1[%get3A_94, %get3A_95, %get3A_96] : memref<4x128x128xf32, #tpu.memory_space<vmem>>, vector<1x128x128xf32>
    %get3A_98 = vector.shape_cast %get3A_97 : vector<1x128x128xf32> to vector<128x128xf32>
    %get3A_99 = arith.constant 3 : index
    %get3A_100 = arith.constant 0 : index
    %get3A_101 = arith.constant 0 : index
    %get3A_102 = vector.load %arg5[%get3A_99, %get3A_100, %get3A_101] : memref<8x128x512xf32, #tpu.memory_space<vmem>>, vector<1x128x512xf32>
    %get3A_103 = vector.shape_cast %get3A_102 : vector<1x128x512xf32> to vector<128x512xf32>
    %dot_general3A_104 = arith.constant dense<0.000000e+00> : vector<128x512xf32>
    %dot_general3A_105 = tpu.matmul %get3A_98, %get3A_103, %dot_general3A_104 {dimension_numbers = #tpu.dot_dimension_numbers<[1], [0], [0], [1], [0, 0, 1, 1], [], []>, transpose_lhs_hint = false} : vector<128x128xf32>, vector<128x512xf32>, vector<128x512xf32> -> vector<128x512xf32>
    %add3A_106 = arith.addf %add3A_93, %dot_general3A_105 : vector<128x512xf32>
    %get3A_107 = arith.constant 0 : index
    %get3A_108 = arith.constant 0 : index
    %get3A_109 = arith.constant 0 : index
    %get3A_110 = vector.load %arg2[%get3A_107, %get3A_108, %get3A_109] : memref<4x128x128xf32, #tpu.memory_space<vmem>>, vector<1x128x128xf32>
    %get3A_111 = vector.shape_cast %get3A_110 : vector<1x128x128xf32> to vector<128x128xf32>
    %mul3A = arith.mulf %get3A_111, %div3A_50 : vector<128x128xf32>
    %get3A_112 = arith.constant 4 : index
    %get3A_113 = arith.constant 0 : index
    %get3A_114 = arith.constant 0 : index
    %get3A_115 = vector.load %arg5[%get3A_112, %get3A_113, %get3A_114] : memref<8x128x512xf32, #tpu.memory_space<vmem>>, vector<1x128x512xf32>
    %get3A_116 = vector.shape_cast %get3A_115 : vector<1x128x512xf32> to vector<128x512xf32>
    %dot_general3A_117 = arith.constant dense<0.000000e+00> : vector<128x512xf32>
    %dot_general3A_118 = tpu.matmul %mul3A, %get3A_116, %dot_general3A_117 {dimension_numbers = #tpu.dot_dimension_numbers<[1], [0], [0], [1], [0, 0, 1, 1], [], []>, transpose_lhs_hint = false} : vector<128x128xf32>, vector<128x512xf32>, vector<128x512xf32> -> vector<128x512xf32>
    %add3A_119 = arith.addf %add3A_106, %dot_general3A_118 : vector<128x512xf32>
    %get3A_120 = arith.constant 1 : index
    %get3A_121 = arith.constant 0 : index
    %get3A_122 = arith.constant 0 : index
    %get3A_123 = vector.load %arg2[%get3A_120, %get3A_121, %get3A_122] : memref<4x128x128xf32, #tpu.memory_space<vmem>>, vector<1x128x128xf32>
    %get3A_124 = vector.shape_cast %get3A_123 : vector<1x128x128xf32> to vector<128x128xf32>
    %mul3A_125 = arith.mulf %get3A_124, %div3A_50 : vector<128x128xf32>
    %get3A_126 = arith.constant 5 : index
    %get3A_127 = arith.constant 0 : index
    %get3A_128 = arith.constant 0 : index
    %get3A_129 = vector.load %arg5[%get3A_126, %get3A_127, %get3A_128] : memref<8x128x512xf32, #tpu.memory_space<vmem>>, vector<1x128x512xf32>
    %get3A_130 = vector.shape_cast %get3A_129 : vector<1x128x512xf32> to vector<128x512xf32>
    %dot_general3A_131 = arith.constant dense<0.000000e+00> : vector<128x512xf32>
    %dot_general3A_132 = tpu.matmul %mul3A_125, %get3A_130, %dot_general3A_131 {dimension_numbers = #tpu.dot_dimension_numbers<[1], [0], [0], [1], [0, 0, 1, 1], [], []>, transpose_lhs_hint = false} : vector<128x128xf32>, vector<128x512xf32>, vector<128x512xf32> -> vector<128x512xf32>
    %add3A_133 = arith.addf %add3A_119, %dot_general3A_132 : vector<128x512xf32>
    %get3A_134 = arith.constant 2 : index
    %get3A_135 = arith.constant 0 : index
    %get3A_136 = arith.constant 0 : index
    %get3A_137 = vector.load %arg2[%get3A_134, %get3A_135, %get3A_136] : memref<4x128x128xf32, #tpu.memory_space<vmem>>, vector<1x128x128xf32>
    %get3A_138 = vector.shape_cast %get3A_137 : vector<1x128x128xf32> to vector<128x128xf32>
    %mul3A_139 = arith.mulf %get3A_138, %div3A_50 : vector<128x128xf32>
    %get3A_140 = arith.constant 6 : index
    %get3A_141 = arith.constant 0 : index
    %get3A_142 = arith.constant 0 : index
    %get3A_143 = vector.load %arg5[%get3A_140, %get3A_141, %get3A_142] : memref<8x128x512xf32, #tpu.memory_space<vmem>>, vector<1x128x512xf32>
    %get3A_144 = vector.shape_cast %get3A_143 : vector<1x128x512xf32> to vector<128x512xf32>
    %dot_general3A_145 = arith.constant dense<0.000000e+00> : vector<128x512xf32>
    %dot_general3A_146 = tpu.matmul %mul3A_139, %get3A_144, %dot_general3A_145 {dimension_numbers = #tpu.dot_dimension_numbers<[1], [0], [0], [1], [0, 0, 1, 1], [], []>, transpose_lhs_hint = false} : vector<128x128xf32>, vector<128x512xf32>, vector<128x512xf32> -> vector<128x512xf32>
    %add3A_147 = arith.addf %add3A_133, %dot_general3A_146 : vector<128x512xf32>
    %get3A_148 = arith.constant 3 : index
    %get3A_149 = arith.constant 0 : index
    %get3A_150 = arith.constant 0 : index
    %get3A_151 = vector.load %arg2[%get3A_148, %get3A_149, %get3A_150] : memref<4x128x128xf32, #tpu.memory_space<vmem>>, vector<1x128x128xf32>
    %get3A_152 = vector.shape_cast %get3A_151 : vector<1x128x128xf32> to vector<128x128xf32>
    %mul3A_153 = arith.mulf %get3A_152, %div3A_50 : vector<128x128xf32>
    %get3A_154 = arith.constant 7 : index
    %get3A_155 = arith.constant 0 : index
    %get3A_156 = arith.constant 0 : index
    %get3A_157 = vector.load %arg5[%get3A_154, %get3A_155, %get3A_156] : memref<8x128x512xf32, #tpu.memory_space<vmem>>, vector<1x128x512xf32>
    %get3A_158 = vector.shape_cast %get3A_157 : vector<1x128x512xf32> to vector<128x512xf32>
    %dot_general3A_159 = arith.constant dense<0.000000e+00> : vector<128x512xf32>
    %dot_general3A_160 = tpu.matmul %mul3A_153, %get3A_158, %dot_general3A_159 {dimension_numbers = #tpu.dot_dimension_numbers<[1], [0], [0], [1], [0, 0, 1, 1], [], []>, transpose_lhs_hint = false} : vector<128x128xf32>, vector<128x512xf32>, vector<128x512xf32> -> vector<128x512xf32>
    %add3A_161 = arith.addf %add3A_147, %dot_general3A_160 : vector<128x512xf32>
    %slice3A = vector.extract_strided_slice %add3A_161 {offsets = [0, 0], sizes = [128, 64], strides = [1, 1]} : vector<128x512xf32> to vector<128x64xf32>
    %mul3A_162 = arith.mulf %slice3A, %slice3A : vector<128x64xf32>
    %reduce_sum3A = arith.constant dense<0.000000e+00> : vector<128xf32>
    %reduce_sum3A_163 = vector.multi_reduction <add>, %mul3A_162, %reduce_sum3A [1] : vector<128x64xf32> to vector<128xf32>
    %broadcast_in_dim3A_164 = vector.shape_cast %reduce_sum3A_163 : vector<128xf32> to vector<128x1xf32>
    %sqrt3A = math.sqrt %broadcast_in_dim3A_164 : vector<128x1xf32>
    %max3A_165 = arith.constant 9.99999996E-13 : f32
    %max3A_166 = vector.broadcast %max3A_165 : f32 to vector<128x1xf32>
    %max3A_167 = arith.maximumf %sqrt3A, %max3A_166 : vector<128x1xf32>
    %div3A_168 = vector.broadcast %max3A_167 : vector<128x1xf32> to vector<128x64xf32>
    %div3A_169 = arith.divf %slice3A, %div3A_168 : vector<128x64xf32>
    %slice3A_170 = vector.extract_strided_slice %add3A_161 {offsets = [0, 64], sizes = [128, 64], strides = [1, 1]} : vector<128x512xf32> to vector<128x64xf32>
    %mul3A_171 = arith.mulf %slice3A_170, %slice3A_170 : vector<128x64xf32>
    %reduce_sum3A_172 = arith.constant dense<0.000000e+00> : vector<128xf32>
    %reduce_sum3A_173 = vector.multi_reduction <add>, %mul3A_171, %reduce_sum3A_172 [1] : vector<128x64xf32> to vector<128xf32>
    %broadcast_in_dim3A_174 = vector.shape_cast %reduce_sum3A_173 : vector<128xf32> to vector<128x1xf32>
    %sqrt3A_175 = math.sqrt %broadcast_in_dim3A_174 : vector<128x1xf32>
    %max3A_176 = arith.constant 9.99999996E-13 : f32
    %max3A_177 = vector.broadcast %max3A_176 : f32 to vector<128x1xf32>
    %max3A_178 = arith.maximumf %sqrt3A_175, %max3A_177 : vector<128x1xf32>
    %div3A_179 = vector.broadcast %max3A_178 : vector<128x1xf32> to vector<128x64xf32>
    %div3A_180 = arith.divf %slice3A_170, %div3A_179 : vector<128x64xf32>
    %slice3A_181 = vector.extract_strided_slice %add3A_161 {offsets = [0, 128], sizes = [128, 64], strides = [1, 1]} : vector<128x512xf32> to vector<128x64xf32>
    %mul3A_182 = arith.mulf %slice3A_181, %slice3A_181 : vector<128x64xf32>
    %reduce_sum3A_183 = arith.constant dense<0.000000e+00> : vector<128xf32>
    %reduce_sum3A_184 = vector.multi_reduction <add>, %mul3A_182, %reduce_sum3A_183 [1] : vector<128x64xf32> to vector<128xf32>
    %broadcast_in_dim3A_185 = vector.shape_cast %reduce_sum3A_184 : vector<128xf32> to vector<128x1xf32>
    %sqrt3A_186 = math.sqrt %broadcast_in_dim3A_185 : vector<128x1xf32>
    %max3A_187 = arith.constant 9.99999996E-13 : f32
    %max3A_188 = vector.broadcast %max3A_187 : f32 to vector<128x1xf32>
    %max3A_189 = arith.maximumf %sqrt3A_186, %max3A_188 : vector<128x1xf32>
    %div3A_190 = vector.broadcast %max3A_189 : vector<128x1xf32> to vector<128x64xf32>
    %div3A_191 = arith.divf %slice3A_181, %div3A_190 : vector<128x64xf32>
    %slice3A_192 = vector.extract_strided_slice %add3A_161 {offsets = [0, 192], sizes = [128, 64], strides = [1, 1]} : vector<128x512xf32> to vector<128x64xf32>
    %mul3A_193 = arith.mulf %slice3A_192, %slice3A_192 : vector<128x64xf32>
    %reduce_sum3A_194 = arith.constant dense<0.000000e+00> : vector<128xf32>
    %reduce_sum3A_195 = vector.multi_reduction <add>, %mul3A_193, %reduce_sum3A_194 [1] : vector<128x64xf32> to vector<128xf32>
    %broadcast_in_dim3A_196 = vector.shape_cast %reduce_sum3A_195 : vector<128xf32> to vector<128x1xf32>
    %sqrt3A_197 = math.sqrt %broadcast_in_dim3A_196 : vector<128x1xf32>
    %max3A_198 = arith.constant 9.99999996E-13 : f32
    %max3A_199 = vector.broadcast %max3A_198 : f32 to vector<128x1xf32>
    %max3A_200 = arith.maximumf %sqrt3A_197, %max3A_199 : vector<128x1xf32>
    %div3A_201 = vector.broadcast %max3A_200 : vector<128x1xf32> to vector<128x64xf32>
    %div3A_202 = arith.divf %slice3A_192, %div3A_201 : vector<128x64xf32>
    %slice3A_203 = vector.extract_strided_slice %add3A_161 {offsets = [0, 256], sizes = [128, 64], strides = [1, 1]} : vector<128x512xf32> to vector<128x64xf32>
    %mul3A_204 = arith.mulf %slice3A_203, %slice3A_203 : vector<128x64xf32>
    %reduce_sum3A_205 = arith.constant dense<0.000000e+00> : vector<128xf32>
    %reduce_sum3A_206 = vector.multi_reduction <add>, %mul3A_204, %reduce_sum3A_205 [1] : vector<128x64xf32> to vector<128xf32>
    %broadcast_in_dim3A_207 = vector.shape_cast %reduce_sum3A_206 : vector<128xf32> to vector<128x1xf32>
    %sqrt3A_208 = math.sqrt %broadcast_in_dim3A_207 : vector<128x1xf32>
    %max3A_209 = arith.constant 9.99999996E-13 : f32
    %max3A_210 = vector.broadcast %max3A_209 : f32 to vector<128x1xf32>
    %max3A_211 = arith.maximumf %sqrt3A_208, %max3A_210 : vector<128x1xf32>
    %div3A_212 = vector.broadcast %max3A_211 : vector<128x1xf32> to vector<128x64xf32>
    %div3A_213 = arith.divf %slice3A_203, %div3A_212 : vector<128x64xf32>
    %slice3A_214 = vector.extract_strided_slice %add3A_161 {offsets = [0, 320], sizes = [128, 64], strides = [1, 1]} : vector<128x512xf32> to vector<128x64xf32>
    %mul3A_215 = arith.mulf %slice3A_214, %slice3A_214 : vector<128x64xf32>
    %reduce_sum3A_216 = arith.constant dense<0.000000e+00> : vector<128xf32>
    %reduce_sum3A_217 = vector.multi_reduction <add>, %mul3A_215, %reduce_sum3A_216 [1] : vector<128x64xf32> to vector<128xf32>
    %broadcast_in_dim3A_218 = vector.shape_cast %reduce_sum3A_217 : vector<128xf32> to vector<128x1xf32>
    %sqrt3A_219 = math.sqrt %broadcast_in_dim3A_218 : vector<128x1xf32>
    %max3A_220 = arith.constant 9.99999996E-13 : f32
    %max3A_221 = vector.broadcast %max3A_220 : f32 to vector<128x1xf32>
    %max3A_222 = arith.maximumf %sqrt3A_219, %max3A_221 : vector<128x1xf32>
    %div3A_223 = vector.broadcast %max3A_222 : vector<128x1xf32> to vector<128x64xf32>
    %div3A_224 = arith.divf %slice3A_214, %div3A_223 : vector<128x64xf32>
    %slice3A_225 = vector.extract_strided_slice %add3A_161 {offsets = [0, 384], sizes = [128, 64], strides = [1, 1]} : vector<128x512xf32> to vector<128x64xf32>
    %mul3A_226 = arith.mulf %slice3A_225, %slice3A_225 : vector<128x64xf32>
    %reduce_sum3A_227 = arith.constant dense<0.000000e+00> : vector<128xf32>
    %reduce_sum3A_228 = vector.multi_reduction <add>, %mul3A_226, %reduce_sum3A_227 [1] : vector<128x64xf32> to vector<128xf32>
    %broadcast_in_dim3A_229 = vector.shape_cast %reduce_sum3A_228 : vector<128xf32> to vector<128x1xf32>
    %sqrt3A_230 = math.sqrt %broadcast_in_dim3A_229 : vector<128x1xf32>
    %max3A_231 = arith.constant 9.99999996E-13 : f32
    %max3A_232 = vector.broadcast %max3A_231 : f32 to vector<128x1xf32>
    %max3A_233 = arith.maximumf %sqrt3A_230, %max3A_232 : vector<128x1xf32>
    %div3A_234 = vector.broadcast %max3A_233 : vector<128x1xf32> to vector<128x64xf32>
    %div3A_235 = arith.divf %slice3A_225, %div3A_234 : vector<128x64xf32>
    %slice3A_236 = vector.extract_strided_slice %add3A_161 {offsets = [0, 448], sizes = [128, 64], strides = [1, 1]} : vector<128x512xf32> to vector<128x64xf32>
    %mul3A_237 = arith.mulf %slice3A_236, %slice3A_236 : vector<128x64xf32>
    %reduce_sum3A_238 = arith.constant dense<0.000000e+00> : vector<128xf32>
    %reduce_sum3A_239 = vector.multi_reduction <add>, %mul3A_237, %reduce_sum3A_238 [1] : vector<128x64xf32> to vector<128xf32>
    %broadcast_in_dim3A_240 = vector.shape_cast %reduce_sum3A_239 : vector<128xf32> to vector<128x1xf32>
    %sqrt3A_241 = math.sqrt %broadcast_in_dim3A_240 : vector<128x1xf32>
    %max3A_242 = arith.constant 9.99999996E-13 : f32
    %max3A_243 = vector.broadcast %max3A_242 : f32 to vector<128x1xf32>
    %max3A_244 = arith.maximumf %sqrt3A_241, %max3A_243 : vector<128x1xf32>
    %div3A_245 = vector.broadcast %max3A_244 : vector<128x1xf32> to vector<128x64xf32>
    %div3A_246 = arith.divf %slice3A_236, %div3A_245 : vector<128x64xf32>
    %concatenate3A = tpu.concatenate %div3A_169, %div3A_180, %div3A_191, %div3A_202, %div3A_213, %div3A_224, %div3A_235, %div3A_246 in 1 : vector<128x64xf32>, vector<128x64xf32>, vector<128x64xf32>, vector<128x64xf32>, vector<128x64xf32>, vector<128x64xf32>, vector<128x64xf32>, vector<128x64xf32> -> vector<128x512xf32>
    %swap3A = arith.constant 0 : index
    %swap3A_247 = arith.constant 0 : index
    %swap3A_248 = vector.load %arg9[%swap3A, %swap3A_247] : memref<128x512xf32, #tpu.memory_space<vmem>>, vector<128x512xf32>
    tpu.vector_store %arg9[%swap3A, %swap3A_247], %concatenate3A {strides = array<i32>} : memref<128x512xf32, #tpu.memory_space<vmem>>, vector<128x512xf32>,
    return
  }
  func.func @transform_0(%arg0: i32) -> (i32, i32, i32) {
    %c0_i32 = arith.constant 0 : i32
    %c0_i32_0 = arith.constant 0 : i32
    %c0_i32_1 = arith.constant 0 : i32
    return %c0_i32, %arg0, %c0_i32_0 : i32, i32, i32
  }
  func.func @transform_1(%arg0: i32) -> (i32, i32, i32) {
    %c0_i32 = arith.constant 0 : i32
    %c0_i32_0 = arith.constant 0 : i32
    %c0_i32_1 = arith.constant 0 : i32
    return %c0_i32, %arg0, %c0_i32_0 : i32, i32, i32
  }
  func.func @transform_2(%arg0: i32) -> (i32, i32, i32) {
    %c0_i32 = arith.constant 0 : i32
    %c0_i32_0 = arith.constant 0 : i32
    %c0_i32_1 = arith.constant 0 : i32
    return %c0_i32, %arg0, %c0_i32_0 : i32, i32, i32
  }
  func.func @transform_3(%arg0: i32) -> (i32, i32, i32) {
    %c1_i32 = arith.constant 1 : i32
    %c0_i32 = arith.constant 0 : i32
    %c0_i32_0 = arith.constant 0 : i32
    return %c1_i32, %arg0, %c0_i32 : i32, i32, i32
  }
  func.func @transform_4(%arg0: i32) -> (i32, i32, i32) {
    %c0_i32 = arith.constant 0 : i32
    %c0_i32_0 = arith.constant 0 : i32
    %c0_i32_1 = arith.constant 0 : i32
    %c0_i32_2 = arith.constant 0 : i32
    return %c0_i32, %c0_i32_0, %c0_i32_1 : i32, i32, i32
  }
  func.func @transform_5(%arg0: i32) -> (i32, i32) {
    %c0_i32 = arith.constant 0 : i32
    %c0_i32_0 = arith.constant 0 : i32
    %c0_i32_1 = arith.constant 0 : i32
    return %c0_i32, %c0_i32_0 : i32, i32
  }
  func.func @transform_6(%arg0: i32) -> (i32, i32) {
    %c0_i32 = arith.constant 0 : i32
    %c0_i32_0 = arith.constant 0 : i32
    %c0_i32_1 = arith.constant 0 : i32
    return %c0_i32, %c0_i32_0 : i32, i32
  }
  func.func @transform_7(%arg0: i32) -> (i32, i32, i32) {
    %c0_i32 = arith.constant 0 : i32
    %c0_i32_0 = arith.constant 0 : i32
    %c0_i32_1 = arith.constant 0 : i32
    %c0_i32_2 = arith.constant 0 : i32
    return %c0_i32, %c0_i32_0, %c0_i32_1 : i32, i32, i32
  }
  func.func @transform_8(%arg0: i32) -> (i32, i32) {
    %c0_i32 = arith.constant 0 : i32
    %c0_i32_0 = arith.constant 0 : i32
    return %arg0, %c0_i32 : i32, i32
  }
}

module attributes {stable_mosaic.version = 14 : i64} {
  func.func @_tc_body(%arg0: i32, %arg1: memref<4x128x128xf32, #tpu.memory_space<vmem>>, %arg2: memref<4x128x128xf32, #tpu.memory_space<vmem>>, %arg3: memref<1x64x128xf32, #tpu.memory_space<vmem>>, %arg4: memref<1x64x128xf32, #tpu.memory_space<vmem>>, %arg5: memref<8x128x512xf32, #tpu.memory_space<vmem>>, %arg6: memref<1x512xf32, #tpu.memory_space<vmem>>, %arg7: memref<128x64xf32, #tpu.memory_space<vmem>>, %arg8: memref<2x128x128xf32, #tpu.memory_space<vmem>>, %arg9: memref<4x128x128xf32, #tpu.memory_space<vmem>>) attributes {dimension_semantics = [#tpu.dimension_semantics<arbitrary>], iteration_bounds = array<i64: 49>, scalar_prefetch = 0 : i64, scratch_operands = 0 : i64, tpu.core_type = #tpu.core_type<tc>, window_params = [{transform_indices = @transform_0, window_bounds = array<i64: 4, 128, 128>}, {transform_indices = @transform_1, window_bounds = array<i64: 4, 128, 128>}, {transform_indices = @transform_2, window_bounds = array<i64: 1, 64, 128>}, {transform_indices = @transform_3, window_bounds = array<i64: 1, 64, 128>}, {pipeline_mode = #tpu.pipeline_mode<synchronous>, transform_indices = @transform_4, window_bounds = array<i64: 8, 128, 512>}, {pipeline_mode = #tpu.pipeline_mode<synchronous>, transform_indices = @transform_5, window_bounds = array<i64: 1, 512>}, {pipeline_mode = #tpu.pipeline_mode<synchronous>, transform_indices = @transform_6, window_bounds = array<i64: 128, 64>}, {pipeline_mode = #tpu.pipeline_mode<synchronous>, transform_indices = @transform_7, window_bounds = array<i64: 2, 128, 128>}, {transform_indices = @transform_8, window_bounds = array<i64: 4, 128, 128>}]} {
    %get3A = arith.constant 0 : index
    %get3A_0 = arith.constant 0 : index
    %get3A_1 = arith.constant 0 : index
    %get3A_2 = vector.load %arg3[%get3A, %get3A_0, %get3A_1] : memref<1x64x128xf32, #tpu.memory_space<vmem>>, vector<1x64x128xf32>
    %get3A_3 = vector.shape_cast %get3A_2 : vector<1x64x128xf32> to vector<64x128xf32>
    %get3A_4 = arith.constant 0 : index
    %get3A_5 = arith.constant 0 : index
    %get3A_6 = arith.constant 0 : index
    %get3A_7 = vector.load %arg4[%get3A_4, %get3A_5, %get3A_6] : memref<1x64x128xf32, #tpu.memory_space<vmem>>, vector<1x64x128xf32>
    %get3A_8 = vector.shape_cast %get3A_7 : vector<1x64x128xf32> to vector<64x128xf32>
    %add3A = arith.addf %get3A_3, %get3A_8 : vector<64x128xf32>
    %get3A_9 = arith.constant 0 : index
    %get3A_10 = arith.constant 0 : index
    %get3A_11 = vector.load %arg7[%get3A_9, %get3A_10] : memref<128x64xf32, #tpu.memory_space<vmem>>, vector<128x64xf32>
    %dot_general3A = arith.constant dense<0.000000e+00> : vector<128x128xf32>
    %dot_general3A_12 = tpu.matmul %get3A_11, %add3A, %dot_general3A {dimension_numbers = #tpu.dot_dimension_numbers<[1], [0], [0], [1], [0, 0, 1, 1], [], []>, transpose_lhs_hint = false} : vector<128x64xf32>, vector<64x128xf32>, vector<128x128xf32> -> vector<128x128xf32>
    %iota3A = tpu.iota {dimensions = array<i32: 0>} : vector<128x1xi32>
    %jit3A = arith.constant 2 : i32
    %eq3A = arith.constant 0 : i32
    %eq3A_13 = arith.cmpi eq, %jit3A, %eq3A : i32
    %jit3A_14 = arith.constant 1 : i32
    %select_n3A = arith.select %eq3A_13, %jit3A_14, %jit3A : i32
    %rem3A = vector.broadcast %select_n3A : i32 to vector<128x1xi32>
    %rem3A_15 = arith.remsi %iota3A, %rem3A : vector<128x1xi32>
    %ne3A = arith.constant 0 : i32
    %ne3A_16 = vector.broadcast %ne3A : i32 to vector<128x1xi32>
    %ne3A_17 = arith.cmpi ne, %rem3A_15, %ne3A_16 : vector<128x1xi32>
    %lt3A = arith.constant 0 : i32
    %lt3A_18 = vector.broadcast %lt3A : i32 to vector<128x1xi32>
    %lt3A_19 = arith.cmpi slt, %rem3A_15, %lt3A_18 : vector<128x1xi32>
    %lt3A_20 = arith.constant 0 : i32
    %lt3A_21 = arith.cmpi slt, %select_n3A, %lt3A_20 : i32
    %ne3A_22 = vector.broadcast %lt3A_21 : i1 to vector<128x1xi1>
    %ne3A_23 = vector.broadcast %ne3A_22 : vector<128x1xi1> to vector<128x1xi1>
    %ne3A_24 = arith.xori %lt3A_19, %ne3A_23 : vector<128x1xi1>
    %and3A = arith.andi %ne3A_24, %ne3A_17 : vector<128x1xi1>
    %add3A_25 = vector.broadcast %select_n3A : i32 to vector<128x1xi32>
    %add3A_26 = arith.addi %rem3A_15, %add3A_25 : vector<128x1xi32>
    %select_n3A_27 = arith.select %and3A, %add3A_26, %rem3A_15 : vector<128x1xi1>, vector<128x1xi32>
    %eq3A_28 = arith.constant 0 : i32
    %eq3A_29 = vector.broadcast %eq3A_28 : i32 to vector<128x1xi32>
    %eq3A_30 = arith.cmpi eq, %select_n3A_27, %eq3A_29 : vector<128x1xi32>
    %get3A_31 = arith.constant 0 : index
    %get3A_32 = arith.constant 0 : index
    %get3A_33 = arith.constant 0 : index
    %get3A_34 = vector.load %arg8[%get3A_31, %get3A_32, %get3A_33] : memref<2x128x128xf32, #tpu.memory_space<vmem>>, vector<1x128x128xf32>
    %get3A_35 = vector.shape_cast %get3A_34 : vector<1x128x128xf32> to vector<128x128xf32>
    %dot_general3A_36 = arith.constant dense<0.000000e+00> : vector<128x128xf32>
    %dot_general3A_37 = tpu.matmul %dot_general3A_12, %get3A_35, %dot_general3A_36 {dimension_numbers = #tpu.dot_dimension_numbers<[1], [0], [0], [1], [0, 0, 1, 1], [], []>, transpose_lhs_hint = false} : vector<128x128xf32>, vector<128x128xf32>, vector<128x128xf32> -> vector<128x128xf32>
    %get3A_38 = arith.constant 1 : index
    %get3A_39 = arith.constant 0 : index
    %get3A_40 = arith.constant 0 : index
    %get3A_41 = vector.load %arg8[%get3A_38, %get3A_39, %get3A_40] : memref<2x128x128xf32, #tpu.memory_space<vmem>>, vector<1x128x128xf32>
    %get3A_42 = vector.shape_cast %get3A_41 : vector<1x128x128xf32> to vector<128x128xf32>
    %dot_general3A_43 = arith.constant dense<0.000000e+00> : vector<128x128xf32>
    %dot_general3A_44 = tpu.matmul %dot_general3A_12, %get3A_42, %dot_general3A_43 {dimension_numbers = #tpu.dot_dimension_numbers<[1], [0], [0], [1], [0, 0, 1, 1], [], []>, transpose_lhs_hint = false} : vector<128x128xf32>, vector<128x128xf32>, vector<128x128xf32> -> vector<128x128xf32>
    %broadcast_in_dim3A = vector.shape_cast %eq3A_30 : vector<128x1xi1> to vector<128x1xi1>
    %broadcast_in_dim3A_45 = vector.broadcast %broadcast_in_dim3A : vector<128x1xi1> to vector<128x128xi1>
    %select_n3A_46 = arith.select %broadcast_in_dim3A_45, %dot_general3A_37, %dot_general3A_44 : vector<128x128xi1>, vector<128x128xf32>
    %max3A = arith.constant 1.000000e+00 : f32
    %max3A_47 = vector.broadcast %max3A : f32 to vector<128x128xf32>
    %max3A_48 = arith.maximumf %select_n3A_46, %max3A_47 : vector<128x128xf32>
    %div3A = arith.constant 1.000000e+00 : f32
    %div3A_49 = vector.broadcast %div3A : f32 to vector<128x128xf32>
    %div3A_50 = arith.divf %div3A_49, %max3A_48 : vector<128x128xf32>
    %get3A_51 = arith.constant 0 : index
    %get3A_52 = arith.constant 0 : index
    %get3A_53 = vector.load %arg6[%get3A_51, %get3A_52] : memref<1x512xf32, #tpu.memory_space<vmem>>, vector<1x512xf32>
    %get3A_54 = arith.constant 0 : index
    %get3A_55 = arith.constant 0 : index
    %get3A_56 = arith.constant 0 : index
    %get3A_57 = vector.load %arg1[%get3A_54, %get3A_55, %get3A_56] : memref<4x128x128xf32, #tpu.memory_space<vmem>>, vector<1x128x128xf32>
    %get3A_58 = vector.shape_cast %get3A_57 : vector<1x128x128xf32> to vector<128x128xf32>
    %get3A_59 = arith.constant 0 : index
    %get3A_60 = arith.constant 0 : index
    %get3A_61 = arith.constant 0 : index
    %get3A_62 = vector.load %arg5[%get3A_59, %get3A_60, %get3A_61] : memref<8x128x512xf32, #tpu.memory_space<vmem>>, vector<1x128x512xf32>
    %get3A_63 = vector.shape_cast %get3A_62 : vector<1x128x512xf32> to vector<128x512xf32>
    %dot_general3A_64 = arith.constant dense<0.000000e+00> : vector<128x512xf32>
    %dot_general3A_65 = tpu.matmul %get3A_58, %get3A_63, %dot_general3A_64 {dimension_numbers = #tpu.dot_dimension_numbers<[1], [0], [0], [1], [0, 0, 1, 1], [], []>, transpose_lhs_hint = false} : vector<128x128xf32>, vector<128x512xf32>, vector<128x512xf32> -> vector<128x512xf32>
    %add3A_66 = vector.broadcast %get3A_53 : vector<1x512xf32> to vector<128x512xf32>
    %add3A_67 = arith.addf %add3A_66, %dot_general3A_65 : vector<128x512xf32>
    %get3A_68 = arith.constant 1 : index
    %get3A_69 = arith.constant 0 : index
    %get3A_70 = arith.constant 0 : index
    %get3A_71 = vector.load %arg1[%get3A_68, %get3A_69, %get3A_70] : memref<4x128x128xf32, #tpu.memory_space<vmem>>, vector<1x128x128xf32>
    %get3A_72 = vector.shape_cast %get3A_71 : vector<1x128x128xf32> to vector<128x128xf32>
    %get3A_73 = arith.constant 1 : index
    %get3A_74 = arith.constant 0 : index
    %get3A_75 = arith.constant 0 : index
    %get3A_76 = vector.load %arg5[%get3A_73, %get3A_74, %get3A_75] : memref<8x128x512xf32, #tpu.memory_space<vmem>>, vector<1x128x512xf32>
    %get3A_77 = vector.shape_cast %get3A_76 : vector<1x128x512xf32> to vector<128x512xf32>
    %dot_general3A_78 = arith.constant dense<0.000000e+00> : vector<128x512xf32>
    %dot_general3A_79 = tpu.matmul %get3A_72, %get3A_77, %dot_general3A_78 {dimension_numbers = #tpu.dot_dimension_numbers<[1], [0], [0], [1], [0, 0, 1, 1], [], []>, transpose_lhs_hint = false} : vector<128x128xf32>, vector<128x512xf32>, vector<128x512xf32> -> vector<128x512xf32>
    %add3A_80 = arith.addf %add3A_67, %dot_general3A_79 : vector<128x512xf32>
    %get3A_81 = arith.constant 2 : index
    %get3A_82 = arith.constant 0 : index
    %get3A_83 = arith.constant 0 : index
    %get3A_84 = vector.load %arg1[%get3A_81, %get3A_82, %get3A_83] : memref<4x128x128xf32, #tpu.memory_space<vmem>>, vector<1x128x128xf32>
    %get3A_85 = vector.shape_cast %get3A_84 : vector<1x128x128xf32> to vector<128x128xf32>
    %get3A_86 = arith.constant 2 : index
    %get3A_87 = arith.constant 0 : index
    %get3A_88 = arith.constant 0 : index
    %get3A_89 = vector.load %arg5[%get3A_86, %get3A_87, %get3A_88] : memref<8x128x512xf32, #tpu.memory_space<vmem>>, vector<1x128x512xf32>
    %get3A_90 = vector.shape_cast %get3A_89 : vector<1x128x512xf32> to vector<128x512xf32>
    %dot_general3A_91 = arith.constant dense<0.000000e+00> : vector<128x512xf32>
    %dot_general3A_92 = tpu.matmul %get3A_85, %get3A_90, %dot_general3A_91 {dimension_numbers = #tpu.dot_dimension_numbers<[1], [0], [0], [1], [0, 0, 1, 1], [], []>, transpose_lhs_hint = false} : vector<128x128xf32>, vector<128x512xf32>, vector<128x512xf32> -> vector<128x512xf32>
    %add3A_93 = arith.addf %add3A_80, %dot_general3A_92 : vector<128x512xf32>
    %get3A_94 = arith.constant 3 : index
    %get3A_95 = arith.constant 0 : index
    %get3A_96 = arith.constant 0 : index
    %get3A_97 = vector.load %arg1[%get3A_94, %get3A_95, %get3A_96] : memref<4x128x128xf32, #tpu.memory_space<vmem>>, vector<1x128x128xf32>
    %get3A_98 = vector.shape_cast %get3A_97 : vector<1x128x128xf32> to vector<128x128xf32>
    %get3A_99 = arith.constant 3 : index
    %get3A_100 = arith.constant 0 : index
    %get3A_101 = arith.constant 0 : index
    %get3A_102 = vector.load %arg5[%get3A_99, %get3A_100, %get3A_101] : memref<8x128x512xf32, #tpu.memory_space<vmem>>, vector<1x128x512xf32>
    %get3A_103 = vector.shape_cast %get3A_102 : vector<1x128x512xf32> to vector<128x512xf32>
    %dot_general3A_104 = arith.constant dense<0.000000e+00> : vector<128x512xf32>
    %dot_general3A_105 = tpu.matmul %get3A_98, %get3A_103, %dot_general3A_104 {dimension_numbers = #tpu.dot_dimension_numbers<[1], [0], [0], [1], [0, 0, 1, 1], [], []>, transpose_lhs_hint = false} : vector<128x128xf32>, vector<128x512xf32>, vector<128x512xf32> -> vector<128x512xf32>
    %add3A_106 = arith.addf %add3A_93, %dot_general3A_105 : vector<128x512xf32>
    %get3A_107 = arith.constant 0 : index
    %get3A_108 = arith.constant 0 : index
    %get3A_109 = arith.constant 0 : index
    %get3A_110 = vector.load %arg2[%get3A_107, %get3A_108, %get3A_109] : memref<4x128x128xf32, #tpu.memory_space<vmem>>, vector<1x128x128xf32>
    %get3A_111 = vector.shape_cast %get3A_110 : vector<1x128x128xf32> to vector<128x128xf32>
    %mul3A = arith.mulf %get3A_111, %div3A_50 : vector<128x128xf32>
    %get3A_112 = arith.constant 4 : index
    %get3A_113 = arith.constant 0 : index
    %get3A_114 = arith.constant 0 : index
    %get3A_115 = vector.load %arg5[%get3A_112, %get3A_113, %get3A_114] : memref<8x128x512xf32, #tpu.memory_space<vmem>>, vector<1x128x512xf32>
    %get3A_116 = vector.shape_cast %get3A_115 : vector<1x128x512xf32> to vector<128x512xf32>
    %dot_general3A_117 = arith.constant dense<0.000000e+00> : vector<128x512xf32>
    %dot_general3A_118 = tpu.matmul %mul3A, %get3A_116, %dot_general3A_117 {dimension_numbers = #tpu.dot_dimension_numbers<[1], [0], [0], [1], [0, 0, 1, 1], [], []>, transpose_lhs_hint = false} : vector<128x128xf32>, vector<128x512xf32>, vector<128x512xf32> -> vector<128x512xf32>
    %add3A_119 = arith.addf %add3A_106, %dot_general3A_118 : vector<128x512xf32>
    %get3A_120 = arith.constant 1 : index
    %get3A_121 = arith.constant 0 : index
    %get3A_122 = arith.constant 0 : index
    %get3A_123 = vector.load %arg2[%get3A_120, %get3A_121, %get3A_122] : memref<4x128x128xf32, #tpu.memory_space<vmem>>, vector<1x128x128xf32>
    %get3A_124 = vector.shape_cast %get3A_123 : vector<1x128x128xf32> to vector<128x128xf32>
    %mul3A_125 = arith.mulf %get3A_124, %div3A_50 : vector<128x128xf32>
    %get3A_126 = arith.constant 5 : index
    %get3A_127 = arith.constant 0 : index
    %get3A_128 = arith.constant 0 : index
    %get3A_129 = vector.load %arg5[%get3A_126, %get3A_127, %get3A_128] : memref<8x128x512xf32, #tpu.memory_space<vmem>>, vector<1x128x512xf32>
    %get3A_130 = vector.shape_cast %get3A_129 : vector<1x128x512xf32> to vector<128x512xf32>
    %dot_general3A_131 = arith.constant dense<0.000000e+00> : vector<128x512xf32>
    %dot_general3A_132 = tpu.matmul %mul3A_125, %get3A_130, %dot_general3A_131 {dimension_numbers = #tpu.dot_dimension_numbers<[1], [0], [0], [1], [0, 0, 1, 1], [], []>, transpose_lhs_hint = false} : vector<128x128xf32>, vector<128x512xf32>, vector<128x512xf32> -> vector<128x512xf32>
    %add3A_133 = arith.addf %add3A_119, %dot_general3A_132 : vector<128x512xf32>
    %get3A_134 = arith.constant 2 : index
    %get3A_135 = arith.constant 0 : index
    %get3A_136 = arith.constant 0 : index
    %get3A_137 = vector.load %arg2[%get3A_134, %get3A_135, %get3A_136] : memref<4x128x128xf32, #tpu.memory_space<vmem>>, vector<1x128x128xf32>
    %get3A_138 = vector.shape_cast %get3A_137 : vector<1x128x128xf32> to vector<128x128xf32>
    %mul3A_139 = arith.mulf %get3A_138, %div3A_50 : vector<128x128xf32>
    %get3A_140 = arith.constant 6 : index
    %get3A_141 = arith.constant 0 : index
    %get3A_142 = arith.constant 0 : index
    %get3A_143 = vector.load %arg5[%get3A_140, %get3A_141, %get3A_142] : memref<8x128x512xf32, #tpu.memory_space<vmem>>, vector<1x128x512xf32>
    %get3A_144 = vector.shape_cast %get3A_143 : vector<1x128x512xf32> to vector<128x512xf32>
    %dot_general3A_145 = arith.constant dense<0.000000e+00> : vector<128x512xf32>
    %dot_general3A_146 = tpu.matmul %mul3A_139, %get3A_144, %dot_general3A_145 {dimension_numbers = #tpu.dot_dimension_numbers<[1], [0], [0], [1], [0, 0, 1, 1], [], []>, transpose_lhs_hint = false} : vector<128x128xf32>, vector<128x512xf32>, vector<128x512xf32> -> vector<128x512xf32>
    %add3A_147 = arith.addf %add3A_133, %dot_general3A_146 : vector<128x512xf32>
    %get3A_148 = arith.constant 3 : index
    %get3A_149 = arith.constant 0 : index
    %get3A_150 = arith.constant 0 : index
    %get3A_151 = vector.load %arg2[%get3A_148, %get3A_149, %get3A_150] : memref<4x128x128xf32, #tpu.memory_space<vmem>>, vector<1x128x128xf32>
    %get3A_152 = vector.shape_cast %get3A_151 : vector<1x128x128xf32> to vector<128x128xf32>
    %mul3A_153 = arith.mulf %get3A_152, %div3A_50 : vector<128x128xf32>
    %get3A_154 = arith.constant 7 : index
    %get3A_155 = arith.constant 0 : index
    %get3A_156 = arith.constant 0 : index
    %get3A_157 = vector.load %arg5[%get3A_154, %get3A_155, %get3A_156] : memref<8x128x512xf32, #tpu.memory_space<vmem>>, vector<1x128x512xf32>
    %get3A_158 = vector.shape_cast %get3A_157 : vector<1x128x512xf32> to vector<128x512xf32>
    %dot_general3A_159 = arith.constant dense<0.000000e+00> : vector<128x512xf32>
    %dot_general3A_160 = tpu.matmul %mul3A_153, %get3A_158, %dot_general3A_159 {dimension_numbers = #tpu.dot_dimension_numbers<[1], [0], [0], [1], [0, 0, 1, 1], [], []>, transpose_lhs_hint = false} : vector<128x128xf32>, vector<128x512xf32>, vector<128x512xf32> -> vector<128x512xf32>
    %add3A_161 = arith.addf %add3A_147, %dot_general3A_160 : vector<128x512xf32>
    %max3A_162 = arith.constant 0.000000e+00 : f32
    %max3A_163 = vector.broadcast %max3A_162 : f32 to vector<128x512xf32>
    %max3A_164 = arith.maximumf %add3A_161, %max3A_163 : vector<128x512xf32>
    %slice3A = vector.extract_strided_slice %max3A_164 {offsets = [0, 0], sizes = [128, 16], strides = [1, 1]} : vector<128x512xf32> to vector<128x16xf32>
    %slice3A_165 = vector.extract_strided_slice %max3A_164 {offsets = [0, 64], sizes = [128, 16], strides = [1, 1]} : vector<128x512xf32> to vector<128x16xf32>
    %slice3A_166 = vector.extract_strided_slice %max3A_164 {offsets = [0, 128], sizes = [128, 16], strides = [1, 1]} : vector<128x512xf32> to vector<128x16xf32>
    %slice3A_167 = vector.extract_strided_slice %max3A_164 {offsets = [0, 192], sizes = [128, 16], strides = [1, 1]} : vector<128x512xf32> to vector<128x16xf32>
    %slice3A_168 = vector.extract_strided_slice %max3A_164 {offsets = [0, 256], sizes = [128, 16], strides = [1, 1]} : vector<128x512xf32> to vector<128x16xf32>
    %slice3A_169 = vector.extract_strided_slice %max3A_164 {offsets = [0, 320], sizes = [128, 16], strides = [1, 1]} : vector<128x512xf32> to vector<128x16xf32>
    %slice3A_170 = vector.extract_strided_slice %max3A_164 {offsets = [0, 384], sizes = [128, 16], strides = [1, 1]} : vector<128x512xf32> to vector<128x16xf32>
    %slice3A_171 = vector.extract_strided_slice %max3A_164 {offsets = [0, 448], sizes = [128, 16], strides = [1, 1]} : vector<128x512xf32> to vector<128x16xf32>
    %concatenate3A = tpu.concatenate %slice3A, %slice3A_165, %slice3A_166, %slice3A_167, %slice3A_168, %slice3A_169, %slice3A_170, %slice3A_171 in 1 : vector<128x16xf32>, vector<128x16xf32>, vector<128x16xf32>, vector<128x16xf32>, vector<128x16xf32>, vector<128x16xf32>, vector<128x16xf32>, vector<128x16xf32> -> vector<128x128xf32>
    %swap3A = arith.constant 0 : index
    %swap3A_172 = arith.constant 0 : index
    %swap3A_173 = arith.constant 0 : index
    %swap3A_174 = vector.load %arg9[%swap3A, %swap3A_172, %swap3A_173] : memref<4x128x128xf32, #tpu.memory_space<vmem>>, vector<1x128x128xf32>
    %swap3A_175 = vector.shape_cast %swap3A_174 : vector<1x128x128xf32> to vector<128x128xf32>
    %swap3A_176 = vector.shape_cast %concatenate3A : vector<128x128xf32> to vector<1x128x128xf32>
    tpu.vector_store %arg9[%swap3A, %swap3A_172, %swap3A_173], %swap3A_176 {strides = array<i32>} : memref<4x128x128xf32, #tpu.memory_space<vmem>>, vector<1x128x128xf32>,
    %slice3A_177 = vector.extract_strided_slice %max3A_164 {offsets = [0, 16], sizes = [128, 16], strides = [1, 1]} : vector<128x512xf32> to vector<128x16xf32>
    %slice3A_178 = vector.extract_strided_slice %max3A_164 {offsets = [0, 80], sizes = [128, 16], strides = [1, 1]} : vector<128x512xf32> to vector<128x16xf32>
    %slice3A_179 = vector.extract_strided_slice %max3A_164 {offsets = [0, 144], sizes = [128, 16], strides = [1, 1]} : vector<128x512xf32> to vector<128x16xf32>
    %slice3A_180 = vector.extract_strided_slice %max3A_164 {offsets = [0, 208], sizes = [128, 16], strides = [1, 1]} : vector<128x512xf32> to vector<128x16xf32>
    %slice3A_181 = vector.extract_strided_slice %max3A_164 {offsets = [0, 272], sizes = [128, 16], strides = [1, 1]} : vector<128x512xf32> to vector<128x16xf32>
    %slice3A_182 = vector.extract_strided_slice %max3A_164 {offsets = [0, 336], sizes = [128, 16], strides = [1, 1]} : vector<128x512xf32> to vector<128x16xf32>
    %slice3A_183 = vector.extract_strided_slice %max3A_164 {offsets = [0, 400], sizes = [128, 16], strides = [1, 1]} : vector<128x512xf32> to vector<128x16xf32>
    %slice3A_184 = vector.extract_strided_slice %max3A_164 {offsets = [0, 464], sizes = [128, 16], strides = [1, 1]} : vector<128x512xf32> to vector<128x16xf32>
    %concatenate3A_185 = tpu.concatenate %slice3A_177, %slice3A_178, %slice3A_179, %slice3A_180, %slice3A_181, %slice3A_182, %slice3A_183, %slice3A_184 in 1 : vector<128x16xf32>, vector<128x16xf32>, vector<128x16xf32>, vector<128x16xf32>, vector<128x16xf32>, vector<128x16xf32>, vector<128x16xf32>, vector<128x16xf32> -> vector<128x128xf32>
    %swap3A_186 = arith.constant 1 : index
    %swap3A_187 = arith.constant 0 : index
    %swap3A_188 = arith.constant 0 : index
    %swap3A_189 = vector.load %arg9[%swap3A_186, %swap3A_187, %swap3A_188] : memref<4x128x128xf32, #tpu.memory_space<vmem>>, vector<1x128x128xf32>
    %swap3A_190 = vector.shape_cast %swap3A_189 : vector<1x128x128xf32> to vector<128x128xf32>
    %swap3A_191 = vector.shape_cast %concatenate3A_185 : vector<128x128xf32> to vector<1x128x128xf32>
    tpu.vector_store %arg9[%swap3A_186, %swap3A_187, %swap3A_188], %swap3A_191 {strides = array<i32>} : memref<4x128x128xf32, #tpu.memory_space<vmem>>, vector<1x128x128xf32>,
    %slice3A_192 = vector.extract_strided_slice %max3A_164 {offsets = [0, 32], sizes = [128, 16], strides = [1, 1]} : vector<128x512xf32> to vector<128x16xf32>
    %slice3A_193 = vector.extract_strided_slice %max3A_164 {offsets = [0, 96], sizes = [128, 16], strides = [1, 1]} : vector<128x512xf32> to vector<128x16xf32>
    %slice3A_194 = vector.extract_strided_slice %max3A_164 {offsets = [0, 160], sizes = [128, 16], strides = [1, 1]} : vector<128x512xf32> to vector<128x16xf32>
    %slice3A_195 = vector.extract_strided_slice %max3A_164 {offsets = [0, 224], sizes = [128, 16], strides = [1, 1]} : vector<128x512xf32> to vector<128x16xf32>
    %slice3A_196 = vector.extract_strided_slice %max3A_164 {offsets = [0, 288], sizes = [128, 16], strides = [1, 1]} : vector<128x512xf32> to vector<128x16xf32>
    %slice3A_197 = vector.extract_strided_slice %max3A_164 {offsets = [0, 352], sizes = [128, 16], strides = [1, 1]} : vector<128x512xf32> to vector<128x16xf32>
    %slice3A_198 = vector.extract_strided_slice %max3A_164 {offsets = [0, 416], sizes = [128, 16], strides = [1, 1]} : vector<128x512xf32> to vector<128x16xf32>
    %slice3A_199 = vector.extract_strided_slice %max3A_164 {offsets = [0, 480], sizes = [128, 16], strides = [1, 1]} : vector<128x512xf32> to vector<128x16xf32>
    %concatenate3A_200 = tpu.concatenate %slice3A_192, %slice3A_193, %slice3A_194, %slice3A_195, %slice3A_196, %slice3A_197, %slice3A_198, %slice3A_199 in 1 : vector<128x16xf32>, vector<128x16xf32>, vector<128x16xf32>, vector<128x16xf32>, vector<128x16xf32>, vector<128x16xf32>, vector<128x16xf32>, vector<128x16xf32> -> vector<128x128xf32>
    %swap3A_201 = arith.constant 2 : index
    %swap3A_202 = arith.constant 0 : index
    %swap3A_203 = arith.constant 0 : index
    %swap3A_204 = vector.load %arg9[%swap3A_201, %swap3A_202, %swap3A_203] : memref<4x128x128xf32, #tpu.memory_space<vmem>>, vector<1x128x128xf32>
    %swap3A_205 = vector.shape_cast %swap3A_204 : vector<1x128x128xf32> to vector<128x128xf32>
    %swap3A_206 = vector.shape_cast %concatenate3A_200 : vector<128x128xf32> to vector<1x128x128xf32>
    tpu.vector_store %arg9[%swap3A_201, %swap3A_202, %swap3A_203], %swap3A_206 {strides = array<i32>} : memref<4x128x128xf32, #tpu.memory_space<vmem>>, vector<1x128x128xf32>,
    %slice3A_207 = vector.extract_strided_slice %max3A_164 {offsets = [0, 48], sizes = [128, 16], strides = [1, 1]} : vector<128x512xf32> to vector<128x16xf32>
    %slice3A_208 = vector.extract_strided_slice %max3A_164 {offsets = [0, 112], sizes = [128, 16], strides = [1, 1]} : vector<128x512xf32> to vector<128x16xf32>
    %slice3A_209 = vector.extract_strided_slice %max3A_164 {offsets = [0, 176], sizes = [128, 16], strides = [1, 1]} : vector<128x512xf32> to vector<128x16xf32>
    %slice3A_210 = vector.extract_strided_slice %max3A_164 {offsets = [0, 240], sizes = [128, 16], strides = [1, 1]} : vector<128x512xf32> to vector<128x16xf32>
    %slice3A_211 = vector.extract_strided_slice %max3A_164 {offsets = [0, 304], sizes = [128, 16], strides = [1, 1]} : vector<128x512xf32> to vector<128x16xf32>
    %slice3A_212 = vector.extract_strided_slice %max3A_164 {offsets = [0, 368], sizes = [128, 16], strides = [1, 1]} : vector<128x512xf32> to vector<128x16xf32>
    %slice3A_213 = vector.extract_strided_slice %max3A_164 {offsets = [0, 432], sizes = [128, 16], strides = [1, 1]} : vector<128x512xf32> to vector<128x16xf32>
    %slice3A_214 = vector.extract_strided_slice %max3A_164 {offsets = [0, 496], sizes = [128, 16], strides = [1, 1]} : vector<128x512xf32> to vector<128x16xf32>
    %concatenate3A_215 = tpu.concatenate %slice3A_207, %slice3A_208, %slice3A_209, %slice3A_210, %slice3A_211, %slice3A_212, %slice3A_213, %slice3A_214 in 1 : vector<128x16xf32>, vector<128x16xf32>, vector<128x16xf32>, vector<128x16xf32>, vector<128x16xf32>, vector<128x16xf32>, vector<128x16xf32>, vector<128x16xf32> -> vector<128x128xf32>
    %swap3A_216 = arith.constant 3 : index
    %swap3A_217 = arith.constant 0 : index
    %swap3A_218 = arith.constant 0 : index
    %swap3A_219 = vector.load %arg9[%swap3A_216, %swap3A_217, %swap3A_218] : memref<4x128x128xf32, #tpu.memory_space<vmem>>, vector<1x128x128xf32>
    %swap3A_220 = vector.shape_cast %swap3A_219 : vector<1x128x128xf32> to vector<128x128xf32>
    %swap3A_221 = vector.shape_cast %concatenate3A_215 : vector<128x128xf32> to vector<1x128x128xf32>
    tpu.vector_store %arg9[%swap3A_216, %swap3A_217, %swap3A_218], %swap3A_221 {strides = array<i32>} : memref<4x128x128xf32, #tpu.memory_space<vmem>>, vector<1x128x128xf32>,
    return
  }
  func.func @transform_0(%arg0: i32) -> (i32, i32, i32) {
    %c0_i32 = arith.constant 0 : i32
    %c0_i32_0 = arith.constant 0 : i32
    %c0_i32_1 = arith.constant 0 : i32
    return %c0_i32, %arg0, %c0_i32_0 : i32, i32, i32
  }
  func.func @transform_1(%arg0: i32) -> (i32, i32, i32) {
    %c0_i32 = arith.constant 0 : i32
    %c0_i32_0 = arith.constant 0 : i32
    %c0_i32_1 = arith.constant 0 : i32
    return %c0_i32, %arg0, %c0_i32_0 : i32, i32, i32
  }
  func.func @transform_2(%arg0: i32) -> (i32, i32, i32) {
    %c0_i32 = arith.constant 0 : i32
    %c0_i32_0 = arith.constant 0 : i32
    %c0_i32_1 = arith.constant 0 : i32
    return %c0_i32, %arg0, %c0_i32_0 : i32, i32, i32
  }
  func.func @transform_3(%arg0: i32) -> (i32, i32, i32) {
    %c1_i32 = arith.constant 1 : i32
    %c0_i32 = arith.constant 0 : i32
    %c0_i32_0 = arith.constant 0 : i32
    return %c1_i32, %arg0, %c0_i32 : i32, i32, i32
  }
  func.func @transform_4(%arg0: i32) -> (i32, i32, i32) {
    %c0_i32 = arith.constant 0 : i32
    %c0_i32_0 = arith.constant 0 : i32
    %c0_i32_1 = arith.constant 0 : i32
    %c0_i32_2 = arith.constant 0 : i32
    return %c0_i32, %c0_i32_0, %c0_i32_1 : i32, i32, i32
  }
  func.func @transform_5(%arg0: i32) -> (i32, i32) {
    %c0_i32 = arith.constant 0 : i32
    %c0_i32_0 = arith.constant 0 : i32
    %c0_i32_1 = arith.constant 0 : i32
    return %c0_i32, %c0_i32_0 : i32, i32
  }
  func.func @transform_6(%arg0: i32) -> (i32, i32) {
    %c0_i32 = arith.constant 0 : i32
    %c0_i32_0 = arith.constant 0 : i32
    %c0_i32_1 = arith.constant 0 : i32
    return %c0_i32, %c0_i32_0 : i32, i32
  }
  func.func @transform_7(%arg0: i32) -> (i32, i32, i32) {
    %c0_i32 = arith.constant 0 : i32
    %c0_i32_0 = arith.constant 0 : i32
    %c0_i32_1 = arith.constant 0 : i32
    %c0_i32_2 = arith.constant 0 : i32
    return %c0_i32, %c0_i32_0, %c0_i32_1 : i32, i32, i32
  }
  func.func @transform_8(%arg0: i32) -> (i32, i32, i32) {
    %c0_i32 = arith.constant 0 : i32
    %c0_i32_0 = arith.constant 0 : i32
    %c0_i32_1 = arith.constant 0 : i32
    return %c0_i32, %arg0, %c0_i32_0 : i32, i32, i32
  }
}

</mosaic_0001>

<sc_bundles>
// kernel: kernel.10.cloned.1.call-start
scs
__scs_entry_jumppad:
0x0: {  	(pc) =	sbr.rel $0x88, $3  }
0x1: {  	(tag) =	ssettag $0x0;
	lr =	simm.s32 $0x1  }
0x2: {  	[smem:$0x3F9B] =	sst lr;
	_ =	strace $0xD0000000  }
0x3: {  	_ = 	snop  }
0x4: {  	_ = 	snop  }
0x5: {  	_ = 	snop  }
0x6: {  	_ = 	snop  }
0x7: {  	_ = 	snop  }
__scs_overlays_trampoline_lowered:
0x8: {  	[smem:$0x3FAA] =	sst s0  }
0x9: {  	[smem:$0x3FAB] =	sst s1  }
0xa: {  	[smem:$0x3FAC] =	sst s2  }
0xb: {  	[smem:$0x3FAD] =	sst s3  }
0xc: {  	[smem:$0x3FAE] =	sst s4  }
0xd: {  	[smem:$0x3FAF] =	sst s5  }
0xe: {  	[smem:$0x3FB0] =	sst s6  }
0xf: {  	[smem:$0x3FB1] =	sst s7  }
0x10: {  	[smem:$0x3FB2] =	sst s8  }
0x11: {  	[smem:$0x3FB3] =	sst s9;
	s0 =	simm.s32 @!p0 $0x0  }
0x12: {  	s1 =	sld [smem:$0x3F99];
	s0 =	simm.s32 @p0 $0x1  }
0x13: {  	[smem:$0x3FB4] =	sst s0;
	s0 =	simm.s32 @!p1 $0x0  }
0x14: {  	s2 =	sld [smem:$0x3F98];
	s0 =	simm.s32 @p1 $0x1  }
0x15: {  	[smem:$0x3FB5] =	sst s0;
	s0 =	simm.s32 @!p2 $0x0  }
0x16: {  	s3 =	sld [smem:$0x3FDB];
	s0 =	simm.s32 @p2 $0x1  }
0x17: {  	s4 =	simm.s32 $0x1BF5;
	[smem:$0x3FB7] =	sst s0  }
0x18: {  	s0 =	sld [smem:$0x3F9A];
	_ =	swait.ge [sflag:s4], $0x0  }
0x19: {  	s7 =	sld [smem:$0x3F9B]  }
0x1a: {  	s8 =	sadd.s32 $0xFFFFE003, lr  }
0x1b: {  	s9 =	sadd.s32 $0xFFFFFEF7, lr;
	s5 =	simm.s32 $0xFFFFFFFF;
	p2 =	slt.u32 s8, $0xFFFFF086  }
0x1c: {  	p1 =	slt.u32 s9, $0xF7A;
	s5 =	simm.s32 @!p2 $0x0  }
0x1d: {  	s5 =	simm.s32 @p1 $0x1;
	p0 =	seq.s32 s7, s2  }
0x1e: {  	s7 =	smul.u32 @!p0 $0xF7A, s2;
	p2 =	seq.s32 @!p0 s5, $0x0  }
0x1f: {  	s9 =	smul.u32 $0xF7A, s1;
	s8 =	simm.s32 @!p0 $0x1BF5;
	p2 =	por !p2, p0  }
0x20: {  	[sflag:s8] =	ssyncset.s32 @!p0 $0xFFFFF086;
	s6 =	sadd.s32 @!p0 s3, s7;
	s7 =	simm.s32 @!p0 $0x108  }
0x21: {  	s3 =	sadd.s32 s3, s9;
	s6 =	sadd.s32 @!p0 $0x88, s6;
	s7 =	simm.s32 @p2 $0x1082  }
0x22: {  	[simem:s7], [sflag:s8] =	dma.local @!p0 [hbm:s6], $0xF7A  }
0x23: {  	s9 =	sor.u32 $0xD0000000, s2;
	s6 =	simm.s32 $0x108;
	_ =	swait.ge @!p0 [sflag:s8], $0x0  }
0x24: {  	s3 =	sadd.s32 $0x88, s3;
	s6 =	simm.s32 @!p1 $0x1082;
	[sflag:s4] =	ssyncset.s32 $0xFFFFF086  }
0x25: {  	[simem:s6], [sflag:s4] =	dma.local [hbm:s3], $0xF7A  }
0x26: {  	[smem:$0x3F9B] =	sst s1;
	(tag) =	ssettag s2;
	_ =	strace s9  }
0x27: {  	s1 =	sld [smem:$0x3FAB]  }
0x28: {  	s2 =	sld [smem:$0x3FAC]  }
0x29: {  	s4 =	sld [smem:$0x3FAE]  }
0x2a: {  	p0 =	seq.s32 s5, $0x0;
	s5 =	sld [smem:$0x3FAF]  }
0x2b: {  	s6 =	sld [smem:$0x3FB0]  }
0x2c: {  	s7 =	sld [smem:$0x3FB1]  }
0x2d: {  	s3 =	simm.s32 $0x108;
	s8 =	sld [smem:$0x3FB2]  }
0x2e: {  	s3 =	simm.s32 @!p0 $0x1082;
	s9 =	sld [smem:$0x3FB3]  }
0x2f: {  	lr =	sadd.s32 s0, s3;
	s0 =	sld [smem:$0x3FAA]  }
0x30: {  	s3 =	sld [smem:$0x3FAD]  }
0x31: {  	[smem:$0x3FB6] =	sst s10  }
0x32: {  	s10 =	sld [smem:$0x3FB4];
	_ =	sdelay $0x3  }
0x33: {  	p0 =	seq.s32 s10, $0x1;
	s10 =	sld [smem:$0x3FB6];
	_ =	sdelay $0x3  }
0x34: {  	[smem:$0x3FB6] =	sst s10  }
0x35: {  	s10 =	sld [smem:$0x3FB5];
	_ =	sdelay $0x3  }
0x36: {  	p1 =	seq.s32 s10, $0x1;
	s10 =	sld [smem:$0x3FB6];
	_ =	sdelay $0x3  }
0x37: {  	[smem:$0x3FB6] =	sst s10  }
0x38: {  	s10 =	sld [smem:$0x3FB7]  }
0x39: {  	_ = 	snop;
	(pc) =	sbr.ind lr, $3  }
0x3a: {  	_ = 	snop  }
0x3b: {  	_ = 	snop  }
0x3c: {  	p2 =	seq.s32 s10, $0x1;
	s10 =	sld [smem:$0x3FB6]  }
0x3d: {  	_ =	shalt  }
0x3e: {  	_ =	shalt  }
0x3f: {  	_ =	shalt  }
0x40: {  	_ =	shalt  }
0x41: {  	_ =	shalt  }
0x42: {  	_ =	shalt  }
0x43: {  	_ =	shalt  }
0x44: {  	_ =	shalt  }
0x45: {  	_ =	shalt  }
0x46: {  	_ =	shalt  }
0x47: {  	_ =	shalt  }
0x48: {  	_ =	shalt  }
0x49: {  	_ =	shalt  }
0x4a: {  	_ =	shalt  }
0x4b: {  	_ =	shalt  }
0x4c: {  	_ =	shalt  }
0x4d: {  	_ =	shalt  }
0x4e: {  	_ =	shalt  }
0x4f: {  	_ =	shalt  }
0x50: {  	_ =	shalt  }
0x51: {  	_ =	shalt  }
0x52: {  	_ =	shalt  }
0x53: {  	_ =	shalt  }
0x54: {  	_ =	shalt  }
0x55: {  	_ =	shalt  }
0x56: {  	_ =	shalt  }
0x57: {  	_ =	shalt  }
0x58: {  	_ =	shalt  }
0x59: {  	_ =	shalt  }
0x5a: {  	_ =	shalt  }
0x5b: {  	_ =	shalt  }
0x5c: {  	_ =	shalt  }
0x5d: {  	_ =	shalt  }
0x5e: {  	_ =	shalt  }
0x5f: {  	_ =	shalt  }
0x60: {  	_ =	shalt  }
0x61: {  	_ =	shalt  }
0x62: {  	_ =	shalt  }
0x63: {  	_ =	shalt  }
0x64: {  	_ =	shalt  }
0x65: {  	_ =	shalt  }
0x66: {  	_ =	shalt  }
0x67: {  	_ =	shalt  }
0x68: {  	_ =	shalt  }
0x69: {  	_ =	shalt  }
0x6a: {  	_ =	shalt  }
0x6b: {  	_ =	shalt  }
0x6c: {  	_ =	shalt  }
0x6d: {  	_ =	shalt  }
0x6e: {  	_ =	shalt  }
0x6f: {  	_ =	shalt  }
0x70: {  	_ =	shalt  }
0x71: {  	_ =	shalt  }
0x72: {  	_ =	shalt  }
0x73: {  	_ =	shalt  }
0x74: {  	_ =	shalt  }
0x75: {  	_ =	shalt  }
0x76: {  	_ =	shalt  }
0x77: {  	_ =	shalt  }
0x78: {  	_ =	shalt  }
0x79: {  	_ =	shalt  }
0x7a: {  	_ =	shalt  }
0x7b: {  	_ =	shalt  }
0x7c: {  	_ =	shalt  }
0x7d: {  	_ =	shalt  }
0x7e: {  	_ =	shalt  }
0x7f: {  	_ =	shalt  }
0x80: {  	_ =	shalt  }
0x81: {  	_ =	shalt  }
0x82: {  	_ =	shalt  }
0x83: {  	_ =	shalt  }
0x84: {  	_ =	shalt  }
0x85: {  	_ =	shalt  }
0x86: {  	_ =	shalt  }
0x87: {  	_ =	shalt  }
.Lfunc_end0:
.L_simem_size_0:
called_computation.1_lowered:
.L_overlay_start_0:
0x88: {  	s2 =	sld [smem:$0x3FD9]  }
0x89: {  	s3 =	sld [smem:$0x3FFE];
	_ =	sdelay $0x1  }
0x8a: {  	s1 =	srdreg.scid  }
0x8b: {  	s0 =	sand.u32 $0x1, s1  }
0x8c: {  	s17 =	sshll.u32 s0, $0xA;
	s2 =	sadd.s32 s3, s2  }
0x8d: {  	s2 =	sadd.s32 s2, s17  }
0x8e: {  	[smem:$0x3FC2] =	sst s2  }
0x8f: {  	_ = 	snop  }
0x90: {  	s18 =	sld [smem:$0x3FD0];
	(tm) =	ssettm $0x1  }
0x91: {  	s19 =	sld [smem:$0x3FFB];
	_ =	sdelay $0x3  }
0x92: {  	_ =	strace s19  }
0x93: {  	s2 =	sld [smem:$0x3FFC];
	_ =	sdelay $0x3  }
0x94: {  	_ =	strace s2  }
0x95: {  	s2 =	sld [smem:$0x3FFD];
	_ =	sdelay $0x3  }
0x96: {  	_ =	strace s2  }
0x97: {  	_ =	strace $0x8FFFFFFF  }
0x98: {  	s20 =	sld [smem:$0x3FDB];
	_ =	sdelay $0x1  }
0x99: {  	s4 =	simm.s32 $_scs_section_size  }
0x9a: {  	s5 =	simm.s32 $_size__tile_overlayer_lowered;
	s6 =	simm.s32 $_tile_overlayer_lowered  }
0x9b: {  	s7 =	simm.s32 $0x1BFF;
	s21 =	sshll.u32 s6, $0x1;
	s4 =	sadd.s32 s4, s20  }
0x9c: {  	s22 =	simm.s32 $0x0;
	s5 =	sshll.u32 s5, $0x1;
	s6 =	sadd.s32 s21, s4  }
0x9d: {  	[timem:s22], [sflag:s7] =	dma.local [hbm:s6], s5  }
0x9e: {  	_ =	swait.ge [sflag:s7], s5  }
0x9f: {  	s5 =	ssub.s32 $0x0, s5;
	[sflag:s7] =	ssyncset.done $0x0  }
0xa0: {  	[sflag:s7] =	ssyncadd.s32 s5;
	_ =	sdelay $0x1  }
0xa1: {  	s23 =	simm.s32 $0x1B8B  }
0xa2: {  	_ =	swait.ge [sflag:s23], $0x1  }
0xa3: {  	[sflag:s23] =	ssyncset.done $0x0  }
0xa4: {  	[sflag:s23] =	ssyncadd.s32 $0xFFFFFFFF  }
0xa5: {  	s5 =	sld [smem:$0x0]  }
0xa6: {  	s6 =	sand.u32 $0xFFFFFFFE, s1  }
0xa7: {  	p0 =	sne.s32 s1, s6  }
0xa8: {  	s6 =	sshll.u32 @p0 s6, $0xE  }
0xa9: {  	s6 =	sadd.s32 @p0 $0x11B8D, s6;
	s7 =	sshll.u32 @p0 s5, $0x11  }
0xaa: {  	s6 =	sor.u32 @p0 s7, s6  }
0xab: {  	[sflag:s6] =	ssyncadd.remote.s32 @p0 $0x1;
	_ =	sdelay $0x1  }
0xac: {  	s6 =	simm.s32 @p0 $0x1B8D  }
0xad: {  	_ =	swait.eq @p0 [sflag:s6], $0x1  }
0xae: {  	[sflag:s6] =	ssyncadd.s32 @p0 $0xFFFFFFFF  }
0xaf: {  	s7 =	sshll.u32 @!p0 s1, $0xE  }
0xb0: {  	s7 =	sor.u32 @!p0 $0x4000, s7;
	s6 =	simm.s32 @!p0 $0x1B8D  }
0xb1: {  	s5 =	sshll.u32 @!p0 s5, $0x11;
	s7 =	sadd.s32 @!p0 $0x11B8D, s7;
	_ =	swait.eq @!p0 [sflag:s6], $0x1  }
0xb2: {  	s5 =	sor.u32 @!p0 s5, s7;
	[sflag:s6] =	ssyncadd.s32 @!p0 $0xFFFFFFFF  }
0xb3: {  	s25 =	simm.s32 $0x1B8E;
	s24 =	sld [smem:$0x3FFE];
	[sflag:s5] =	ssyncadd.remote.s32 @!p0 $0x1  }
0xb4: {  	s26 =	simm.s32 $execute0_lowered;
	[smem:$0x3FD2] =	sst s25  }
0xb5: {  	s6 =	sshll.u32 s26, $0x1;
	_ =	strace $0x80000049;
	[dreg:$0x1] =	wrdreg $0xFFFFFFFF  }
0xb6: {  	s28 =	simm.s32 $_size_execute0_lowered;
	s4 =	sadd.s32 s4, s6;
	[dreg:$0x0] =	wrdreg $0x0  }
0xb7: {  	s6 =	sshll.u32 s28, $0x1;
	[dreg:$0x2] =	wrdreg s4  }
0xb8: {  	[dreg:$0x3] =	wrdreg s6  }
0xb9: {  	[dreg:$0x4] =	wrdreg $0xC0  }
0xba: {  	_ =	task [dreg:s22], $0x5FFFF  }
0xbb: {  	[dreg:$0x1] =	wrdreg $0xFFFFFFFF  }
0xbc: {  	[dreg:$0x0] =	wrdreg $0x60  }
0xbd: {  	[dreg:$0x2] =	wrdreg s24  }
0xbe: {  	[dreg:$0x3] =	wrdreg s18  }
0xbf: {  	[dreg:$0x4] =	wrdreg $0xE1000  }
0xc0: {  	[dreg:$0x5] =	wrdreg $0xA  }
0xc1: {  	_ =	task.clear_ibuf [dreg:s22], $0x6FFFF;
	_ =	strace $0x90000049  }
0xc2: {  	s29 =	simm.s32 $0xA;
	_ =	strace $0x8000004B  }
0xc3: {  	_ =	swait.ge [sflag:s29], $0x1  }
0xc4: {  	[sflag:s29] =	ssyncadd.s32 $0xFFFFFFFF  }
0xc5: {  	_ =	strace $0x9000004B  }
0xc6: {  	_ =	sfence  }
0xc7: {  	s30 =	sld [smem:$0x0];
	_ =	sdelay $0x2  }
0xc8: {  	s31 =	sshll.u32 s1, $0xD;
	s1 =	sshrl.u32 s1, $0x2  }
0xc9: {  	s4 =	sand.u32 $0x4000, s31;
	s1 =	sadd.s32 s1, s30  }
0xca: {  	s0 =	sor.u32 s4, s0;
	s1 =	sshll.u32 s1, $0x11  }
0xcb: {  	s0 =	sor.u32 s1, s0  }
0xcc: {  	s0 =	sadd.s32 $0x8F2B, s0  }
0xcd: {  	[sflag:s0] =	ssyncadd.remote.s32 $0x1  }
0xce: {  	_ =	sfence.sel $0xFFFF  }
0xcf: {  	[dreg:$0x0] =	wrdreg $0xFFFFFFFF;
	(pc) =	sbr.abs _section_cstart, $3  }
0xd0: {  	[dreg:$0x1] =	wrdreg $0xFFFFFFFF  }
0xd1: {  	_ =	task.clear_ibuf [dreg:s22], $0x2FFFF;
	_ =	strace $0x9FFFFFFF  }
0xd2: {  	(tm) =	ssettm $0x7FFFFFFF  }
0xd3: {  	_ =	shalt  }
tec
execute0_lowered:
.L_overlay_start_1:
0x0: {  	(tag) =	ssettag $0x1  }
0x1: {  	s0 =	rddreg [dreg:$0x0]  }
0x2: {  	s3 =	rddreg [dreg:$0x1]  }
0x3: {  	s1 =	rddreg [dreg:$0x2];
	s2 =	simm.s32 $0x0  }
0x4: {  	s6 =	srdreg.scid;
	s18 =	stileid.u32;
	s28 =	simm.s32 $0x12C0  }
0x5: {  	s29 =	simm.s32 $0x7D00;
	s30 =	simm.s32 $0x1;
	s9 =	smul.u32 $0xC40, s18  }
0x6: {  	s31 =	simm.s32 $0x2;
	[smem:$0x7FF] =	sst s2;
	s10 =	smul.u32 $0xC800, s18  }
0x7: {  	s4 =	sadd.s32 $0x1F400, s0;
	s5 =	sadd.s32 $0x81400, s0;
	s12 =	smul.u32 $0x31000, s18  }
0x8: {  	s7 =	sand.u32 $0x1, s6;
	s6 =	sadd.s32 $0xE5400, s0;
	s20 =	smul.u32 $0x1900, s18  }
0x9: {  	s0 =	sadd.s32 $0xE6E00, s0;
	s23 =	sshll.u32 s18, $0x6;
	s13 =	smul.u32 $0x18800, s7  }
0xa: {  	s8 =	ssub.s32 $0x2, s7;
	s14 =	sshllo.u32 s7, $0x1;
	s7 =	smul.u32 $0x190000, s7  }
0xb: {  	_ =	strace $0x8000004A;
	s11 =	sshrl.u32 s8, $0x1;
	s15 =	smul.u32 $0xC400, s14  }
0xc: {  	s22 =	sshrl.u32 s12, $0x2;
	s16 =	sor.u32 $0x640, s10;
	s17 =	smul.u32 $0xC8000, s14  }
0xd: {  	s18 =	sadd.s32 s20, s3;
	s11 =	ssub.s32 s8, s11;
	s8 =	sadd.s32 s22, s1  }
0xe: {  	s24 =	sadd.s32 s9, s13;
	[dreg:$0x4] =	wrdreg s8;
	s8 =	sor.u32 $0x1C05, s23  }
0xf: {  	s12 =	sshll.u32 s24, $0x1;
	s9 =	sadd.s32 s9, s15;
	s25 =	smax.u32 s11, $0x1  }
0x10: {  	s11 =	sshrl.u32 s10, $0x3;
	s14 =	sadd.s32 s17, s10;
	s19 =	sadd.s32 s17, s16  }
0x11: {  	s12 =	sadd.s32 s0, s12;
	s9 =	sshll.u32 s9, $0x1;
	[dreg:$0x7] =	wrdreg s25  }
0x12: {  	s13 =	sadd.s32 s3, s11;
	[dreg:$0x5] =	wrdreg s12;
	s0 =	sadd.s32 s0, s9  }
0x13: {  	s12 =	sshrl.u32 s16, $0x3;
	[dreg:$0x6] =	wrdreg s0;
	s0 =	sadd.s32 s7, s10  }
0x14: {  	s7 =	sadd.s32 s7, s16;
	s15 =	sadd.s32 s3, s12;
	s3 =	simm.s32 $0x4  }
0x15: {  	s26 =	sshrl.u32 s0, $0x3;
	s7 =	sshrl.u32 s7, $0x3;
	s21 =	sadd.s32 $0x12C0, s0  }
0x16: {  	s23 =	sadd.s32 $0xC92C0, s0;
	s25 =	sadd.s32 $0xC8C80, s0;
	s20 =	sadd.s32 $0xC80, s0  }
0x17: {  	s0 =	simm.s32 $0x3;
	s9 =	sadd.s32 s5, s26;
	s7 =	sadd.s32 s5, s7  }
0x18: {  	s22 =	sshrl.u32 s21, $0x3;
	s24 =	sshrl.u32 s23, $0x3;
	s26 =	sshrl.u32 s25, $0x3  }
0x19: {  	s23 =	simm.s32 $0x5;
	s25 =	simm.s32 $0x640;
	[dreg:$0x8] =	wrdreg s9  }
0x1a: {  	[dreg:$0x9] =	wrdreg s7;
	s7 =	sshrl.u32 s14, $0x3;
	s9 =	sshrl.u32 s19, $0x3  }
0x1b: {  	s19 =	sadd.s32 s22, s5;
	s21 =	sadd.s32 s24, s5;
	s22 =	sadd.s32 s26, s5  }
0x1c: {  	s24 =	simm.s32 $0xC80;
	s26 =	simm.s32 $0x1900;
	s7 =	sadd.s32 s5, s7  }
0x1d: {  	s17 =	sadd.s32 s5, s9;
	[dreg:$0xa] =	wrdreg s7;
	s7 =	simm.s32 $0x0  }
.LBB2_1:
0x1e: {  	s9 =	rddreg [dreg:$0x4]  }
0x1f: {  	s9 =	sshrl.u32 s9, $0x3  }
0x20: {  	[spmem:s9], [sflag:s8] =	dma.local [hbm:s6], $0x1880  }
0x21: {  	_ =	swait.ge [sflag:s23], $0x1880  }
0x22: {  	[sflag:s23] =	ssyncset.done $0x0  }
0x23: {  	[sflag:s23] =	ssyncadd.s32 $0xFFFFE780  }
0x24: {  	[bflag:$0x0] =	sbarrier.arrive $0xFFFF  }
0x25: {  	s10 =	rddreg [dreg:$0x8]  }
0x26: {  	[tilespmem:s2], [sflag:$0x5] =	stream.linear.gather [hbm4b:s10+s2], $0x640, $0x38;
	[tilespmem:$0x1A500] =	vst v63  }
0x27: {  	_ =	swait.ge [sflag:s23], $0x640  }
0x28: {  	[sflag:s23] =	ssyncset.done $0x0  }
0x29: {  	[sflag:s23] =	ssyncadd.s32 $0xFFFFF9C0  }
0x2a: {  	[tilespmem:s24], [sflag:$0x5] =	stream.linear.gather [hbm4b:s13+s2], $0x640, $0x38;
	[tilespmem:$0x1A500] =	vst v63  }
0x2b: {  	_ =	swait.ge [sflag:s23], $0x640  }
0x2c: {  	[sflag:s23] =	ssyncset.done $0x0  }
0x2d: {  	[sflag:s23] =	ssyncadd.s32 $0xFFFFF9C0  }
0x2e: {  	[tilespmem:s26], [sflag:$0x1] =	stream.indirect.gather [hbm4b:s4+s25], $0x10, s2, s25, $0xb8;
	[tilespmem:$0x1A500] =	vst v63  }
0x2f: {  	s11 =	rddreg [dreg:$0x9]  }
0x30: {  	[tilespmem:s25], [sflag:$0x5] =	stream.linear.gather [hbm4b:s11+s2], $0x640, $0x38;
	[tilespmem:$0x1A500] =	vst v63  }
0x31: {  	_ =	swait.ge [sflag:s23], $0x640  }
0x32: {  	[sflag:s23] =	ssyncset.done $0x0  }
0x33: {  	[sflag:s23] =	ssyncadd.s32 $0xFFFFF9C0  }
0x34: {  	[tilespmem:s28], [sflag:$0x5] =	stream.linear.gather [hbm4b:s15+s2], $0x640, $0x38;
	[tilespmem:$0x1A500] =	vst v63  }
0x35: {  	_ =	swait.ge [sflag:s23], $0x640  }
0x36: {  	[sflag:s23] =	ssyncset.done $0x0  }
0x37: {  	[sflag:s23] =	ssyncadd.s32 $0xFFFFF9C0  }
0x38: {  	[tilespmem:s29], [sflag:$0x2] =	stream.indirect.gather [hbm4b:s4+s25], $0x10, s25, s25, $0xb8;
	[tilespmem:$0x1A500] =	vst v63  }
0x39: {  	_ =	swait.ge [sflag:s30], $0x6400  }
0x3a: {  	[sflag:s30] =	ssyncset.done $0x0  }
0x3b: {  	[sflag:s30] =	ssyncadd.s32 $0xFFFF9C00  }
0x3c: {  	[spmem:s1] =	stream.indirect.scatter.add.f32 [tilespmem:s26], [sflag:$0x3], $0x10, s24, s25, $0xb8;
	[tilespmem:$0x1A500] =	vst v63  }
0x3d: {  	_ =	swait.ge [sflag:s31], $0x6400  }
0x3e: {  	[sflag:s31] =	ssyncset.done $0x0  }
0x3f: {  	[sflag:s31] =	ssyncadd.s32 $0xFFFF9C00  }
0x40: {  	[spmem:s1] =	stream.indirect.scatter.add.f32 [tilespmem:s29], [sflag:$0x4], $0x10, s28, s25, $0xb8;
	[tilespmem:$0x1A500] =	vst v63  }
0x41: {  	_ =	swait.ge [sflag:s0], $0x6400  }
0x42: {  	s12 =	sshrl.u32 s20, $0x3;
	[sflag:s0] =	ssyncset.done $0x0  }
0x43: {  	s10 =	sadd.s32 s5, s12;
	[sflag:s0] =	ssyncadd.s32 $0xFFFF9C00  }
0x44: {  	[tilespmem:s2], [sflag:$0x5] =	stream.linear.gather [hbm4b:s10+s2], $0x640, $0x38;
	[tilespmem:$0x1A500] =	vst v63  }
0x45: {  	_ =	swait.ge [sflag:s23], $0x640  }
0x46: {  	s14 =	sadd.s32 $0x0, s18;
	[sflag:s23] =	ssyncset.done $0x0  }
0x47: {  	s11 =	sadd.s32 $0x190, s14;
	[sflag:s23] =	ssyncadd.s32 $0xFFFFF9C0  }
0x48: {  	[tilespmem:s24], [sflag:$0x5] =	stream.linear.gather [hbm4b:s11+s2], $0x640, $0x38;
	[tilespmem:$0x1A500] =	vst v63  }
0x49: {  	_ =	swait.ge [sflag:s23], $0x640  }
0x4a: {  	[sflag:s23] =	ssyncset.done $0x0  }
0x4b: {  	[sflag:s23] =	ssyncadd.s32 $0xFFFFF9C0  }
0x4c: {  	[tilespmem:s26], [sflag:$0x1] =	stream.indirect.gather [hbm4b:s4+s25], $0x10, s2, s25, $0xb8;
	[tilespmem:$0x1A500] =	vst v63  }
0x4d: {  	_ =	swait.ge [sflag:s3], $0x6400  }
0x4e: {  	[sflag:s3] =	ssyncset.done $0x0  }
0x4f: {  	s16 =	sadd.s32 $0x0, s19;
	[sflag:s3] =	ssyncadd.s32 $0xFFFF9C00  }
0x50: {  	[tilespmem:s25], [sflag:$0x5] =	stream.linear.gather [hbm4b:s16+s2], $0x640, $0x38;
	[tilespmem:$0x1A500] =	vst v63  }
0x51: {  	_ =	swait.ge [sflag:s23], $0x640  }
0x52: {  	[sflag:s23] =	ssyncset.done $0x0  }
0x53: {  	s10 =	sadd.s32 $0x258, s14;
	[sflag:s23] =	ssyncadd.s32 $0xFFFFF9C0  }
0x54: {  	[tilespmem:s28], [sflag:$0x5] =	stream.linear.gather [hbm4b:s10+s2], $0x640, $0x38;
	[tilespmem:$0x1A500] =	vst v63  }
0x55: {  	_ =	swait.ge [sflag:s23], $0x640  }
0x56: {  	[sflag:s23] =	ssyncset.done $0x0  }
0x57: {  	[sflag:s23] =	ssyncadd.s32 $0xFFFFF9C0  }
0x58: {  	[tilespmem:s29], [sflag:$0x2] =	stream.indirect.gather [hbm4b:s4+s25], $0x10, s25, s25, $0xb8;
	[tilespmem:$0x1A500] =	vst v63  }
0x59: {  	_ =	swait.ge [sflag:s30], $0x6400  }
0x5a: {  	[sflag:s30] =	ssyncset.done $0x0  }
0x5b: {  	[sflag:s30] =	ssyncadd.s32 $0xFFFF9C00  }
0x5c: {  	[spmem:s1] =	stream.indirect.scatter.add.f32 [tilespmem:s26], [sflag:$0x3], $0x10, s24, s25, $0xb8;
	[tilespmem:$0x1A500] =	vst v63  }
0x5d: {  	_ =	swait.ge [sflag:s31], $0x6400  }
0x5e: {  	[sflag:s31] =	ssyncset.done $0x0  }
0x5f: {  	s11 =	sadd.s32 $0xC80, s20;
	s10 =	simm.s32 $0x190;
	[sflag:s31] =	ssyncadd.s32 $0xFFFF9C00  }
.LBB2_2:
0x60: {  	[spmem:s1] =	stream.indirect.scatter.add.f32 [tilespmem:s29], [sflag:$0x4], $0x10, s28, s25, $0xb8;
	[tilespmem:$0x1A500] =	vst v63  }
0x61: {  	s12 =	smov.u32 s10  }
0x62: {  	p0 =	sne.s32 s10, $0x15E0;
	s10 =	sadd.s32 $0x190, s10;
	_ =	swait.ge [sflag:s0], $0x6400  }
0x63: {  	s14 =	sshrl.u32 s11, $0x3;
	[sflag:s0] =	ssyncset.done $0x0  }
0x64: {  	s14 =	sadd.s32 s5, s14;
	[sflag:s0] =	ssyncadd.s32 $0xFFFF9C00  }
0x65: {  	[tilespmem:s2], [sflag:$0x5] =	stream.linear.gather [hbm4b:s14+s2], $0x640, $0x38;
	[tilespmem:$0x1A500] =	vst v63  }
0x66: {  	_ =	swait.ge [sflag:s23], $0x640  }
0x67: {  	s14 =	sadd.s32 s12, s18;
	[sflag:s23] =	ssyncset.done $0x0  }
0x68: {  	s16 =	sadd.s32 $0x190, s14;
	[sflag:s23] =	ssyncadd.s32 $0xFFFFF9C0  }
0x69: {  	[tilespmem:s24], [sflag:$0x5] =	stream.linear.gather [hbm4b:s16+s2], $0x640, $0x38;
	[tilespmem:$0x1A500] =	vst v63  }
0x6a: {  	_ =	swait.ge [sflag:s23], $0x640  }
0x6b: {  	[sflag:s23] =	ssyncset.done $0x0  }
0x6c: {  	[sflag:s23] =	ssyncadd.s32 $0xFFFFF9C0  }
0x6d: {  	[tilespmem:s26], [sflag:$0x1] =	stream.indirect.gather [hbm4b:s4+s25], $0x10, s2, s25, $0xb8;
	[tilespmem:$0x1A500] =	vst v63  }
0x6e: {  	_ =	swait.ge [sflag:s3], $0x6400  }
0x6f: {  	[sflag:s3] =	ssyncset.done $0x0  }
0x70: {  	s12 =	sadd.s32 s12, s19;
	[sflag:s3] =	ssyncadd.s32 $0xFFFF9C00  }
0x71: {  	[tilespmem:s25], [sflag:$0x5] =	stream.linear.gather [hbm4b:s12+s2], $0x640, $0x38;
	[tilespmem:$0x1A500] =	vst v63  }
0x72: {  	_ =	swait.ge [sflag:s23], $0x640  }
0x73: {  	[sflag:s23] =	ssyncset.done $0x0  }
0x74: {  	s12 =	sadd.s32 $0x258, s14;
	[sflag:s23] =	ssyncadd.s32 $0xFFFFF9C0  }
0x75: {  	[tilespmem:s28], [sflag:$0x5] =	stream.linear.gather [hbm4b:s12+s2], $0x640, $0x38;
	[tilespmem:$0x1A500] =	vst v63  }
0x76: {  	_ =	swait.ge [sflag:s23], $0x640  }
0x77: {  	[sflag:s23] =	ssyncset.done $0x0  }
0x78: {  	[sflag:s23] =	ssyncadd.s32 $0xFFFFF9C0  }
0x79: {  	[tilespmem:s29], [sflag:$0x2] =	stream.indirect.gather [hbm4b:s4+s25], $0x10, s25, s25, $0xb8;
	[tilespmem:$0x1A500] =	vst v63  }
0x7a: {  	_ =	swait.ge [sflag:s30], $0x6400  }
0x7b: {  	[sflag:s30] =	ssyncset.done $0x0  }
.Ltmp0:
0x7c: {  	[sflag:s30] =	ssyncadd.s32 $0xFFFF9C00;
	(pc) =	sbr.rel @p0 .LBB2_2-.Ltmp0, $4  }
0x7d: {  	[spmem:s1] =	stream.indirect.scatter.add.f32 [tilespmem:s26], [sflag:$0x3], $0x10, s24, s25, $0xb8;
	[tilespmem:$0x1A500] =	vst v63  }
0x7e: {  	_ =	swait.ge [sflag:s31], $0x6400  }
0x7f: {  	[sflag:s31] =	ssyncset.done $0x0  }
0x80: {  	s11 =	sadd.s32 $0xC80, s11;
	[sflag:s31] =	ssyncadd.s32 $0xFFFF9C00  }
0x81: {  	[spmem:s1] =	stream.indirect.scatter.add.f32 [tilespmem:s29], [sflag:$0x4], $0x10, s28, s25, $0xb8;
	[tilespmem:$0x1A500] =	vst v63  }
0x82: {  	_ =	swait.ge [sflag:s0], $0x6400  }
0x83: {  	[sflag:s0] =	ssyncset.done $0x0  }
0x84: {  	[sflag:s0] =	ssyncadd.s32 $0xFFFF9C00  }
0x85: {  	_ =	swait.ge [sflag:s3], $0x6400  }
0x86: {  	[sflag:s3] =	ssyncset.done $0x0  }
0x87: {  	[sflag:s3] =	ssyncadd.s32 $0xFFFF9C00  }
0x88: {  	[bflag:$0x0] =	sbarrier.arrive $0xFFFF  }
0x89: {  	s10 =	rddreg [dreg:$0x5]  }
0x8a: {  	[hbm:s10], [sflag:s8] =	dma.local [spmem:s9], $0x1880  }
0x8b: {  	_ =	swait.ge [sflag:s23], $0x1880  }
0x8c: {  	[sflag:s23] =	ssyncset.done $0x0  }
0x8d: {  	[sflag:s23] =	ssyncadd.s32 $0xFFFFE780  }
0x8e: {  	[bflag:$0x0] =	sbarrier.arrive $0xFFFF  }
0x8f: {  	[spmem:s9], [sflag:s8] =	dma.local [hbm:s6], $0x1880  }
0x90: {  	_ =	swait.ge [sflag:s23], $0x1880  }
0x91: {  	[sflag:s23] =	ssyncset.done $0x0  }
0x92: {  	[sflag:s23] =	ssyncadd.s32 $0xFFFFE780  }
0x93: {  	[bflag:$0x0] =	sbarrier.arrive $0xFFFF  }
0x94: {  	s16 =	simm.s32 $0x0;
	s11 =	rddreg [dreg:$0xa]  }
0x95: {  	[tilespmem:s16], [sflag:$0x5] =	stream.linear.gather [hbm4b:s11+s16], $0x640, $0x38;
	[tilespmem:$0x1A500] =	vst v63  }
0x96: {  	_ =	swait.ge [sflag:s23], $0x640  }
0x97: {  	[sflag:s23] =	ssyncset.done $0x0  }
0x98: {  	[sflag:s23] =	ssyncadd.s32 $0xFFFFF9C0  }
0x99: {  	[tilespmem:s24], [sflag:$0x5] =	stream.linear.gather [hbm4b:s13+s16], $0x640, $0x38;
	[tilespmem:$0x1A500] =	vst v63  }
0x9a: {  	_ =	swait.ge [sflag:s23], $0x640  }
0x9b: {  	[sflag:s23] =	ssyncset.done $0x0  }
0x9c: {  	[sflag:s23] =	ssyncadd.s32 $0xFFFFF9C0  }
0x9d: {  	[tilespmem:s26], [sflag:$0x1] =	stream.indirect.gather [hbm4b:s4+s25], $0x10, s16, s25, $0xb8;
	[tilespmem:$0x1A500] =	vst v63  }
0x9e: {  	_ = 	snop  }
0x9f: {  	[tilespmem:s25], [sflag:$0x5] =	stream.linear.gather [hbm4b:s17+s16], $0x640, $0x38;
	[tilespmem:$0x1A500] =	vst v63  }
0xa0: {  	_ =	swait.ge [sflag:s23], $0x640  }
0xa1: {  	[sflag:s23] =	ssyncset.done $0x0  }
0xa2: {  	[sflag:s23] =	ssyncadd.s32 $0xFFFFF9C0  }
0xa3: {  	[tilespmem:s28], [sflag:$0x5] =	stream.linear.gather [hbm4b:s15+s16], $0x640, $0x38;
	[tilespmem:$0x1A500] =	vst v63  }
0xa4: {  	_ =	swait.ge [sflag:s23], $0x640  }
0xa5: {  	[sflag:s23] =	ssyncset.done $0x0  }
0xa6: {  	[sflag:s23] =	ssyncadd.s32 $0xFFFFF9C0  }
0xa7: {  	[tilespmem:s29], [sflag:$0x2] =	stream.indirect.gather [hbm4b:s4+s25], $0x10, s25, s25, $0xb8;
	[tilespmem:$0x1A500] =	vst v63  }
0xa8: {  	_ =	swait.ge [sflag:s30], $0x6400  }
0xa9: {  	[sflag:s30] =	ssyncset.done $0x0  }
0xaa: {  	[sflag:s30] =	ssyncadd.s32 $0xFFFF9C00  }
0xab: {  	[spmem:s1] =	stream.indirect.scatter.add.f32 [tilespmem:s26], [sflag:$0x3], $0x10, s24, s25, $0xb8;
	[tilespmem:$0x1A500] =	vst v63  }
0xac: {  	_ =	swait.ge [sflag:s31], $0x6400  }
0xad: {  	[sflag:s31] =	ssyncset.done $0x0  }
0xae: {  	[sflag:s31] =	ssyncadd.s32 $0xFFFF9C00  }
0xaf: {  	[spmem:s1] =	stream.indirect.scatter.add.f32 [tilespmem:s29], [sflag:$0x4], $0x10, s28, s25, $0xb8;
	[tilespmem:$0x1A500] =	vst v63  }
0xb0: {  	_ =	swait.ge [sflag:s0], $0x6400  }
0xb1: {  	[sflag:s0] =	ssyncset.done $0x0  }
0xb2: {  	s11 =	sadd.s32 $0x0, s22;
	[sflag:s0] =	ssyncadd.s32 $0xFFFF9C00  }
0xb3: {  	[tilespmem:s2], [sflag:$0x5] =	stream.linear.gather [hbm4b:s11+s2], $0x640, $0x38;
	[tilespmem:$0x1A500] =	vst v63  }
0xb4: {  	_ =	swait.ge [sflag:s23], $0x640  }
0xb5: {  	s12 =	sadd.s32 $0x0, s18;
	[sflag:s23] =	ssyncset.done $0x0  }
0xb6: {  	s14 =	sadd.s32 $0x190, s12;
	[sflag:s23] =	ssyncadd.s32 $0xFFFFF9C0  }
0xb7: {  	[tilespmem:s24], [sflag:$0x5] =	stream.linear.gather [hbm4b:s14+s2], $0x640, $0x38;
	[tilespmem:$0x1A500] =	vst v63  }
0xb8: {  	_ =	swait.ge [sflag:s23], $0x640  }
0xb9: {  	[sflag:s23] =	ssyncset.done $0x0  }
0xba: {  	[sflag:s23] =	ssyncadd.s32 $0xFFFFF9C0  }
0xbb: {  	[tilespmem:s26], [sflag:$0x1] =	stream.indirect.gather [hbm4b:s4+s25], $0x10, s2, s25, $0xb8;
	[tilespmem:$0x1A500] =	vst v63  }
0xbc: {  	_ =	swait.ge [sflag:s3], $0x6400  }
0xbd: {  	[sflag:s3] =	ssyncset.done $0x0  }
0xbe: {  	s16 =	sadd.s32 $0x0, s21;
	[sflag:s3] =	ssyncadd.s32 $0xFFFF9C00  }
0xbf: {  	[tilespmem:s25], [sflag:$0x5] =	stream.linear.gather [hbm4b:s16+s2], $0x640, $0x38;
	[tilespmem:$0x1A500] =	vst v63  }
0xc0: {  	_ =	swait.ge [sflag:s23], $0x640  }
0xc1: {  	[sflag:s23] =	ssyncset.done $0x0  }
0xc2: {  	s10 =	sadd.s32 $0x258, s12;
	[sflag:s23] =	ssyncadd.s32 $0xFFFFF9C0  }
0xc3: {  	[tilespmem:s28], [sflag:$0x5] =	stream.linear.gather [hbm4b:s10+s2], $0x640, $0x38;
	[tilespmem:$0x1A500] =	vst v63  }
0xc4: {  	_ =	swait.ge [sflag:s23], $0x640  }
0xc5: {  	[sflag:s23] =	ssyncset.done $0x0  }
0xc6: {  	[sflag:s23] =	ssyncadd.s32 $0xFFFFF9C0  }
0xc7: {  	[tilespmem:s29], [sflag:$0x2] =	stream.indirect.gather [hbm4b:s4+s25], $0x10, s25, s25, $0xb8;
	[tilespmem:$0x1A500] =	vst v63  }
0xc8: {  	_ =	swait.ge [sflag:s30], $0x6400  }
0xc9: {  	[sflag:s30] =	ssyncset.done $0x0  }
0xca: {  	[sflag:s30] =	ssyncadd.s32 $0xFFFF9C00  }
0xcb: {  	[spmem:s1] =	stream.indirect.scatter.add.f32 [tilespmem:s26], [sflag:$0x3], $0x10, s24, s25, $0xb8;
	[tilespmem:$0x1A500] =	vst v63  }
0xcc: {  	_ =	swait.ge [sflag:s31], $0x6400  }
0xcd: {  	[sflag:s31] =	ssyncset.done $0x0  }
0xce: {  	s10 =	simm.s32 $0x190;
	[sflag:s31] =	ssyncadd.s32 $0xFFFF9C00  }
.LBB2_4:
0xcf: {  	[spmem:s1] =	stream.indirect.scatter.add.f32 [tilespmem:s29], [sflag:$0x4], $0x10, s28, s25, $0xb8;
	[tilespmem:$0x1A500] =	vst v63  }
0xd0: {  	s11 =	smov.u32 s10  }
0xd1: {  	p0 =	sne.s32 s10, $0x15E0;
	s10 =	sadd.s32 $0x190, s10;
	_ =	swait.ge [sflag:s0], $0x6400  }
0xd2: {  	[sflag:s0] =	ssyncset.done $0x0  }
0xd3: {  	s12 =	sadd.s32 s11, s22;
	[sflag:s0] =	ssyncadd.s32 $0xFFFF9C00  }
0xd4: {  	[tilespmem:s2], [sflag:$0x5] =	stream.linear.gather [hbm4b:s12+s2], $0x640, $0x38;
	[tilespmem:$0x1A500] =	vst v63  }
0xd5: {  	_ =	swait.ge [sflag:s23], $0x640  }
0xd6: {  	s12 =	sadd.s32 s11, s18;
	[sflag:s23] =	ssyncset.done $0x0  }
0xd7: {  	s14 =	sadd.s32 $0x190, s12;
	[sflag:s23] =	ssyncadd.s32 $0xFFFFF9C0  }
0xd8: {  	[tilespmem:s24], [sflag:$0x5] =	stream.linear.gather [hbm4b:s14+s2], $0x640, $0x38;
	[tilespmem:$0x1A500] =	vst v63  }
0xd9: {  	_ =	swait.ge [sflag:s23], $0x640  }
0xda: {  	[sflag:s23] =	ssyncset.done $0x0  }
0xdb: {  	[sflag:s23] =	ssyncadd.s32 $0xFFFFF9C0  }
0xdc: {  	[tilespmem:s26], [sflag:$0x1] =	stream.indirect.gather [hbm4b:s4+s25], $0x10, s2, s25, $0xb8;
	[tilespmem:$0x1A500] =	vst v63  }
0xdd: {  	_ =	swait.ge [sflag:s3], $0x6400  }
0xde: {  	[sflag:s3] =	ssyncset.done $0x0  }
0xdf: {  	s11 =	sadd.s32 s11, s21;
	[sflag:s3] =	ssyncadd.s32 $0xFFFF9C00  }
0xe0: {  	[tilespmem:s25], [sflag:$0x5] =	stream.linear.gather [hbm4b:s11+s2], $0x640, $0x38;
	[tilespmem:$0x1A500] =	vst v63  }
0xe1: {  	_ =	swait.ge [sflag:s23], $0x640  }
0xe2: {  	[sflag:s23] =	ssyncset.done $0x0  }
0xe3: {  	s11 =	sadd.s32 $0x258, s12;
	[sflag:s23] =	ssyncadd.s32 $0xFFFFF9C0  }
0xe4: {  	[tilespmem:s28], [sflag:$0x5] =	stream.linear.gather [hbm4b:s11+s2], $0x640, $0x38;
	[tilespmem:$0x1A500] =	vst v63  }
0xe5: {  	_ =	swait.ge [sflag:s23], $0x640  }
0xe6: {  	[sflag:s23] =	ssyncset.done $0x0  }
0xe7: {  	[sflag:s23] =	ssyncadd.s32 $0xFFFFF9C0  }
0xe8: {  	[tilespmem:s29], [sflag:$0x2] =	stream.indirect.gather [hbm4b:s4+s25], $0x10, s25, s25, $0xb8;
	[tilespmem:$0x1A500] =	vst v63  }
0xe9: {  	_ =	swait.ge [sflag:s30], $0x6400  }
0xea: {  	[sflag:s30] =	ssyncset.done $0x0  }
.Ltmp1:
0xeb: {  	[sflag:s30] =	ssyncadd.s32 $0xFFFF9C00;
	(pc) =	sbr.rel @p0 .LBB2_4-.Ltmp1, $4  }
0xec: {  	[spmem:s1] =	stream.indirect.scatter.add.f32 [tilespmem:s26], [sflag:$0x3], $0x10, s24, s25, $0xb8;
	[tilespmem:$0x1A500] =	vst v63  }
0xed: {  	_ =	swait.ge [sflag:s31], $0x6400  }
0xee: {  	[sflag:s31] =	ssyncset.done $0x0  }
0xef: {  	[sflag:s31] =	ssyncadd.s32 $0xFFFF9C00  }
0xf0: {  	[spmem:s1] =	stream.indirect.scatter.add.f32 [tilespmem:s29], [sflag:$0x4], $0x10, s28, s25, $0xb8;
	[tilespmem:$0x1A500] =	vst v63  }
0xf1: {  	_ =	swait.ge [sflag:s0], $0x6400  }
0xf2: {  	[sflag:s0] =	ssyncset.done $0x0  }
0xf3: {  	[sflag:s0] =	ssyncadd.s32 $0xFFFF9C00  }
0xf4: {  	_ =	swait.ge [sflag:s3], $0x6400  }
0xf5: {  	[sflag:s3] =	ssyncset.done $0x0  }
0xf6: {  	[sflag:s3] =	ssyncadd.s32 $0xFFFF9C00  }
0xf7: {  	[bflag:$0x0] =	sbarrier.arrive $0xFFFF  }
0xf8: {  	s10 =	rddreg [dreg:$0x6]  }
0xf9: {  	[hbm:s10], [sflag:s8] =	dma.local [spmem:s9], $0x1880  }
0xfa: {  	_ =	swait.ge [sflag:s23], $0x1880  }
0xfb: {  	s7 =	sadd.s32 $0x1, s7;
	s16 =	rddreg [dreg:$0x7]  }
0xfc: {  	p0 =	sne.s32 s7, s16  }
.Ltmp2:
0xfd: {  	_ = 	snop;
	(pc) =	sbr.rel @p0 .LBB2_1-.Ltmp2, $3  }
0xfe: {  	[sflag:s23] =	ssyncset.done $0x0  }
0xff: {  	[sflag:s23] =	ssyncadd.s32 $0xFFFFE780  }
0x100: {  	[bflag:$0x0] =	sbarrier.arrive $0xFFFF;
	_ =	sdelay $0x1  }
0x101: {  	_ =	sfence.sel $0x180000  }
0x102: {  	[bflag:$0x0] =	sbarrier.arrive $0xFFFF  }
0x103: {  	_ =	strace $0x9000004A  }
0x104: {  	s0 =	stileid.u32;
	[bflag:$0x2] =	sbarrier.arrive $0xFFFF  }
0x105: {  	p0 =	sne.s32 s0, $0x0;
	s0 =	rddreg [dreg:$0x3]  }
0x106: {  	s0 =	sadd.s32 @!p0 $0x100000, s0  }
0x107: {  	[sflag:s0] =	ssyncadd.tile.s32 @!p0 $0x1;
	_ =	shalt  }
.Lfunc_end2:
_tile_overlayer_lowered:
.L_overlay_start_2:
0x108: {  	(tag) =	ssettag $0x2  }
0x109: {  	s0 =	rddreg [dreg:$0x0];
	s2 =	stileid.u32  }
0x10a: {  	s1 =	rddreg [dreg:$0x1];
	p0 =	sne.s32 s2, $0x0  }
0x10b: {  	s3 =	rddreg [dreg:$0x2];
	[bflag:$0x3] =	sbarrier.arrive $0xFFFF;
	s2 =	simm.s32 @!p0 $0x1C05  }
0x10c: {  	[timem:s3], [sflag:s2] =	dma.local @!p0 [hbm:s0], s1  }
0x10d: {  	s0 =	simm.s32 @!p0 $0x5  }
0x10e: {  	_ =	swait.ge @!p0 [sflag:s0], s1  }
0x10f: {  	s1 =	ssub.s32 @!p0 $0x0, s1;
	[sflag:s0] =	ssyncset.done @!p0 $0x0  }
0x110: {  	[sflag:s0] =	ssyncadd.s32 @!p0 s1  }
0x111: {  	[bflag:$0x3] =	sbarrier.arrive $0xFFFF  }
0x112: {  	_ =	shalt  }

// kernel: kernel.13.cloned.1.call-start
scs
__scs_entry_jumppad:
0x0: {  	(pc) =	sbr.rel $0x88, $3  }
0x1: {  	(tag) =	ssettag $0x0;
	lr =	simm.s32 $0x1  }
0x2: {  	[smem:$0x3F9B] =	sst lr;
	_ =	strace $0xD0000000  }
0x3: {  	_ = 	snop  }
0x4: {  	_ = 	snop  }
0x5: {  	_ = 	snop  }
0x6: {  	_ = 	snop  }
0x7: {  	_ = 	snop  }
__scs_overlays_trampoline_lowered:
0x8: {  	[smem:$0x3FAA] =	sst s0  }
0x9: {  	[smem:$0x3FAB] =	sst s1  }
0xa: {  	[smem:$0x3FAC] =	sst s2  }
0xb: {  	[smem:$0x3FAD] =	sst s3  }
0xc: {  	[smem:$0x3FAE] =	sst s4  }
0xd: {  	[smem:$0x3FAF] =	sst s5  }
0xe: {  	[smem:$0x3FB0] =	sst s6  }
0xf: {  	[smem:$0x3FB1] =	sst s7  }
0x10: {  	[smem:$0x3FB2] =	sst s8  }
0x11: {  	[smem:$0x3FB3] =	sst s9;
	s0 =	simm.s32 @!p0 $0x0  }
0x12: {  	s1 =	sld [smem:$0x3F99];
	s0 =	simm.s32 @p0 $0x1  }
0x13: {  	[smem:$0x3FB4] =	sst s0;
	s0 =	simm.s32 @!p1 $0x0  }
0x14: {  	s2 =	sld [smem:$0x3F98];
	s0 =	simm.s32 @p1 $0x1  }
0x15: {  	[smem:$0x3FB5] =	sst s0;
	s0 =	simm.s32 @!p2 $0x0  }
0x16: {  	s3 =	sld [smem:$0x3FDB];
	s0 =	simm.s32 @p2 $0x1  }
0x17: {  	s4 =	simm.s32 $0x1BF5;
	[smem:$0x3FB7] =	sst s0  }
0x18: {  	s0 =	sld [smem:$0x3F9A];
	_ =	swait.ge [sflag:s4], $0x0  }
0x19: {  	s7 =	sld [smem:$0x3F9B]  }
0x1a: {  	s8 =	sadd.s32 $0xFFFFE003, lr  }
0x1b: {  	s9 =	sadd.s32 $0xFFFFFEF7, lr;
	s5 =	simm.s32 $0xFFFFFFFF;
	p2 =	slt.u32 s8, $0xFFFFF086  }
0x1c: {  	p1 =	slt.u32 s9, $0xF7A;
	s5 =	simm.s32 @!p2 $0x0  }
0x1d: {  	s5 =	simm.s32 @p1 $0x1;
	p0 =	seq.s32 s7, s2  }
0x1e: {  	s7 =	smul.u32 @!p0 $0xF7A, s2;
	p2 =	seq.s32 @!p0 s5, $0x0  }
0x1f: {  	s9 =	smul.u32 $0xF7A, s1;
	s8 =	simm.s32 @!p0 $0x1BF5;
	p2 =	por !p2, p0  }
0x20: {  	[sflag:s8] =	ssyncset.s32 @!p0 $0xFFFFF086;
	s6 =	sadd.s32 @!p0 s3, s7;
	s7 =	simm.s32 @!p0 $0x108  }
0x21: {  	s3 =	sadd.s32 s3, s9;
	s6 =	sadd.s32 @!p0 $0x88, s6;
	s7 =	simm.s32 @p2 $0x1082  }
0x22: {  	[simem:s7], [sflag:s8] =	dma.local @!p0 [hbm:s6], $0xF7A  }
0x23: {  	s9 =	sor.u32 $0xD0000000, s2;
	s6 =	simm.s32 $0x108;
	_ =	swait.ge @!p0 [sflag:s8], $0x0  }
0x24: {  	s3 =	sadd.s32 $0x88, s3;
	s6 =	simm.s32 @!p1 $0x1082;
	[sflag:s4] =	ssyncset.s32 $0xFFFFF086  }
0x25: {  	[simem:s6], [sflag:s4] =	dma.local [hbm:s3], $0xF7A  }
0x26: {  	[smem:$0x3F9B] =	sst s1;
	(tag) =	ssettag s2;
	_ =	strace s9  }
0x27: {  	s1 =	sld [smem:$0x3FAB]  }
0x28: {  	s2 =	sld [smem:$0x3FAC]  }
0x29: {  	s4 =	sld [smem:$0x3FAE]  }
0x2a: {  	p0 =	seq.s32 s5, $0x0;
	s5 =	sld [smem:$0x3FAF]  }
0x2b: {  	s6 =	sld [smem:$0x3FB0]  }
0x2c: {  	s7 =	sld [smem:$0x3FB1]  }
0x2d: {  	s3 =	simm.s32 $0x108;
	s8 =	sld [smem:$0x3FB2]  }
0x2e: {  	s3 =	simm.s32 @!p0 $0x1082;
	s9 =	sld [smem:$0x3FB3]  }
0x2f: {  	lr =	sadd.s32 s0, s3;
	s0 =	sld [smem:$0x3FAA]  }
0x30: {  	s3 =	sld [smem:$0x3FAD]  }
0x31: {  	[smem:$0x3FB6] =	sst s10  }
0x32: {  	s10 =	sld [smem:$0x3FB4];
	_ =	sdelay $0x3  }
0x33: {  	p0 =	seq.s32 s10, $0x1;
	s10 =	sld [smem:$0x3FB6];
	_ =	sdelay $0x3  }
0x34: {  	[smem:$0x3FB6] =	sst s10  }
0x35: {  	s10 =	sld [smem:$0x3FB5];
	_ =	sdelay $0x3  }
0x36: {  	p1 =	seq.s32 s10, $0x1;
	s10 =	sld [smem:$0x3FB6];
	_ =	sdelay $0x3  }
0x37: {  	[smem:$0x3FB6] =	sst s10  }
0x38: {  	s10 =	sld [smem:$0x3FB7]  }
0x39: {  	_ = 	snop;
	(pc) =	sbr.ind lr, $3  }
0x3a: {  	_ = 	snop  }
0x3b: {  	_ = 	snop  }
0x3c: {  	p2 =	seq.s32 s10, $0x1;
	s10 =	sld [smem:$0x3FB6]  }
0x3d: {  	_ =	shalt  }
0x3e: {  	_ =	shalt  }
0x3f: {  	_ =	shalt  }
0x40: {  	_ =	shalt  }
0x41: {  	_ =	shalt  }
0x42: {  	_ =	shalt  }
0x43: {  	_ =	shalt  }
0x44: {  	_ =	shalt  }
0x45: {  	_ =	shalt  }
0x46: {  	_ =	shalt  }
0x47: {  	_ =	shalt  }
0x48: {  	_ =	shalt  }
0x49: {  	_ =	shalt  }
0x4a: {  	_ =	shalt  }
0x4b: {  	_ =	shalt  }
0x4c: {  	_ =	shalt  }
0x4d: {  	_ =	shalt  }
0x4e: {  	_ =	shalt  }
0x4f: {  	_ =	shalt  }
0x50: {  	_ =	shalt  }
0x51: {  	_ =	shalt  }
0x52: {  	_ =	shalt  }
0x53: {  	_ =	shalt  }
0x54: {  	_ =	shalt  }
0x55: {  	_ =	shalt  }
0x56: {  	_ =	shalt  }
0x57: {  	_ =	shalt  }
0x58: {  	_ =	shalt  }
0x59: {  	_ =	shalt  }
0x5a: {  	_ =	shalt  }
0x5b: {  	_ =	shalt  }
0x5c: {  	_ =	shalt  }
0x5d: {  	_ =	shalt  }
0x5e: {  	_ =	shalt  }
0x5f: {  	_ =	shalt  }
0x60: {  	_ =	shalt  }
0x61: {  	_ =	shalt  }
0x62: {  	_ =	shalt  }
0x63: {  	_ =	shalt  }
0x64: {  	_ =	shalt  }
0x65: {  	_ =	shalt  }
0x66: {  	_ =	shalt  }
0x67: {  	_ =	shalt  }
0x68: {  	_ =	shalt  }
0x69: {  	_ =	shalt  }
0x6a: {  	_ =	shalt  }
0x6b: {  	_ =	shalt  }
0x6c: {  	_ =	shalt  }
0x6d: {  	_ =	shalt  }
0x6e: {  	_ =	shalt  }
0x6f: {  	_ =	shalt  }
0x70: {  	_ =	shalt  }
0x71: {  	_ =	shalt  }
0x72: {  	_ =	shalt  }
0x73: {  	_ =	shalt  }
0x74: {  	_ =	shalt  }
0x75: {  	_ =	shalt  }
0x76: {  	_ =	shalt  }
0x77: {  	_ =	shalt  }
0x78: {  	_ =	shalt  }
0x79: {  	_ =	shalt  }
0x7a: {  	_ =	shalt  }
0x7b: {  	_ =	shalt  }
0x7c: {  	_ =	shalt  }
0x7d: {  	_ =	shalt  }
0x7e: {  	_ =	shalt  }
0x7f: {  	_ =	shalt  }
0x80: {  	_ =	shalt  }
0x81: {  	_ =	shalt  }
0x82: {  	_ =	shalt  }
0x83: {  	_ =	shalt  }
0x84: {  	_ =	shalt  }
0x85: {  	_ =	shalt  }
0x86: {  	_ =	shalt  }
0x87: {  	_ =	shalt  }
.Lfunc_end0:
.L_simem_size_0:
called_computation.2_lowered:
.L_overlay_start_0:
0x88: {  	s2 =	sld [smem:$0x3FD9]  }
0x89: {  	s3 =	sld [smem:$0x3FFE];
	_ =	sdelay $0x1  }
0x8a: {  	s1 =	srdreg.scid  }
0x8b: {  	s0 =	sand.u32 $0x1, s1  }
0x8c: {  	s17 =	sshll.u32 s0, $0xA;
	s2 =	sadd.s32 s3, s2  }
0x8d: {  	s2 =	sadd.s32 s2, s17  }
0x8e: {  	[smem:$0x3FC2] =	sst s2  }
0x8f: {  	_ = 	snop  }
0x90: {  	s2 =	sld [smem:$0x3FD0];
	(tm) =	ssettm $0x1  }
0x91: {  	s18 =	sld [smem:$0x3FFB];
	_ =	sdelay $0x3  }
0x92: {  	_ =	strace s18  }
0x93: {  	s3 =	sld [smem:$0x3FFC];
	_ =	sdelay $0x3  }
0x94: {  	_ =	strace s3  }
0x95: {  	s3 =	sld [smem:$0x3FFD];
	_ =	sdelay $0x3  }
0x96: {  	_ =	strace s3  }
0x97: {  	_ =	strace $0x8FFFFFFF  }
0x98: {  	s19 =	sld [smem:$0x3FDB];
	_ =	sdelay $0x1  }
0x99: {  	s4 =	simm.s32 $_scs_section_size  }
0x9a: {  	s5 =	simm.s32 $_size__tile_overlayer_lowered;
	s6 =	simm.s32 $_tile_overlayer_lowered  }
0x9b: {  	s22 =	simm.s32 $0x1BFF;
	s21 =	sshll.u32 s6, $0x1;
	s3 =	sadd.s32 s4, s19  }
0x9c: {  	s7 =	simm.s32 $0x0;
	s20 =	sshll.u32 s5, $0x1;
	s5 =	sadd.s32 s21, s3  }
0x9d: {  	[timem:s7], [sflag:s22] =	dma.local [hbm:s5], s20  }
0x9e: {  	_ =	swait.ge [sflag:s22], s20  }
0x9f: {  	s4 =	ssub.s32 $0x0, s20;
	[sflag:s22] =	ssyncset.done $0x0  }
0xa0: {  	[sflag:s22] =	ssyncadd.s32 s4;
	_ =	sdelay $0x1  }
0xa1: {  	s23 =	simm.s32 $0x1B8B  }
0xa2: {  	_ =	swait.ge [sflag:s23], $0x1  }
0xa3: {  	[sflag:s23] =	ssyncset.done $0x0  }
0xa4: {  	s25 =	simm.s32 $0x1B8E;
	s24 =	sld [smem:$0x3FFE];
	[sflag:s23] =	ssyncadd.s32 $0xFFFFFFFF  }
0xa5: {  	s26 =	simm.s32 $execute0_lowered;
	[smem:$0x3FD2] =	sst s25  }
0xa6: {  	s5 =	sshll.u32 s26, $0x1;
	_ =	strace $0x8000004C;
	[dreg:$0x1] =	wrdreg $0xFFFFFFFF  }
0xa7: {  	s28 =	simm.s32 $_size_execute0_lowered;
	s3 =	sadd.s32 s3, s5;
	[dreg:$0x0] =	wrdreg $0x0  }
0xa8: {  	s5 =	sshll.u32 s28, $0x1;
	[dreg:$0x2] =	wrdreg s3  }
0xa9: {  	[dreg:$0x3] =	wrdreg s5  }
0xaa: {  	[dreg:$0x4] =	wrdreg $0xC0  }
0xab: {  	_ =	task [dreg:s7], $0x5FFFF  }
0xac: {  	[dreg:$0x1] =	wrdreg $0xFFFFFFFF  }
0xad: {  	[dreg:$0x0] =	wrdreg $0x60  }
0xae: {  	[dreg:$0x2] =	wrdreg s24  }
0xaf: {  	[dreg:$0x3] =	wrdreg s2  }
0xb0: {  	[dreg:$0x4] =	wrdreg $0xE1000  }
0xb1: {  	[dreg:$0x5] =	wrdreg $0x9  }
0xb2: {  	_ =	task.clear_ibuf [dreg:s7], $0x6FFFF;
	_ =	strace $0x9000004C  }
0xb3: {  	s29 =	simm.s32 $0x9;
	_ =	strace $0x8000004E  }
0xb4: {  	_ =	swait.ge [sflag:s29], $0x1  }
0xb5: {  	[sflag:s29] =	ssyncadd.s32 $0xFFFFFFFF  }
0xb6: {  	_ =	strace $0x9000004E  }
0xb7: {  	_ =	sfence  }
0xb8: {  	s30 =	sld [smem:$0x0];
	_ =	sdelay $0x2  }
0xb9: {  	s31 =	sshll.u32 s1, $0xD;
	s1 =	sshrl.u32 s1, $0x2  }
0xba: {  	s3 =	sand.u32 $0x4000, s31;
	s1 =	sadd.s32 s1, s30  }
0xbb: {  	s0 =	sor.u32 s3, s0;
	s1 =	sshll.u32 s1, $0x11  }
0xbc: {  	s0 =	sor.u32 s1, s0  }
0xbd: {  	s0 =	sadd.s32 $0x8F2B, s0  }
0xbe: {  	[sflag:s0] =	ssyncadd.remote.s32 $0x1  }
0xbf: {  	_ =	sfence.sel $0xFFFF  }
0xc0: {  	[dreg:$0x0] =	wrdreg $0xFFFFFFFF;
	(pc) =	sbr.abs _section_cstart, $3  }
0xc1: {  	[dreg:$0x1] =	wrdreg $0xFFFFFFFF  }
0xc2: {  	_ =	task.clear_ibuf [dreg:s7], $0x2FFFF;
	_ =	strace $0x9FFFFFFF  }
0xc3: {  	(tm) =	ssettm $0x7FFFFFFF  }
tec
execute0_lowered:
.L_overlay_start_1:
0x0: {  	(tag) =	ssettag $0x1  }
0x1: {  	s0 =	rddreg [dreg:$0x0]  }
0x2: {  	s3 =	rddreg [dreg:$0x1]  }
0x3: {  	s1 =	rddreg [dreg:$0x2];
	s2 =	simm.s32 $0x0  }
0x4: {  	s6 =	srdreg.scid;
	s18 =	stileid.u32;
	s28 =	simm.s32 $0x12C0  }
0x5: {  	s29 =	simm.s32 $0x7D00;
	s30 =	simm.s32 $0x1;
	s9 =	smul.u32 $0xC40, s18  }
0x6: {  	s31 =	simm.s32 $0x2;
	[smem:$0x7FF] =	sst s2;
	s10 =	smul.u32 $0xC800, s18  }
0x7: {  	s4 =	sadd.s32 $0x5C00, s0;
	s5 =	sadd.s32 $0x81400, s0;
	s12 =	smul.u32 $0x31000, s18  }
0x8: {  	s7 =	sand.u32 $0x1, s6;
	s6 =	sadd.s32 $0xE5400, s0;
	s20 =	smul.u32 $0x1900, s18  }
0x9: {  	s0 =	sadd.s32 $0xE6E00, s0;
	s23 =	sshll.u32 s18, $0x6;
	s13 =	smul.u32 $0x18800, s7  }
0xa: {  	s8 =	ssub.s32 $0x2, s7;
	s14 =	sshllo.u32 s7, $0x1;
	s7 =	smul.u32 $0x190000, s7  }
0xb: {  	_ =	strace $0x8000004D;
	s11 =	sshrl.u32 s8, $0x1;
	s15 =	smul.u32 $0xC400, s14  }
0xc: {  	s22 =	sshrl.u32 s12, $0x2;
	s16 =	sor.u32 $0x640, s10;
	s17 =	smul.u32 $0xC8000, s14  }
0xd: {  	s18 =	sadd.s32 s20, s3;
	s11 =	ssub.s32 s8, s11;
	s8 =	sadd.s32 s22, s1  }
0xe: {  	s24 =	sadd.s32 s9, s13;
	[dreg:$0x4] =	wrdreg s8;
	s8 =	sor.u32 $0x1C05, s23  }
0xf: {  	s12 =	sshll.u32 s24, $0x1;
	s9 =	sadd.s32 s9, s15;
	s25 =	smax.u32 s11, $0x1  }
0x10: {  	s11 =	sshrl.u32 s10, $0x3;
	s14 =	sadd.s32 s17, s10;
	s19 =	sadd.s32 s17, s16  }
0x11: {  	s12 =	sadd.s32 s0, s12;
	s9 =	sshll.u32 s9, $0x1;
	[dreg:$0x7] =	wrdreg s25  }
0x12: {  	s13 =	sadd.s32 s3, s11;
	[dreg:$0x5] =	wrdreg s12;
	s0 =	sadd.s32 s0, s9  }
0x13: {  	s12 =	sshrl.u32 s16, $0x3;
	[dreg:$0x6] =	wrdreg s0;
	s0 =	sadd.s32 s7, s10  }
0x14: {  	s7 =	sadd.s32 s7, s16;
	s15 =	sadd.s32 s3, s12;
	s3 =	simm.s32 $0x4  }
0x15: {  	s26 =	sshrl.u32 s0, $0x3;
	s7 =	sshrl.u32 s7, $0x3;
	s21 =	sadd.s32 $0x12C0, s0  }
0x16: {  	s23 =	sadd.s32 $0xC92C0, s0;
	s25 =	sadd.s32 $0xC8C80, s0;
	s20 =	sadd.s32 $0xC80, s0  }
0x17: {  	s0 =	simm.s32 $0x3;
	s9 =	sadd.s32 s5, s26;
	s7 =	sadd.s32 s5, s7  }
0x18: {  	s22 =	sshrl.u32 s21, $0x3;
	s24 =	sshrl.u32 s23, $0x3;
	s26 =	sshrl.u32 s25, $0x3  }
0x19: {  	s23 =	simm.s32 $0x5;
	s25 =	simm.s32 $0x640;
	[dreg:$0x8] =	wrdreg s9  }
0x1a: {  	[dreg:$0x9] =	wrdreg s7;
	s7 =	sshrl.u32 s14, $0x3;
	s9 =	sshrl.u32 s19, $0x3  }
0x1b: {  	s19 =	sadd.s32 s22, s5;
	s21 =	sadd.s32 s24, s5;
	s22 =	sadd.s32 s26, s5  }
0x1c: {  	s24 =	simm.s32 $0xC80;
	s26 =	simm.s32 $0x1900;
	s7 =	sadd.s32 s5, s7  }
0x1d: {  	s17 =	sadd.s32 s5, s9;
	[dreg:$0xa] =	wrdreg s7;
	s7 =	simm.s32 $0x0  }
.LBB2_1:
0x1e: {  	s9 =	rddreg [dreg:$0x4]  }
0x1f: {  	s9 =	sshrl.u32 s9, $0x3  }
0x20: {  	[spmem:s9], [sflag:s8] =	dma.local [hbm:s6], $0x1880  }
0x21: {  	_ =	swait.ge [sflag:s23], $0x1880  }
0x22: {  	[sflag:s23] =	ssyncset.done $0x0  }
0x23: {  	[sflag:s23] =	ssyncadd.s32 $0xFFFFE780  }
0x24: {  	[bflag:$0x0] =	sbarrier.arrive $0xFFFF  }
0x25: {  	s10 =	rddreg [dreg:$0x8]  }
0x26: {  	[tilespmem:s2], [sflag:$0x5] =	stream.linear.gather [hbm4b:s10+s2], $0x640, $0x38;
	[tilespmem:$0x1A500] =	vst v63  }
0x27: {  	_ =	swait.ge [sflag:s23], $0x640  }
0x28: {  	[sflag:s23] =	ssyncset.done $0x0  }
0x29: {  	[sflag:s23] =	ssyncadd.s32 $0xFFFFF9C0  }
0x2a: {  	[tilespmem:s24], [sflag:$0x5] =	stream.linear.gather [hbm4b:s13+s2], $0x640, $0x38;
	[tilespmem:$0x1A500] =	vst v63  }
0x2b: {  	_ =	swait.ge [sflag:s23], $0x640  }
0x2c: {  	[sflag:s23] =	ssyncset.done $0x0  }
0x2d: {  	[sflag:s23] =	ssyncadd.s32 $0xFFFFF9C0  }
0x2e: {  	[tilespmem:s26], [sflag:$0x1] =	stream.indirect.gather [hbm4b:s4+s25], $0x10, s2, s25, $0xb8;
	[tilespmem:$0x1A500] =	vst v63  }
0x2f: {  	s11 =	rddreg [dreg:$0x9]  }
0x30: {  	[tilespmem:s25], [sflag:$0x5] =	stream.linear.gather [hbm4b:s11+s2], $0x640, $0x38;
	[tilespmem:$0x1A500] =	vst v63  }
0x31: {  	_ =	swait.ge [sflag:s23], $0x640  }
0x32: {  	[sflag:s23] =	ssyncset.done $0x0  }
0x33: {  	[sflag:s23] =	ssyncadd.s32 $0xFFFFF9C0  }
0x34: {  	[tilespmem:s28], [sflag:$0x5] =	stream.linear.gather [hbm4b:s15+s2], $0x640, $0x38;
	[tilespmem:$0x1A500] =	vst v63  }
0x35: {  	_ =	swait.ge [sflag:s23], $0x640  }
0x36: {  	[sflag:s23] =	ssyncset.done $0x0  }
0x37: {  	[sflag:s23] =	ssyncadd.s32 $0xFFFFF9C0  }
0x38: {  	[tilespmem:s29], [sflag:$0x2] =	stream.indirect.gather [hbm4b:s4+s25], $0x10, s25, s25, $0xb8;
	[tilespmem:$0x1A500] =	vst v63  }
0x39: {  	_ =	swait.ge [sflag:s30], $0x6400  }
0x3a: {  	[sflag:s30] =	ssyncset.done $0x0  }
0x3b: {  	[sflag:s30] =	ssyncadd.s32 $0xFFFF9C00  }
0x3c: {  	[spmem:s1] =	stream.indirect.scatter.add.f32 [tilespmem:s26], [sflag:$0x3], $0x10, s24, s25, $0xb8;
	[tilespmem:$0x1A500] =	vst v63  }
0x3d: {  	_ =	swait.ge [sflag:s31], $0x6400  }
0x3e: {  	[sflag:s31] =	ssyncset.done $0x0  }
0x3f: {  	[sflag:s31] =	ssyncadd.s32 $0xFFFF9C00  }
0x40: {  	[spmem:s1] =	stream.indirect.scatter.add.f32 [tilespmem:s29], [sflag:$0x4], $0x10, s28, s25, $0xb8;
	[tilespmem:$0x1A500] =	vst v63  }
0x41: {  	_ =	swait.ge [sflag:s0], $0x6400  }
0x42: {  	s12 =	sshrl.u32 s20, $0x3;
	[sflag:s0] =	ssyncset.done $0x0  }
0x43: {  	s10 =	sadd.s32 s5, s12;
	[sflag:s0] =	ssyncadd.s32 $0xFFFF9C00  }
0x44: {  	[tilespmem:s2], [sflag:$0x5] =	stream.linear.gather [hbm4b:s10+s2], $0x640, $0x38;
	[tilespmem:$0x1A500] =	vst v63  }
0x45: {  	_ =	swait.ge [sflag:s23], $0x640  }
0x46: {  	s14 =	sadd.s32 $0x0, s18;
	[sflag:s23] =	ssyncset.done $0x0  }
0x47: {  	s11 =	sadd.s32 $0x190, s14;
	[sflag:s23] =	ssyncadd.s32 $0xFFFFF9C0  }
0x48: {  	[tilespmem:s24], [sflag:$0x5] =	stream.linear.gather [hbm4b:s11+s2], $0x640, $0x38;
	[tilespmem:$0x1A500] =	vst v63  }
0x49: {  	_ =	swait.ge [sflag:s23], $0x640  }
0x4a: {  	[sflag:s23] =	ssyncset.done $0x0  }
0x4b: {  	[sflag:s23] =	ssyncadd.s32 $0xFFFFF9C0  }
0x4c: {  	[tilespmem:s26], [sflag:$0x1] =	stream.indirect.gather [hbm4b:s4+s25], $0x10, s2, s25, $0xb8;
	[tilespmem:$0x1A500] =	vst v63  }
0x4d: {  	_ =	swait.ge [sflag:s3], $0x6400  }
0x4e: {  	[sflag:s3] =	ssyncset.done $0x0  }
0x4f: {  	s16 =	sadd.s32 $0x0, s19;
	[sflag:s3] =	ssyncadd.s32 $0xFFFF9C00  }
0x50: {  	[tilespmem:s25], [sflag:$0x5] =	stream.linear.gather [hbm4b:s16+s2], $0x640, $0x38;
	[tilespmem:$0x1A500] =	vst v63  }
0x51: {  	_ =	swait.ge [sflag:s23], $0x640  }
0x52: {  	[sflag:s23] =	ssyncset.done $0x0  }
0x53: {  	s10 =	sadd.s32 $0x258, s14;
	[sflag:s23] =	ssyncadd.s32 $0xFFFFF9C0  }
0x54: {  	[tilespmem:s28], [sflag:$0x5] =	stream.linear.gather [hbm4b:s10+s2], $0x640, $0x38;
	[tilespmem:$0x1A500] =	vst v63  }
0x55: {  	_ =	swait.ge [sflag:s23], $0x640  }
0x56: {  	[sflag:s23] =	ssyncset.done $0x0  }
0x57: {  	[sflag:s23] =	ssyncadd.s32 $0xFFFFF9C0  }
0x58: {  	[tilespmem:s29], [sflag:$0x2] =	stream.indirect.gather [hbm4b:s4+s25], $0x10, s25, s25, $0xb8;
	[tilespmem:$0x1A500] =	vst v63  }
0x59: {  	_ =	swait.ge [sflag:s30], $0x6400  }
0x5a: {  	[sflag:s30] =	ssyncset.done $0x0  }
0x5b: {  	[sflag:s30] =	ssyncadd.s32 $0xFFFF9C00  }
0x5c: {  	[spmem:s1] =	stream.indirect.scatter.add.f32 [tilespmem:s26], [sflag:$0x3], $0x10, s24, s25, $0xb8;
	[tilespmem:$0x1A500] =	vst v63  }
0x5d: {  	_ =	swait.ge [sflag:s31], $0x6400  }
0x5e: {  	[sflag:s31] =	ssyncset.done $0x0  }
0x5f: {  	s11 =	sadd.s32 $0xC80, s20;
	s10 =	simm.s32 $0x190;
	[sflag:s31] =	ssyncadd.s32 $0xFFFF9C00  }
.LBB2_2:
0x60: {  	[spmem:s1] =	stream.indirect.scatter.add.f32 [tilespmem:s29], [sflag:$0x4], $0x10, s28, s25, $0xb8;
	[tilespmem:$0x1A500] =	vst v63  }
0x61: {  	s12 =	smov.u32 s10  }
0x62: {  	p0 =	sne.s32 s10, $0x15E0;
	s10 =	sadd.s32 $0x190, s10;
	_ =	swait.ge [sflag:s0], $0x6400  }
0x63: {  	s14 =	sshrl.u32 s11, $0x3;
	[sflag:s0] =	ssyncset.done $0x0  }
0x64: {  	s14 =	sadd.s32 s5, s14;
	[sflag:s0] =	ssyncadd.s32 $0xFFFF9C00  }
0x65: {  	[tilespmem:s2], [sflag:$0x5] =	stream.linear.gather [hbm4b:s14+s2], $0x640, $0x38;
	[tilespmem:$0x1A500] =	vst v63  }
0x66: {  	_ =	swait.ge [sflag:s23], $0x640  }
0x67: {  	s14 =	sadd.s32 s12, s18;
	[sflag:s23] =	ssyncset.done $0x0  }
0x68: {  	s16 =	sadd.s32 $0x190, s14;
	[sflag:s23] =	ssyncadd.s32 $0xFFFFF9C0  }
0x69: {  	[tilespmem:s24], [sflag:$0x5] =	stream.linear.gather [hbm4b:s16+s2], $0x640, $0x38;
	[tilespmem:$0x1A500] =	vst v63  }
0x6a: {  	_ =	swait.ge [sflag:s23], $0x640  }
0x6b: {  	[sflag:s23] =	ssyncset.done $0x0  }
0x6c: {  	[sflag:s23] =	ssyncadd.s32 $0xFFFFF9C0  }
0x6d: {  	[tilespmem:s26], [sflag:$0x1] =	stream.indirect.gather [hbm4b:s4+s25], $0x10, s2, s25, $0xb8;
	[tilespmem:$0x1A500] =	vst v63  }
0x6e: {  	_ =	swait.ge [sflag:s3], $0x6400  }
0x6f: {  	[sflag:s3] =	ssyncset.done $0x0  }
0x70: {  	s12 =	sadd.s32 s12, s19;
	[sflag:s3] =	ssyncadd.s32 $0xFFFF9C00  }
0x71: {  	[tilespmem:s25], [sflag:$0x5] =	stream.linear.gather [hbm4b:s12+s2], $0x640, $0x38;
	[tilespmem:$0x1A500] =	vst v63  }
0x72: {  	_ =	swait.ge [sflag:s23], $0x640  }
0x73: {  	[sflag:s23] =	ssyncset.done $0x0  }
0x74: {  	s12 =	sadd.s32 $0x258, s14;
	[sflag:s23] =	ssyncadd.s32 $0xFFFFF9C0  }
0x75: {  	[tilespmem:s28], [sflag:$0x5] =	stream.linear.gather [hbm4b:s12+s2], $0x640, $0x38;
	[tilespmem:$0x1A500] =	vst v63  }
0x76: {  	_ =	swait.ge [sflag:s23], $0x640  }
0x77: {  	[sflag:s23] =	ssyncset.done $0x0  }
0x78: {  	[sflag:s23] =	ssyncadd.s32 $0xFFFFF9C0  }
0x79: {  	[tilespmem:s29], [sflag:$0x2] =	stream.indirect.gather [hbm4b:s4+s25], $0x10, s25, s25, $0xb8;
	[tilespmem:$0x1A500] =	vst v63  }
0x7a: {  	_ =	swait.ge [sflag:s30], $0x6400  }
0x7b: {  	[sflag:s30] =	ssyncset.done $0x0  }
.Ltmp0:
0x7c: {  	[sflag:s30] =	ssyncadd.s32 $0xFFFF9C00;
	(pc) =	sbr.rel @p0 .LBB2_2-.Ltmp0, $4  }
0x7d: {  	[spmem:s1] =	stream.indirect.scatter.add.f32 [tilespmem:s26], [sflag:$0x3], $0x10, s24, s25, $0xb8;
	[tilespmem:$0x1A500] =	vst v63  }
0x7e: {  	_ =	swait.ge [sflag:s31], $0x6400  }
0x7f: {  	[sflag:s31] =	ssyncset.done $0x0  }
0x80: {  	s11 =	sadd.s32 $0xC80, s11;
	[sflag:s31] =	ssyncadd.s32 $0xFFFF9C00  }
0x81: {  	[spmem:s1] =	stream.indirect.scatter.add.f32 [tilespmem:s29], [sflag:$0x4], $0x10, s28, s25, $0xb8;
	[tilespmem:$0x1A500] =	vst v63  }
0x82: {  	_ =	swait.ge [sflag:s0], $0x6400  }
0x83: {  	[sflag:s0] =	ssyncset.done $0x0  }
0x84: {  	[sflag:s0] =	ssyncadd.s32 $0xFFFF9C00  }
0x85: {  	_ =	swait.ge [sflag:s3], $0x6400  }
0x86: {  	[sflag:s3] =	ssyncset.done $0x0  }
0x87: {  	[sflag:s3] =	ssyncadd.s32 $0xFFFF9C00  }
0x88: {  	[bflag:$0x0] =	sbarrier.arrive $0xFFFF  }
0x89: {  	s10 =	rddreg [dreg:$0x5]  }
0x8a: {  	[hbm:s10], [sflag:s8] =	dma.local [spmem:s9], $0x1880  }
0x8b: {  	_ =	swait.ge [sflag:s23], $0x1880  }
0x8c: {  	[sflag:s23] =	ssyncset.done $0x0  }
0x8d: {  	[sflag:s23] =	ssyncadd.s32 $0xFFFFE780  }
0x8e: {  	[bflag:$0x0] =	sbarrier.arrive $0xFFFF  }
0x8f: {  	[spmem:s9], [sflag:s8] =	dma.local [hbm:s6], $0x1880  }
0x90: {  	_ =	swait.ge [sflag:s23], $0x1880  }
0x91: {  	[sflag:s23] =	ssyncset.done $0x0  }
0x92: {  	[sflag:s23] =	ssyncadd.s32 $0xFFFFE780  }
0x93: {  	[bflag:$0x0] =	sbarrier.arrive $0xFFFF  }
0x94: {  	s16 =	simm.s32 $0x0;
	s11 =	rddreg [dreg:$0xa]  }
0x95: {  	[tilespmem:s16], [sflag:$0x5] =	stream.linear.gather [hbm4b:s11+s16], $0x640, $0x38;
	[tilespmem:$0x1A500] =	vst v63  }
0x96: {  	_ =	swait.ge [sflag:s23], $0x640  }
0x97: {  	[sflag:s23] =	ssyncset.done $0x0  }
0x98: {  	[sflag:s23] =	ssyncadd.s32 $0xFFFFF9C0  }
0x99: {  	[tilespmem:s24], [sflag:$0x5] =	stream.linear.gather [hbm4b:s13+s16], $0x640, $0x38;
	[tilespmem:$0x1A500] =	vst v63  }
0x9a: {  	_ =	swait.ge [sflag:s23], $0x640  }
0x9b: {  	[sflag:s23] =	ssyncset.done $0x0  }
0x9c: {  	[sflag:s23] =	ssyncadd.s32 $0xFFFFF9C0  }
0x9d: {  	[tilespmem:s26], [sflag:$0x1] =	stream.indirect.gather [hbm4b:s4+s25], $0x10, s16, s25, $0xb8;
	[tilespmem:$0x1A500] =	vst v63  }
0x9e: {  	_ = 	snop  }
0x9f: {  	[tilespmem:s25], [sflag:$0x5] =	stream.linear.gather [hbm4b:s17+s16], $0x640, $0x38;
	[tilespmem:$0x1A500] =	vst v63  }
0xa0: {  	_ =	swait.ge [sflag:s23], $0x640  }
0xa1: {  	[sflag:s23] =	ssyncset.done $0x0  }
0xa2: {  	[sflag:s23] =	ssyncadd.s32 $0xFFFFF9C0  }
0xa3: {  	[tilespmem:s28], [sflag:$0x5] =	stream.linear.gather [hbm4b:s15+s16], $0x640, $0x38;
	[tilespmem:$0x1A500] =	vst v63  }
0xa4: {  	_ =	swait.ge [sflag:s23], $0x640  }
0xa5: {  	[sflag:s23] =	ssyncset.done $0x0  }
0xa6: {  	[sflag:s23] =	ssyncadd.s32 $0xFFFFF9C0  }
0xa7: {  	[tilespmem:s29], [sflag:$0x2] =	stream.indirect.gather [hbm4b:s4+s25], $0x10, s25, s25, $0xb8;
	[tilespmem:$0x1A500] =	vst v63  }
0xa8: {  	_ =	swait.ge [sflag:s30], $0x6400  }
0xa9: {  	[sflag:s30] =	ssyncset.done $0x0  }
0xaa: {  	[sflag:s30] =	ssyncadd.s32 $0xFFFF9C00  }
0xab: {  	[spmem:s1] =	stream.indirect.scatter.add.f32 [tilespmem:s26], [sflag:$0x3], $0x10, s24, s25, $0xb8;
	[tilespmem:$0x1A500] =	vst v63  }
0xac: {  	_ =	swait.ge [sflag:s31], $0x6400  }
0xad: {  	[sflag:s31] =	ssyncset.done $0x0  }
0xae: {  	[sflag:s31] =	ssyncadd.s32 $0xFFFF9C00  }
0xaf: {  	[spmem:s1] =	stream.indirect.scatter.add.f32 [tilespmem:s29], [sflag:$0x4], $0x10, s28, s25, $0xb8;
	[tilespmem:$0x1A500] =	vst v63  }
0xb0: {  	_ =	swait.ge [sflag:s0], $0x6400  }
0xb1: {  	[sflag:s0] =	ssyncset.done $0x0  }
0xb2: {  	s11 =	sadd.s32 $0x0, s22;
	[sflag:s0] =	ssyncadd.s32 $0xFFFF9C00  }
0xb3: {  	[tilespmem:s2], [sflag:$0x5] =	stream.linear.gather [hbm4b:s11+s2], $0x640, $0x38;
	[tilespmem:$0x1A500] =	vst v63  }
0xb4: {  	_ =	swait.ge [sflag:s23], $0x640  }
0xb5: {  	s12 =	sadd.s32 $0x0, s18;
	[sflag:s23] =	ssyncset.done $0x0  }
0xb6: {  	s14 =	sadd.s32 $0x190, s12;
	[sflag:s23] =	ssyncadd.s32 $0xFFFFF9C0  }
0xb7: {  	[tilespmem:s24], [sflag:$0x5] =	stream.linear.gather [hbm4b:s14+s2], $0x640, $0x38;
	[tilespmem:$0x1A500] =	vst v63  }
0xb8: {  	_ =	swait.ge [sflag:s23], $0x640  }
0xb9: {  	[sflag:s23] =	ssyncset.done $0x0  }
0xba: {  	[sflag:s23] =	ssyncadd.s32 $0xFFFFF9C0  }
0xbb: {  	[tilespmem:s26], [sflag:$0x1] =	stream.indirect.gather [hbm4b:s4+s25], $0x10, s2, s25, $0xb8;
	[tilespmem:$0x1A500] =	vst v63  }
0xbc: {  	_ =	swait.ge [sflag:s3], $0x6400  }
0xbd: {  	[sflag:s3] =	ssyncset.done $0x0  }
0xbe: {  	s16 =	sadd.s32 $0x0, s21;
	[sflag:s3] =	ssyncadd.s32 $0xFFFF9C00  }
0xbf: {  	[tilespmem:s25], [sflag:$0x5] =	stream.linear.gather [hbm4b:s16+s2], $0x640, $0x38;
	[tilespmem:$0x1A500] =	vst v63  }
0xc0: {  	_ =	swait.ge [sflag:s23], $0x640  }
0xc1: {  	[sflag:s23] =	ssyncset.done $0x0  }
0xc2: {  	s10 =	sadd.s32 $0x258, s12;
	[sflag:s23] =	ssyncadd.s32 $0xFFFFF9C0  }
0xc3: {  	[tilespmem:s28], [sflag:$0x5] =	stream.linear.gather [hbm4b:s10+s2], $0x640, $0x38;
	[tilespmem:$0x1A500] =	vst v63  }
0xc4: {  	_ =	swait.ge [sflag:s23], $0x640  }
0xc5: {  	[sflag:s23] =	ssyncset.done $0x0  }
0xc6: {  	[sflag:s23] =	ssyncadd.s32 $0xFFFFF9C0  }
0xc7: {  	[tilespmem:s29], [sflag:$0x2] =	stream.indirect.gather [hbm4b:s4+s25], $0x10, s25, s25, $0xb8;
	[tilespmem:$0x1A500] =	vst v63  }
0xc8: {  	_ =	swait.ge [sflag:s30], $0x6400  }
0xc9: {  	[sflag:s30] =	ssyncset.done $0x0  }
0xca: {  	[sflag:s30] =	ssyncadd.s32 $0xFFFF9C00  }
0xcb: {  	[spmem:s1] =	stream.indirect.scatter.add.f32 [tilespmem:s26], [sflag:$0x3], $0x10, s24, s25, $0xb8;
	[tilespmem:$0x1A500] =	vst v63  }
0xcc: {  	_ =	swait.ge [sflag:s31], $0x6400  }
0xcd: {  	[sflag:s31] =	ssyncset.done $0x0  }
0xce: {  	s10 =	simm.s32 $0x190;
	[sflag:s31] =	ssyncadd.s32 $0xFFFF9C00  }
.LBB2_4:
0xcf: {  	[spmem:s1] =	stream.indirect.scatter.add.f32 [tilespmem:s29], [sflag:$0x4], $0x10, s28, s25, $0xb8;
	[tilespmem:$0x1A500] =	vst v63  }
0xd0: {  	s11 =	smov.u32 s10  }
0xd1: {  	p0 =	sne.s32 s10, $0x15E0;
	s10 =	sadd.s32 $0x190, s10;
	_ =	swait.ge [sflag:s0], $0x6400  }
0xd2: {  	[sflag:s0] =	ssyncset.done $0x0  }
0xd3: {  	s12 =	sadd.s32 s11, s22;
	[sflag:s0] =	ssyncadd.s32 $0xFFFF9C00  }
0xd4: {  	[tilespmem:s2], [sflag:$0x5] =	stream.linear.gather [hbm4b:s12+s2], $0x640, $0x38;
	[tilespmem:$0x1A500] =	vst v63  }
0xd5: {  	_ =	swait.ge [sflag:s23], $0x640  }
0xd6: {  	s12 =	sadd.s32 s11, s18;
	[sflag:s23] =	ssyncset.done $0x0  }
0xd7: {  	s14 =	sadd.s32 $0x190, s12;
	[sflag:s23] =	ssyncadd.s32 $0xFFFFF9C0  }
0xd8: {  	[tilespmem:s24], [sflag:$0x5] =	stream.linear.gather [hbm4b:s14+s2], $0x640, $0x38;
	[tilespmem:$0x1A500] =	vst v63  }
0xd9: {  	_ =	swait.ge [sflag:s23], $0x640  }
0xda: {  	[sflag:s23] =	ssyncset.done $0x0  }
0xdb: {  	[sflag:s23] =	ssyncadd.s32 $0xFFFFF9C0  }
0xdc: {  	[tilespmem:s26], [sflag:$0x1] =	stream.indirect.gather [hbm4b:s4+s25], $0x10, s2, s25, $0xb8;
	[tilespmem:$0x1A500] =	vst v63  }
0xdd: {  	_ =	swait.ge [sflag:s3], $0x6400  }
0xde: {  	[sflag:s3] =	ssyncset.done $0x0  }
0xdf: {  	s11 =	sadd.s32 s11, s21;
	[sflag:s3] =	ssyncadd.s32 $0xFFFF9C00  }
0xe0: {  	[tilespmem:s25], [sflag:$0x5] =	stream.linear.gather [hbm4b:s11+s2], $0x640, $0x38;
	[tilespmem:$0x1A500] =	vst v63  }
0xe1: {  	_ =	swait.ge [sflag:s23], $0x640  }
0xe2: {  	[sflag:s23] =	ssyncset.done $0x0  }
0xe3: {  	s11 =	sadd.s32 $0x258, s12;
	[sflag:s23] =	ssyncadd.s32 $0xFFFFF9C0  }
0xe4: {  	[tilespmem:s28], [sflag:$0x5] =	stream.linear.gather [hbm4b:s11+s2], $0x640, $0x38;
	[tilespmem:$0x1A500] =	vst v63  }
0xe5: {  	_ =	swait.ge [sflag:s23], $0x640  }
0xe6: {  	[sflag:s23] =	ssyncset.done $0x0  }
0xe7: {  	[sflag:s23] =	ssyncadd.s32 $0xFFFFF9C0  }
0xe8: {  	[tilespmem:s29], [sflag:$0x2] =	stream.indirect.gather [hbm4b:s4+s25], $0x10, s25, s25, $0xb8;
	[tilespmem:$0x1A500] =	vst v63  }
0xe9: {  	_ =	swait.ge [sflag:s30], $0x6400  }
0xea: {  	[sflag:s30] =	ssyncset.done $0x0  }
.Ltmp1:
0xeb: {  	[sflag:s30] =	ssyncadd.s32 $0xFFFF9C00;
	(pc) =	sbr.rel @p0 .LBB2_4-.Ltmp1, $4  }
0xec: {  	[spmem:s1] =	stream.indirect.scatter.add.f32 [tilespmem:s26], [sflag:$0x3], $0x10, s24, s25, $0xb8;
	[tilespmem:$0x1A500] =	vst v63  }
0xed: {  	_ =	swait.ge [sflag:s31], $0x6400  }
0xee: {  	[sflag:s31] =	ssyncset.done $0x0  }
0xef: {  	[sflag:s31] =	ssyncadd.s32 $0xFFFF9C00  }
0xf0: {  	[spmem:s1] =	stream.indirect.scatter.add.f32 [tilespmem:s29], [sflag:$0x4], $0x10, s28, s25, $0xb8;
	[tilespmem:$0x1A500] =	vst v63  }
0xf1: {  	_ =	swait.ge [sflag:s0], $0x6400  }
0xf2: {  	[sflag:s0] =	ssyncset.done $0x0  }
0xf3: {  	[sflag:s0] =	ssyncadd.s32 $0xFFFF9C00  }
0xf4: {  	_ =	swait.ge [sflag:s3], $0x6400  }
0xf5: {  	[sflag:s3] =	ssyncset.done $0x0  }
0xf6: {  	[sflag:s3] =	ssyncadd.s32 $0xFFFF9C00  }
0xf7: {  	[bflag:$0x0] =	sbarrier.arrive $0xFFFF  }
0xf8: {  	s10 =	rddreg [dreg:$0x6]  }
0xf9: {  	[hbm:s10], [sflag:s8] =	dma.local [spmem:s9], $0x1880  }
0xfa: {  	_ =	swait.ge [sflag:s23], $0x1880  }
0xfb: {  	s7 =	sadd.s32 $0x1, s7;
	s16 =	rddreg [dreg:$0x7]  }
0xfc: {  	p0 =	sne.s32 s7, s16  }
.Ltmp2:
0xfd: {  	_ = 	snop;
	(pc) =	sbr.rel @p0 .LBB2_1-.Ltmp2, $3  }
0xfe: {  	[sflag:s23] =	ssyncset.done $0x0  }
0xff: {  	[sflag:s23] =	ssyncadd.s32 $0xFFFFE780  }
0x100: {  	[bflag:$0x0] =	sbarrier.arrive $0xFFFF;
	_ =	sdelay $0x1  }
0x101: {  	_ =	sfence.sel $0x180000  }
0x102: {  	[bflag:$0x0] =	sbarrier.arrive $0xFFFF  }
0x103: {  	_ =	strace $0x9000004D  }
0x104: {  	s0 =	stileid.u32;
	[bflag:$0x2] =	sbarrier.arrive $0xFFFF  }
0x105: {  	p0 =	sne.s32 s0, $0x0;
	s0 =	rddreg [dreg:$0x3]  }
0x106: {  	s0 =	sadd.s32 @!p0 $0x100000, s0  }
0x107: {  	[sflag:s0] =	ssyncadd.tile.s32 @!p0 $0x1;
	_ =	shalt  }
.Lfunc_end2:
_tile_overlayer_lowered:
.L_overlay_start_2:
0x108: {  	(tag) =	ssettag $0x2  }
0x109: {  	s0 =	rddreg [dreg:$0x0];
	s2 =	stileid.u32  }
0x10a: {  	s1 =	rddreg [dreg:$0x1];
	p0 =	sne.s32 s2, $0x0  }
0x10b: {  	s3 =	rddreg [dreg:$0x2];
	[bflag:$0x3] =	sbarrier.arrive $0xFFFF;
	s2 =	simm.s32 @!p0 $0x1C05  }
0x10c: {  	[timem:s3], [sflag:s2] =	dma.local @!p0 [hbm:s0], s1  }
0x10d: {  	s0 =	simm.s32 @!p0 $0x5  }
0x10e: {  	_ =	swait.ge @!p0 [sflag:s0], s1  }
0x10f: {  	s1 =	ssub.s32 @!p0 $0x0, s1;
	[sflag:s0] =	ssyncset.done @!p0 $0x0  }
0x110: {  	[sflag:s0] =	ssyncadd.s32 @!p0 s1  }
0x111: {  	[bflag:$0x3] =	sbarrier.arrive $0xFFFF  }
0x112: {  	_ =	shalt  }

// kernel: kernel.7.cloned.1.call-start
scs
__scs_entry_jumppad:
0x0: {  	(pc) =	sbr.rel $0x88, $3  }
0x1: {  	(tag) =	ssettag $0x0;
	lr =	simm.s32 $0x1  }
0x2: {  	[smem:$0x3F9B] =	sst lr;
	_ =	strace $0xD0000000  }
0x3: {  	_ = 	snop  }
0x4: {  	_ = 	snop  }
0x5: {  	_ = 	snop  }
0x6: {  	_ = 	snop  }
0x7: {  	_ = 	snop  }
__scs_overlays_trampoline_lowered:
0x8: {  	[smem:$0x3FAA] =	sst s0  }
0x9: {  	[smem:$0x3FAB] =	sst s1  }
0xa: {  	[smem:$0x3FAC] =	sst s2  }
0xb: {  	[smem:$0x3FAD] =	sst s3  }
0xc: {  	[smem:$0x3FAE] =	sst s4  }
0xd: {  	[smem:$0x3FAF] =	sst s5  }
0xe: {  	[smem:$0x3FB0] =	sst s6  }
0xf: {  	[smem:$0x3FB1] =	sst s7  }
0x10: {  	[smem:$0x3FB2] =	sst s8  }
0x11: {  	[smem:$0x3FB3] =	sst s9;
	s0 =	simm.s32 @!p0 $0x0  }
0x12: {  	s1 =	sld [smem:$0x3F99];
	s0 =	simm.s32 @p0 $0x1  }
0x13: {  	[smem:$0x3FB4] =	sst s0;
	s0 =	simm.s32 @!p1 $0x0  }
0x14: {  	s2 =	sld [smem:$0x3F98];
	s0 =	simm.s32 @p1 $0x1  }
0x15: {  	[smem:$0x3FB5] =	sst s0;
	s0 =	simm.s32 @!p2 $0x0  }
0x16: {  	s3 =	sld [smem:$0x3FDB];
	s0 =	simm.s32 @p2 $0x1  }
0x17: {  	s4 =	simm.s32 $0x1BF5;
	[smem:$0x3FB7] =	sst s0  }
0x18: {  	s0 =	sld [smem:$0x3F9A];
	_ =	swait.ge [sflag:s4], $0x0  }
0x19: {  	s7 =	sld [smem:$0x3F9B]  }
0x1a: {  	s8 =	sadd.s32 $0xFFFFE003, lr  }
0x1b: {  	s9 =	sadd.s32 $0xFFFFFEF7, lr;
	s5 =	simm.s32 $0xFFFFFFFF;
	p2 =	slt.u32 s8, $0xFFFFF086  }
0x1c: {  	p1 =	slt.u32 s9, $0xF7A;
	s5 =	simm.s32 @!p2 $0x0  }
0x1d: {  	s5 =	simm.s32 @p1 $0x1;
	p0 =	seq.s32 s7, s2  }
0x1e: {  	s7 =	smul.u32 @!p0 $0xF7A, s2;
	p2 =	seq.s32 @!p0 s5, $0x0  }
0x1f: {  	s9 =	smul.u32 $0xF7A, s1;
	s8 =	simm.s32 @!p0 $0x1BF5;
	p2 =	por !p2, p0  }
0x20: {  	[sflag:s8] =	ssyncset.s32 @!p0 $0xFFFFF086;
	s6 =	sadd.s32 @!p0 s3, s7;
	s7 =	simm.s32 @!p0 $0x108  }
0x21: {  	s3 =	sadd.s32 s3, s9;
	s6 =	sadd.s32 @!p0 $0x88, s6;
	s7 =	simm.s32 @p2 $0x1082  }
0x22: {  	[simem:s7], [sflag:s8] =	dma.local @!p0 [hbm:s6], $0xF7A  }
0x23: {  	s9 =	sor.u32 $0xD0000000, s2;
	s6 =	simm.s32 $0x108;
	_ =	swait.ge @!p0 [sflag:s8], $0x0  }
0x24: {  	s3 =	sadd.s32 $0x88, s3;
	s6 =	simm.s32 @!p1 $0x1082;
	[sflag:s4] =	ssyncset.s32 $0xFFFFF086  }
0x25: {  	[simem:s6], [sflag:s4] =	dma.local [hbm:s3], $0xF7A  }
0x26: {  	[smem:$0x3F9B] =	sst s1;
	(tag) =	ssettag s2;
	_ =	strace s9  }
0x27: {  	s1 =	sld [smem:$0x3FAB]  }
0x28: {  	s2 =	sld [smem:$0x3FAC]  }
0x29: {  	s4 =	sld [smem:$0x3FAE]  }
0x2a: {  	p0 =	seq.s32 s5, $0x0;
	s5 =	sld [smem:$0x3FAF]  }
0x2b: {  	s6 =	sld [smem:$0x3FB0]  }
0x2c: {  	s7 =	sld [smem:$0x3FB1]  }
0x2d: {  	s3 =	simm.s32 $0x108;
	s8 =	sld [smem:$0x3FB2]  }
0x2e: {  	s3 =	simm.s32 @!p0 $0x1082;
	s9 =	sld [smem:$0x3FB3]  }
0x2f: {  	lr =	sadd.s32 s0, s3;
	s0 =	sld [smem:$0x3FAA]  }
0x30: {  	s3 =	sld [smem:$0x3FAD]  }
0x31: {  	[smem:$0x3FB6] =	sst s10  }
0x32: {  	s10 =	sld [smem:$0x3FB4];
	_ =	sdelay $0x3  }
0x33: {  	p0 =	seq.s32 s10, $0x1;
	s10 =	sld [smem:$0x3FB6];
	_ =	sdelay $0x3  }
0x34: {  	[smem:$0x3FB6] =	sst s10  }
0x35: {  	s10 =	sld [smem:$0x3FB5];
	_ =	sdelay $0x3  }
0x36: {  	p1 =	seq.s32 s10, $0x1;
	s10 =	sld [smem:$0x3FB6];
	_ =	sdelay $0x3  }
0x37: {  	[smem:$0x3FB6] =	sst s10  }
0x38: {  	s10 =	sld [smem:$0x3FB7]  }
0x39: {  	_ = 	snop;
	(pc) =	sbr.ind lr, $3  }
0x3a: {  	_ = 	snop  }
0x3b: {  	_ = 	snop  }
0x3c: {  	p2 =	seq.s32 s10, $0x1;
	s10 =	sld [smem:$0x3FB6]  }
0x3d: {  	_ =	shalt  }
0x3e: {  	_ =	shalt  }
0x3f: {  	_ =	shalt  }
0x40: {  	_ =	shalt  }
0x41: {  	_ =	shalt  }
0x42: {  	_ =	shalt  }
0x43: {  	_ =	shalt  }
0x44: {  	_ =	shalt  }
0x45: {  	_ =	shalt  }
0x46: {  	_ =	shalt  }
0x47: {  	_ =	shalt  }
0x48: {  	_ =	shalt  }
0x49: {  	_ =	shalt  }
0x4a: {  	_ =	shalt  }
0x4b: {  	_ =	shalt  }
0x4c: {  	_ =	shalt  }
0x4d: {  	_ =	shalt  }
0x4e: {  	_ =	shalt  }
0x4f: {  	_ =	shalt  }
0x50: {  	_ =	shalt  }
0x51: {  	_ =	shalt  }
0x52: {  	_ =	shalt  }
0x53: {  	_ =	shalt  }
0x54: {  	_ =	shalt  }
0x55: {  	_ =	shalt  }
0x56: {  	_ =	shalt  }
0x57: {  	_ =	shalt  }
0x58: {  	_ =	shalt  }
0x59: {  	_ =	shalt  }
0x5a: {  	_ =	shalt  }
0x5b: {  	_ =	shalt  }
0x5c: {  	_ =	shalt  }
0x5d: {  	_ =	shalt  }
0x5e: {  	_ =	shalt  }
0x5f: {  	_ =	shalt  }
0x60: {  	_ =	shalt  }
0x61: {  	_ =	shalt  }
0x62: {  	_ =	shalt  }
0x63: {  	_ =	shalt  }
0x64: {  	_ =	shalt  }
0x65: {  	_ =	shalt  }
0x66: {  	_ =	shalt  }
0x67: {  	_ =	shalt  }
0x68: {  	_ =	shalt  }
0x69: {  	_ =	shalt  }
0x6a: {  	_ =	shalt  }
0x6b: {  	_ =	shalt  }
0x6c: {  	_ =	shalt  }
0x6d: {  	_ =	shalt  }
0x6e: {  	_ =	shalt  }
0x6f: {  	_ =	shalt  }
0x70: {  	_ =	shalt  }
0x71: {  	_ =	shalt  }
0x72: {  	_ =	shalt  }
0x73: {  	_ =	shalt  }
0x74: {  	_ =	shalt  }
0x75: {  	_ =	shalt  }
0x76: {  	_ =	shalt  }
0x77: {  	_ =	shalt  }
0x78: {  	_ =	shalt  }
0x79: {  	_ =	shalt  }
0x7a: {  	_ =	shalt  }
0x7b: {  	_ =	shalt  }
0x7c: {  	_ =	shalt  }
0x7d: {  	_ =	shalt  }
0x7e: {  	_ =	shalt  }
0x7f: {  	_ =	shalt  }
0x80: {  	_ =	shalt  }
0x81: {  	_ =	shalt  }
0x82: {  	_ =	shalt  }
0x83: {  	_ =	shalt  }
0x84: {  	_ =	shalt  }
0x85: {  	_ =	shalt  }
0x86: {  	_ =	shalt  }
0x87: {  	_ =	shalt  }
.Lfunc_end0:
.L_simem_size_0:
called_computation_lowered:
.L_overlay_start_0:
0x88: {  	s2 =	sld [smem:$0x3FD9]  }
0x89: {  	s3 =	sld [smem:$0x3FFE];
	_ =	sdelay $0x1  }
0x8a: {  	s1 =	srdreg.scid  }
0x8b: {  	s0 =	sand.u32 $0x1, s1  }
0x8c: {  	s17 =	sshll.u32 s0, $0xA;
	s2 =	sadd.s32 s3, s2  }
0x8d: {  	s2 =	sadd.s32 s2, s17  }
0x8e: {  	[smem:$0x3FC2] =	sst s2  }
0x8f: {  	_ = 	snop  }
0x90: {  	s2 =	sld [smem:$0x3FD0];
	(tm) =	ssettm $0x1  }
0x91: {  	s18 =	sld [smem:$0x3FFB];
	_ =	sdelay $0x3  }
0x92: {  	_ =	strace s18  }
0x93: {  	s3 =	sld [smem:$0x3FFC];
	_ =	sdelay $0x3  }
0x94: {  	_ =	strace s3  }
0x95: {  	s3 =	sld [smem:$0x3FFD];
	_ =	sdelay $0x3  }
0x96: {  	_ =	strace s3  }
0x97: {  	_ =	strace $0x8FFFFFFF  }
0x98: {  	s19 =	sld [smem:$0x3FDB];
	_ =	sdelay $0x1  }
0x99: {  	s4 =	simm.s32 $_scs_section_size  }
0x9a: {  	s5 =	simm.s32 $_size__tile_overlayer_lowered;
	s6 =	simm.s32 $_tile_overlayer_lowered  }
0x9b: {  	s22 =	simm.s32 $0x1BFF;
	s21 =	sshll.u32 s6, $0x1;
	s3 =	sadd.s32 s4, s19  }
0x9c: {  	s7 =	simm.s32 $0x0;
	s20 =	sshll.u32 s5, $0x1;
	s5 =	sadd.s32 s21, s3  }
0x9d: {  	[timem:s7], [sflag:s22] =	dma.local [hbm:s5], s20  }
0x9e: {  	_ =	swait.ge [sflag:s22], s20  }
0x9f: {  	s4 =	ssub.s32 $0x0, s20;
	[sflag:s22] =	ssyncset.done $0x0  }
0xa0: {  	[sflag:s22] =	ssyncadd.s32 s4;
	_ =	sdelay $0x1  }
0xa1: {  	s23 =	simm.s32 $0x1B8B  }
0xa2: {  	_ =	swait.ge [sflag:s23], $0x1  }
0xa3: {  	[sflag:s23] =	ssyncset.done $0x0  }
0xa4: {  	s25 =	simm.s32 $0x1B8E;
	s24 =	sld [smem:$0x3FFE];
	[sflag:s23] =	ssyncadd.s32 $0xFFFFFFFF  }
0xa5: {  	s26 =	simm.s32 $execute0_lowered;
	[smem:$0x3FD2] =	sst s25  }
0xa6: {  	s5 =	sshll.u32 s26, $0x1;
	_ =	strace $0x80000046;
	[dreg:$0x1] =	wrdreg $0xFFFFFFFF  }
0xa7: {  	s28 =	simm.s32 $_size_execute0_lowered;
	s3 =	sadd.s32 s3, s5;
	[dreg:$0x0] =	wrdreg $0x0  }
0xa8: {  	s5 =	sshll.u32 s28, $0x1;
	[dreg:$0x2] =	wrdreg s3  }
0xa9: {  	[dreg:$0x3] =	wrdreg s5  }
0xaa: {  	[dreg:$0x4] =	wrdreg $0xC0  }
0xab: {  	_ =	task [dreg:s7], $0x5FFFF  }
0xac: {  	[dreg:$0x1] =	wrdreg $0xFFFFFFFF  }
0xad: {  	[dreg:$0x0] =	wrdreg $0x60  }
0xae: {  	[dreg:$0x2] =	wrdreg s2  }
0xaf: {  	[dreg:$0x3] =	wrdreg s24  }
0xb0: {  	[dreg:$0x4] =	wrdreg $0x8000  }
0xb1: {  	[dreg:$0x5] =	wrdreg $0x9  }
0xb2: {  	_ =	task.clear_ibuf [dreg:s7], $0x6FFFF;
	_ =	strace $0x90000046  }
0xb3: {  	s29 =	simm.s32 $0x9;
	_ =	strace $0x80000048  }
0xb4: {  	_ =	swait.ge [sflag:s29], $0x1  }
0xb5: {  	[sflag:s29] =	ssyncadd.s32 $0xFFFFFFFF  }
0xb6: {  	_ =	strace $0x90000048  }
0xb7: {  	_ =	sfence  }
0xb8: {  	s30 =	sld [smem:$0x0];
	_ =	sdelay $0x2  }
0xb9: {  	s31 =	sshll.u32 s1, $0xD;
	s1 =	sshrl.u32 s1, $0x2  }
0xba: {  	s3 =	sand.u32 $0x4000, s31;
	s1 =	sadd.s32 s1, s30  }
0xbb: {  	s0 =	sor.u32 s3, s0;
	s1 =	sshll.u32 s1, $0x11  }
0xbc: {  	s0 =	sor.u32 s1, s0  }
0xbd: {  	s0 =	sadd.s32 $0x8F2B, s0  }
0xbe: {  	[sflag:s0] =	ssyncadd.remote.s32 $0x1  }
0xbf: {  	_ =	sfence.sel $0xFFFF  }
0xc0: {  	[dreg:$0x0] =	wrdreg $0xFFFFFFFF;
	(pc) =	sbr.abs _section_cstart, $3  }
0xc1: {  	[dreg:$0x1] =	wrdreg $0xFFFFFFFF  }
0xc2: {  	_ =	task.clear_ibuf [dreg:s7], $0x2FFFF;
	_ =	strace $0x9FFFFFFF  }
0xc3: {  	(tm) =	ssettm $0x7FFFFFFF  }
tec
execute0_lowered:
.L_overlay_start_1:
0x0: {  	(tag) =	ssettag $0x1  }
0x1: {  	s9 =	rddreg [dreg:$0x0]  }
0x2: {  	s6 =	rddreg [dreg:$0x1]  }
0x3: {  	s2 =	rddreg [dreg:$0x2]  }
0x4: {  	s0 =	rddreg [dreg:$0x3];
	s3 =	simm.s32 $0x0;
	s1 =	stileid.u32  }
0x5: {  	s4 =	srdreg.scid;
	s14 =	simm.s32 $0x100;
	s15 =	simm.s32 $0x180  }
0x6: {  	s16 =	simm.s32 $0x200;
	s17 =	simm.s32 $0x280;
	s18 =	simm.s32 $0x300  }
0x7: {  	s19 =	simm.s32 $0x380;
	s20 =	simm.s32 $0x0;
	s7 =	smul.u32 $0xC40, s1  }
0x8: {  	[smem:$0x7FF] =	sst s3;
	s8 =	sand.u32 $0x1, s4;
	s10 =	smul.u32 $0x18800, s1  }
0x9: {  	s4 =	sadd.s32 $0x5C00, s6;
	s5 =	sadd.s32 $0x5E00, s6;
	s12 =	smul.u32 $0xC800, s1  }
0xa: {  	s30 =	sshll.u32 s1, $0x6;
	_ =	strace $0x80000047;
	s11 =	smul.u32 $0xC400, s8  }
0xb: {  	s29 =	ssub.s32 $0x2, s8;
	s8 =	smul.u32 $0x6400, s8;
	s7 =	sadd.s32 s7, s6  }
0xc: {  	s13 =	sshrl.u32 s29, $0x1;
	s10 =	sshrl.u32 s10, $0x2;
	s6 =	sor.u32 $0x1C01, s30  }
0xd: {  	s13 =	ssub.s32 s29, s13;
	s10 =	sadd.s32 s10, s2;
	s7 =	sadd.s32 s11, s7  }
0xe: {  	s31 =	sadd.s32 s8, s12;
	s12 =	simm.s32 $0x400;
	s7 =	sadd.s32 $0x6C00, s7  }
0xf: {  	s8 =	smax.u32 s13, $0x1;
	s11 =	sshrl.u32 s31, $0x3;
	s10 =	sshrl.u32 s10, $0x3  }
0x10: {  	s13 =	simm.s32 $0x80;
	s9 =	sadd.s32 s11, s9;
	s11 =	simm.s32 $0x1  }
.LBB2_1:
0x11: {  	[spmem:s10], [sflag:s6] =	dma.local [hbm:s5], $0xC40  }
0x12: {  	_ =	swait.ge [sflag:s11], $0xC40  }
0x13: {  	[sflag:s11] =	ssyncset.done $0x0  }
0x14: {  	[sflag:s11] =	ssyncadd.s32 $0xFFFFF3C0  }
0x15: {  	[tilespmem:s12], [sflag:$0x1] =	stream.linear.gather [hbm4b:s4+s3], $0x400, $0x38;
	[tilespmem:$0x6A00] =	vst v63  }
0x16: {  	_ =	swait.ge [sflag:s11], $0x400  }
0x17: {  	[sflag:s11] =	ssyncset.done $0x0  }
0x18: {  	[sflag:s11] =	ssyncadd.s32 $0xFFFFFC00  }
0x19: {  	s21 =	sadd.s32 $0x0, s9;
	[bflag:$0x0] =	sbarrier.arrive $0xFFFF  }
0x1a: {  	[tilespmem:s3], [sflag:$0x1] =	stream.linear.gather [hbm4b:s21+s3], $0x400, $0x38;
	[tilespmem:$0x6A00] =	vst v63  }
0x1b: {  	_ =	swait.ge [sflag:s11], $0x400  }
0x1c: {  	[sflag:s11] =	ssyncset.done $0x0  }
0x1d: {  	[sflag:s11] =	ssyncadd.s32 $0xFFFFFC00  }
0x1e: {  	[spmem:s2] =	stream.indirect.scatter.add.f32 [tilespmem:s12], [sflag:$0x1], $0x8, s3, s13, $0xb8;
	[tilespmem:$0x6A00] =	vst v63  }
0x1f: {  	_ =	swait.ge [sflag:s11], $0x400  }
0x20: {  	[sflag:s11] =	ssyncset.done $0x0  }
0x21: {  	[sflag:s11] =	ssyncadd.s32 $0xFFFFFC00  }
0x22: {  	[spmem:s2] =	stream.indirect.scatter.add.f32 [tilespmem:s12], [sflag:$0x1], $0x8, s13, s13, $0xb8;
	[tilespmem:$0x6A00] =	vst v63  }
0x23: {  	_ =	swait.ge [sflag:s11], $0x400  }
0x24: {  	[sflag:s11] =	ssyncset.done $0x0  }
0x25: {  	[sflag:s11] =	ssyncadd.s32 $0xFFFFFC00  }
0x26: {  	[spmem:s2] =	stream.indirect.scatter.add.f32 [tilespmem:s12], [sflag:$0x1], $0x8, s14, s13, $0xb8;
	[tilespmem:$0x6A00] =	vst v63  }
0x27: {  	_ =	swait.ge [sflag:s11], $0x400  }
0x28: {  	[sflag:s11] =	ssyncset.done $0x0  }
0x29: {  	[sflag:s11] =	ssyncadd.s32 $0xFFFFFC00  }
0x2a: {  	[spmem:s2] =	stream.indirect.scatter.add.f32 [tilespmem:s12], [sflag:$0x1], $0x8, s15, s13, $0xb8;
	[tilespmem:$0x6A00] =	vst v63  }
0x2b: {  	_ =	swait.ge [sflag:s11], $0x400  }
0x2c: {  	[sflag:s11] =	ssyncset.done $0x0  }
0x2d: {  	[sflag:s11] =	ssyncadd.s32 $0xFFFFFC00  }
0x2e: {  	[spmem:s2] =	stream.indirect.scatter.add.f32 [tilespmem:s12], [sflag:$0x1], $0x8, s16, s13, $0xb8;
	[tilespmem:$0x6A00] =	vst v63  }
0x2f: {  	_ =	swait.ge [sflag:s11], $0x400  }
0x30: {  	[sflag:s11] =	ssyncset.done $0x0  }
0x31: {  	[sflag:s11] =	ssyncadd.s32 $0xFFFFFC00  }
0x32: {  	[spmem:s2] =	stream.indirect.scatter.add.f32 [tilespmem:s12], [sflag:$0x1], $0x8, s17, s13, $0xb8;
	[tilespmem:$0x6A00] =	vst v63  }
0x33: {  	_ =	swait.ge [sflag:s11], $0x400  }
0x34: {  	[sflag:s11] =	ssyncset.done $0x0  }
0x35: {  	[sflag:s11] =	ssyncadd.s32 $0xFFFFFC00  }
0x36: {  	[spmem:s2] =	stream.indirect.scatter.add.f32 [tilespmem:s12], [sflag:$0x1], $0x8, s18, s13, $0xb8;
	[tilespmem:$0x6A00] =	vst v63  }
0x37: {  	_ =	swait.ge [sflag:s11], $0x400  }
0x38: {  	[sflag:s11] =	ssyncset.done $0x0  }
0x39: {  	[sflag:s11] =	ssyncadd.s32 $0xFFFFFC00  }
0x3a: {  	[spmem:s2] =	stream.indirect.scatter.add.f32 [tilespmem:s12], [sflag:$0x1], $0x8, s19, s13, $0xb8;
	[tilespmem:$0x6A00] =	vst v63  }
0x3b: {  	_ =	swait.ge [sflag:s11], $0x400  }
0x3c: {  	s23 =	simm.s32 $0x100;
	s21 =	simm.s32 $0x80;
	[sflag:s11] =	ssyncset.done $0x0  }
.LBB2_2:
0x3d: {  	s24 =	sadd.s32 s21, s9  }
0x3e: {  	[sflag:s11] =	ssyncadd.s32 $0xFFFFFC00;
	s21 =	smov.u32 s23;
	s22 =	sadd.s32 $0x80, s23  }
0x3f: {  	[tilespmem:s3], [sflag:$0x1] =	stream.linear.gather [hbm4b:s24+s3], $0x400, $0x38;
	[tilespmem:$0x6A00] =	vst v63  }
0x40: {  	p0 =	sne.s32 s23, $0xC00;
	_ =	swait.ge [sflag:s11], $0x400  }
0x41: {  	[sflag:s11] =	ssyncset.done $0x0  }
0x42: {  	[sflag:s11] =	ssyncadd.s32 $0xFFFFFC00  }
0x43: {  	[spmem:s2] =	stream.indirect.scatter.add.f32 [tilespmem:s12], [sflag:$0x1], $0x8, s3, s13, $0xb8;
	[tilespmem:$0x6A00] =	vst v63  }
0x44: {  	_ =	swait.ge [sflag:s11], $0x400  }
0x45: {  	[sflag:s11] =	ssyncset.done $0x0  }
0x46: {  	[sflag:s11] =	ssyncadd.s32 $0xFFFFFC00  }
0x47: {  	[spmem:s2] =	stream.indirect.scatter.add.f32 [tilespmem:s12], [sflag:$0x1], $0x8, s13, s13, $0xb8;
	[tilespmem:$0x6A00] =	vst v63  }
0x48: {  	_ =	swait.ge [sflag:s11], $0x400  }
0x49: {  	[sflag:s11] =	ssyncset.done $0x0  }
0x4a: {  	[sflag:s11] =	ssyncadd.s32 $0xFFFFFC00  }
0x4b: {  	[spmem:s2] =	stream.indirect.scatter.add.f32 [tilespmem:s12], [sflag:$0x1], $0x8, s14, s13, $0xb8;
	[tilespmem:$0x6A00] =	vst v63  }
0x4c: {  	_ =	swait.ge [sflag:s11], $0x400  }
0x4d: {  	[sflag:s11] =	ssyncset.done $0x0  }
0x4e: {  	[sflag:s11] =	ssyncadd.s32 $0xFFFFFC00  }
0x4f: {  	[spmem:s2] =	stream.indirect.scatter.add.f32 [tilespmem:s12], [sflag:$0x1], $0x8, s15, s13, $0xb8;
	[tilespmem:$0x6A00] =	vst v63  }
0x50: {  	_ =	swait.ge [sflag:s11], $0x400  }
0x51: {  	[sflag:s11] =	ssyncset.done $0x0  }
0x52: {  	[sflag:s11] =	ssyncadd.s32 $0xFFFFFC00  }
0x53: {  	[spmem:s2] =	stream.indirect.scatter.add.f32 [tilespmem:s12], [sflag:$0x1], $0x8, s16, s13, $0xb8;
	[tilespmem:$0x6A00] =	vst v63  }
0x54: {  	_ =	swait.ge [sflag:s11], $0x400  }
0x55: {  	[sflag:s11] =	ssyncset.done $0x0  }
0x56: {  	[sflag:s11] =	ssyncadd.s32 $0xFFFFFC00  }
0x57: {  	[spmem:s2] =	stream.indirect.scatter.add.f32 [tilespmem:s12], [sflag:$0x1], $0x8, s17, s13, $0xb8;
	[tilespmem:$0x6A00] =	vst v63  }
0x58: {  	_ =	swait.ge [sflag:s11], $0x400  }
0x59: {  	[sflag:s11] =	ssyncset.done $0x0  }
0x5a: {  	[sflag:s11] =	ssyncadd.s32 $0xFFFFFC00  }
0x5b: {  	[spmem:s2] =	stream.indirect.scatter.add.f32 [tilespmem:s12], [sflag:$0x1], $0x8, s18, s13, $0xb8;
	[tilespmem:$0x6A00] =	vst v63  }
0x5c: {  	_ =	swait.ge [sflag:s11], $0x400  }
.Ltmp0:
0x5d: {  	[sflag:s11] =	ssyncset.done $0x0;
	(pc) =	sbr.rel @p0 .LBB2_2-.Ltmp0, $4  }
0x5e: {  	[sflag:s11] =	ssyncadd.s32 $0xFFFFFC00  }
0x5f: {  	[spmem:s2] =	stream.indirect.scatter.add.f32 [tilespmem:s12], [sflag:$0x1], $0x8, s19, s13, $0xb8;
	[tilespmem:$0x6A00] =	vst v63  }
0x60: {  	_ =	swait.ge [sflag:s11], $0x400  }
0x61: {  	s23 =	smov.u32 s22;
	[sflag:s11] =	ssyncset.done $0x0  }
0x62: {  	s21 =	sadd.s32 s21, s9;
	[sflag:s11] =	ssyncadd.s32 $0xFFFFFC00  }
0x63: {  	[tilespmem:s3], [sflag:$0x1] =	stream.linear.gather [hbm4b:s21+s3], $0x400, $0x38;
	[tilespmem:$0x6A00] =	vst v63  }
0x64: {  	_ =	swait.ge [sflag:s11], $0x400  }
0x65: {  	[sflag:s11] =	ssyncset.done $0x0  }
0x66: {  	[sflag:s11] =	ssyncadd.s32 $0xFFFFFC00  }
0x67: {  	[spmem:s2] =	stream.indirect.scatter.add.f32 [tilespmem:s12], [sflag:$0x1], $0x8, s3, s13, $0xb8;
	[tilespmem:$0x6A00] =	vst v63  }
0x68: {  	_ =	swait.ge [sflag:s11], $0x400  }
0x69: {  	[sflag:s11] =	ssyncset.done $0x0  }
0x6a: {  	[sflag:s11] =	ssyncadd.s32 $0xFFFFFC00  }
0x6b: {  	[spmem:s2] =	stream.indirect.scatter.add.f32 [tilespmem:s12], [sflag:$0x1], $0x8, s13, s13, $0xb8;
	[tilespmem:$0x6A00] =	vst v63  }
0x6c: {  	_ =	swait.ge [sflag:s11], $0x400  }
0x6d: {  	[sflag:s11] =	ssyncset.done $0x0  }
0x6e: {  	[sflag:s11] =	ssyncadd.s32 $0xFFFFFC00  }
0x6f: {  	[spmem:s2] =	stream.indirect.scatter.add.f32 [tilespmem:s12], [sflag:$0x1], $0x8, s14, s13, $0xb8;
	[tilespmem:$0x6A00] =	vst v63  }
0x70: {  	_ =	swait.ge [sflag:s11], $0x400  }
0x71: {  	[sflag:s11] =	ssyncset.done $0x0  }
0x72: {  	[sflag:s11] =	ssyncadd.s32 $0xFFFFFC00  }
0x73: {  	[spmem:s2] =	stream.indirect.scatter.add.f32 [tilespmem:s12], [sflag:$0x1], $0x8, s15, s13, $0xb8;
	[tilespmem:$0x6A00] =	vst v63  }
0x74: {  	_ =	swait.ge [sflag:s11], $0x400  }
0x75: {  	[sflag:s11] =	ssyncset.done $0x0  }
0x76: {  	[sflag:s11] =	ssyncadd.s32 $0xFFFFFC00  }
0x77: {  	[spmem:s2] =	stream.indirect.scatter.add.f32 [tilespmem:s12], [sflag:$0x1], $0x8, s16, s13, $0xb8;
	[tilespmem:$0x6A00] =	vst v63  }
0x78: {  	_ =	swait.ge [sflag:s11], $0x400  }
0x79: {  	[sflag:s11] =	ssyncset.done $0x0  }
0x7a: {  	[sflag:s11] =	ssyncadd.s32 $0xFFFFFC00  }
0x7b: {  	[spmem:s2] =	stream.indirect.scatter.add.f32 [tilespmem:s12], [sflag:$0x1], $0x8, s17, s13, $0xb8;
	[tilespmem:$0x6A00] =	vst v63  }
0x7c: {  	_ =	swait.ge [sflag:s11], $0x400  }
0x7d: {  	[sflag:s11] =	ssyncset.done $0x0  }
0x7e: {  	[sflag:s11] =	ssyncadd.s32 $0xFFFFFC00  }
0x7f: {  	[spmem:s2] =	stream.indirect.scatter.add.f32 [tilespmem:s12], [sflag:$0x1], $0x8, s18, s13, $0xb8;
	[tilespmem:$0x6A00] =	vst v63  }
0x80: {  	_ =	swait.ge [sflag:s11], $0x400  }
0x81: {  	[sflag:s11] =	ssyncset.done $0x0  }
0x82: {  	[sflag:s11] =	ssyncadd.s32 $0xFFFFFC00  }
0x83: {  	[spmem:s2] =	stream.indirect.scatter.add.f32 [tilespmem:s12], [sflag:$0x1], $0x8, s19, s13, $0xb8;
	[tilespmem:$0x6A00] =	vst v63  }
0x84: {  	_ =	swait.ge [sflag:s11], $0x400  }
0x85: {  	s20 =	sadd.s32 $0x1, s20;
	[sflag:s11] =	ssyncset.done $0x0  }
0x86: {  	p0 =	sne.s32 s20, s8;
	[sflag:s11] =	ssyncadd.s32 $0xFFFFFC00  }
.Ltmp1:
0x87: {  	[bflag:$0x0] =	sbarrier.arrive $0xFFFF;
	(pc) =	sbr.rel @p0 .LBB2_1-.Ltmp1, $4  }
0x88: {  	[hbm:s7], [sflag:s6] =	dma.local [spmem:s10], $0xC40  }
0x89: {  	_ =	swait.ge [sflag:s11], $0xC40  }
0x8a: {  	[sflag:s11] =	ssyncset.done $0x0  }
0x8b: {  	[sflag:s11] =	ssyncadd.s32 $0xFFFFF3C0  }
0x8c: {  	_ =	sfence.sel $0x180000  }
0x8d: {  	[bflag:$0x0] =	sbarrier.arrive $0xFFFF  }
0x8e: {  	p0 =	sne.s32 s1, $0x0;
	_ =	strace $0x90000047  }
0x8f: {  	s0 =	sadd.s32 @!p0 $0x100000, s0;
	[bflag:$0x2] =	sbarrier.arrive $0xFFFF  }
0x90: {  	[sflag:s0] =	ssyncadd.tile.s32 @!p0 $0x1;
	_ =	shalt  }
.Lfunc_end2:
_tile_overlayer_lowered:
.L_overlay_start_2:
0x91: {  	(tag) =	ssettag $0x2  }
0x92: {  	s0 =	rddreg [dreg:$0x0];
	s2 =	stileid.u32  }
0x93: {  	s1 =	rddreg [dreg:$0x1];
	p0 =	sne.s32 s2, $0x0  }
0x94: {  	s3 =	rddreg [dreg:$0x2];
	[bflag:$0x3] =	sbarrier.arrive $0xFFFF;
	s2 =	simm.s32 @!p0 $0x1C01  }
0x95: {  	[timem:s3], [sflag:s2] =	dma.local @!p0 [hbm:s0], s1  }
0x96: {  	s0 =	simm.s32 @!p0 $0x1  }
0x97: {  	_ =	swait.ge @!p0 [sflag:s0], s1  }
0x98: {  	s1 =	ssub.s32 @!p0 $0x0, s1;
	[sflag:s0] =	ssyncset.done @!p0 $0x0  }
0x99: {  	[sflag:s0] =	ssyncadd.s32 @!p0 s1  }
0x9a: {  	[bflag:$0x3] =	sbarrier.arrive $0xFFFF  }
0x9b: {  	_ =	shalt  }

</sc_bundles>
